<compile_context>
chip_gen: v7x
topology: tpu7x:2x2x1
jax: 0.10.2.dev20260603
libtpu: 0.0.44.dev20260713+nightly
codegen_flags: <defaults>
</compile_context>

<pallas_src>
import functools
import jax
import jax.numpy as jnp
from jax import lax
from jax.experimental import pallas as pl
from jax.experimental.pallas import tpu as pltpu
from jax.experimental.pallas import tpu_sc as plsc

N = 10000
E = 320000
D = 128
NC = 2
NS = 16
NW = NC * NS
EPW = E // NW
C = 100
NCH = EPW // C
NB = 3
M = 6
UWB = 624


def _seg_sum_body(eidx_hbm, table_hbm, zeros_hbm, out_hbm, *scr):
    acc_sh = scr[0]
    idx = scr[1:1 + M]
    rows = scr[1 + M:1 + M + NB]
    semz = scr[1 + M + NB]
    semi = scr[2 + M + NB:2 + 2 * M + NB]
    semg = scr[2 + 2 * M + NB:2 + 2 * M + 2 * NB]
    sems = scr[2 + 2 * M + 2 * NB:2 + 2 * M + 3 * NB]

    cid = lax.axis_index("c")
    sid = lax.axis_index("s")
    wid = cid * NS + sid
    row0 = sid * UWB

    @pl.when(sid < NS - 1)
    def _zero():
        pltpu.async_copy(zeros_hbm.at[pl.ds(0, UWB)],
                         acc_sh.at[pl.ds(row0, UWB)], semz)

    @pl.when(sid == NS - 1)
    def _zero_tail():
        pltpu.async_copy(zeros_hbm, acc_sh.at[pl.ds(row0, UWB + 16)], semz)

    for k in range(NB):
        pltpu.async_copy(eidx_hbm.at[pl.ds(0, 2), wid, k], idx[k], semi[k])

    def _wait_idx(ch_static, b):
        pltpu.make_async_copy(eidx_hbm.at[pl.ds(0, 2), wid, ch_static], idx[b],
                              semi[b]).wait()

    @pl.when(sid < NS - 1)
    def _zero_wait():
        pltpu.make_async_copy(zeros_hbm.at[pl.ds(0, UWB)],
                              acc_sh.at[pl.ds(row0, UWB)], semz).wait()

    @pl.when(sid == NS - 1)
    def _zero_tail_wait():
        pltpu.make_async_copy(zeros_hbm,
                              acc_sh.at[pl.ds(row0, UWB + 16)], semz).wait()

    for b in range(NB - 1):
        _wait_idx(b, b)
        pltpu.async_copy(table_hbm.at[idx[b].at[0]], rows[b], semg[b])

    plsc.subcore_barrier()

    def _chunk(ch, b, i8):
        pltpu.make_async_copy(table_hbm.at[idx[i8].at[0]], rows[b],
                              semg[b]).wait()
        pltpu.async_copy(rows[b], acc_sh.at[idx[i8].at[1]], sems[b],
                         add=True)

        @pl.when(ch + NB < NCH)
        def _():
            i_n = (i8 + NB) % M
            pltpu.async_copy(eidx_hbm.at[pl.ds(0, 2), wid, ch + NB], idx[i_n], semi[i_n])

        @pl.when(ch + NB - 1 < NCH)
        def _():
            b2 = (b + NB - 1) % NB
            @pl.when(ch >= 1)
            def _():
                pltpu.make_async_copy(rows[b2], acc_sh.at[idx[0].at[1]],
                                      sems[b2]).wait()
            i2 = (i8 + NB - 1) % M
            pltpu.make_async_copy(eidx_hbm.at[pl.ds(0, 2), wid, 0], idx[i2],
                                  semi[i2]).wait()
            pltpu.async_copy(table_hbm.at[idx[i2].at[0]], rows[b2], semg[b2])

    @pl.loop(0, NCH // M)
    def _edges(g):
        ch0 = M * g
        for j in range(M):
            _chunk(ch0 + j, j % NB, j)

    for ch in range(NCH - NCH % M, NCH):
        _chunk(jnp.int32(ch), ch % NB, ch % M)

    for b in range(NB):
        pltpu.make_async_copy(rows[b], acc_sh.at[idx[0].at[1]],
                              sems[b]).wait()

    plsc.subcore_barrier()

    @pl.when(sid < NS - 1)
    def _wb():
        pltpu.sync_copy(acc_sh.at[pl.ds(row0, UWB)],
                        out_hbm.at[cid, pl.ds(row0, UWB)])

    @pl.when(sid == NS - 1)
    def _wb_tail():
        pltpu.sync_copy(acc_sh.at[pl.ds(row0, UWB + 16)],
                        out_hbm.at[cid, pl.ds(row0, UWB + 16)])


@functools.cache
def _make_seg_sum():
  return pl.kernel(
    _seg_sum_body,
    out_type=jax.ShapeDtypeStruct((NC, N, D), jnp.float32),
    mesh=plsc.VectorSubcoreMesh(core_axis_name="c", subcore_axis_name="s",
                                num_cores=NC, num_subcores=NS),
    scratch_types=(
        [pltpu.VMEM_SHARED((N, D), jnp.float32)]
        + [pltpu.VMEM((2, C), jnp.int32) for _ in range(M)]
        + [pltpu.VMEM((C, D), jnp.float32) for _ in range(NB)]
        + [pltpu.SemaphoreType.DMA] * (1 + M + NB + NB)
    ),
  )



BLK = 1000
GRID = N // BLK


def _layer1_body(p0, p1, x, w_rel, b_rel, w_root, out):
    agg = p0[...] + p1[...]
    h = (jnp.dot(agg, w_rel[...], preferred_element_type=jnp.float32)
         + jnp.dot(x[...], w_root[...], preferred_element_type=jnp.float32)
         + b_rel[...])
    out[...] = jnp.maximum(h, 0.0)


_layer1 = pl.pallas_call(
    _layer1_body,
    grid=(GRID,),
    in_specs=[
        pl.BlockSpec((BLK, D), lambda i: (i, 0)),
        pl.BlockSpec((BLK, D), lambda i: (i, 0)),
        pl.BlockSpec((BLK, D), lambda i: (i, 0)),
        pl.BlockSpec((D, D), lambda i: (0, 0)),
        pl.BlockSpec((1, D), lambda i: (0, 0)),
        pl.BlockSpec((D, D), lambda i: (0, 0)),
    ],
    out_specs=pl.BlockSpec((BLK, D), lambda i: (i, 0)),
    out_shape=jax.ShapeDtypeStruct((N, D), jnp.float32),
)


def _layer2_body(p0, p1, h1, w_rel, b_rel, w_root, w_count, b_count,
                 w_jet, b_jet, cnt_out, props_out, acc):
    i = pl.program_id(0)
    agg = p0[...] + p1[...]
    h = (jnp.dot(agg, w_rel[...], preferred_element_type=jnp.float32)
         + jnp.dot(h1[...], w_root[...], preferred_element_type=jnp.float32)
         + b_rel[...])
    h = jnp.maximum(h, 0.0)
    blk_sum = jnp.sum(h, axis=0, keepdims=True)

    @pl.when(i == 0)
    def _():
        acc[...] = jnp.zeros_like(acc)

    acc[...] += blk_sum

    @pl.when(i == GRID - 1)
    def _():
        pooled = acc[...] / float(N)
        cnt = jnp.dot(pooled, w_count[...],
                      preferred_element_type=jnp.float32) + b_count[...]
        cnt_out[...] = jnp.round(jnp.clip(cnt, 0.0, 20.0))
        props = jnp.dot(pooled, w_jet[...],
                        preferred_element_type=jnp.float32) + b_jet[...]
        props_out[...] = jnp.broadcast_to(props, (3, 5))


_layer2 = pl.pallas_call(
    _layer2_body,
    grid=(GRID,),
    in_specs=[
        pl.BlockSpec((BLK, D), lambda i: (i, 0)),
        pl.BlockSpec((BLK, D), lambda i: (i, 0)),
        pl.BlockSpec((BLK, D), lambda i: (i, 0)),
        pl.BlockSpec((D, D), lambda i: (0, 0)),
        pl.BlockSpec((1, D), lambda i: (0, 0)),
        pl.BlockSpec((D, D), lambda i: (0, 0)),
        pl.BlockSpec((D, 1), lambda i: (0, 0)),
        pl.BlockSpec((1, 1), lambda i: (0, 0)),
        pl.BlockSpec((D, 5), lambda i: (0, 0)),
        pl.BlockSpec((1, 5), lambda i: (0, 0)),
    ],
    out_specs=[
        pl.BlockSpec((1, 1), lambda i: (0, 0)),
        pl.BlockSpec((3, 5), lambda i: (0, 0)),
    ],
    out_shape=[
        jax.ShapeDtypeStruct((1, 1), jnp.float32),
        jax.ShapeDtypeStruct((3, 5), jnp.float32),
    ],
    scratch_shapes=[pltpu.VMEM((1, D), jnp.float32)],
)


@jax.jit
def kernel(x, edge_index, batch, W1_rel, b1_rel, W1_root, W2_rel, b2_rel,
           W2_root, W_count, b_count, W_jet, b_jet):
    eidx = edge_index.reshape(2, NW, NCH, C)
    zeros = jnp.zeros((UWB + 16, D), jnp.float32)

    _seg_sum = _make_seg_sum()
    parts1 = _seg_sum(eidx, x, zeros)
    h1 = _layer1(parts1[0], parts1[1], x, W1_rel, b1_rel.reshape(1, D),
                 W1_root)
    parts2 = _seg_sum(eidx, h1, zeros)
    jet_count, jet_properties = _layer2(
        parts2[0], parts2[1], h1, W2_rel, b2_rel.reshape(1, D), W2_root,
        W_count, b_count.reshape(1, 1), W_jet, b_jet.reshape(1, 5))
    return (jet_count, jet_properties)

# --- scband reference (transcript-rebuilt; emitter-appended) ---
"""Pipeline reference for scband-jet-predictor-gnn-9045201125598 (READ-ONLY COPY).

The authoritative reference and input builder live on the scoring server;
editing this copy changes nothing except your own understanding.
"""

import jax, jax.numpy as jnp
import numpy as np

N = 10000
E = 320000
D_IN = 128
D_H = 128
P = 5


def setup_inputs(seed: int = 0):
    key = jax.random.key(seed)
    ks = jax.random.split(key, 10)
    x = jax.random.normal(ks[0], (N, D_IN), dtype=jnp.float32)
    edge_index = jax.random.randint(ks[1], (2, E), 0, N, dtype=jnp.int32)
    batch = jnp.zeros((N,), dtype=jnp.int32)
    s1 = 1.0 / np.sqrt(D_IN)
    s2 = 1.0 / np.sqrt(D_H)
    W1_rel = jax.random.uniform(ks[2], (D_IN, D_H), jnp.float32, -s1, s1)
    b1_rel = jax.random.uniform(ks[3], (D_H,), jnp.float32, -s1, s1)
    W1_root = jax.random.uniform(ks[4], (D_IN, D_H), jnp.float32, -s1, s1)
    W2_rel = jax.random.uniform(ks[5], (D_H, D_H), jnp.float32, -s2, s2)
    b2_rel = jax.random.uniform(ks[6], (D_H,), jnp.float32, -s2, s2)
    W2_root = jax.random.uniform(ks[7], (D_H, D_H), jnp.float32, -s2, s2)
    W_count = jnp.zeros((D_H, 1), jnp.float32)
    b_count = jnp.array([3.0], jnp.float32)
    W_jet = jax.random.uniform(ks[8], (D_H, P), jnp.float32, -s2, s2)
    b_jet = jax.random.uniform(ks[9], (P,), jnp.float32, -s2, s2)
    return {"x": x, "edge_index": edge_index, "batch": batch,
            "W1_rel": W1_rel, "b1_rel": b1_rel, "W1_root": W1_root,
            "W2_rel": W2_rel, "b2_rel": b2_rel, "W2_root": W2_root,
            "W_count": W_count, "b_count": b_count,
            "W_jet": W_jet, "b_jet": b_jet}


def graph_conv(x, src, dst, W_rel, b_rel, W_root):
    # PyG GraphConv (aggr='add'): out = lin_rel(sum_{j in N(i)} x_j) + lin_root(x_i)
    agg = jax.ops.segment_sum(x[src], dst, num_segments=x.shape[0])
    return agg @ W_rel + b_rel + x @ W_root


def reference(x, edge_index, batch, W1_rel, b1_rel, W1_root, W2_rel, b2_rel, W2_root, W_count, b_count, W_jet, b_jet):
    src = edge_index[0]
    dst = edge_index[1]
    h = jax.nn.relu(graph_conv(x, src, dst, W1_rel, b1_rel, W1_root))
    h = jax.nn.relu(graph_conv(h, src, dst, W2_rel, b2_rel, W2_root))
    num_graphs = 1
    sums = jax.ops.segment_sum(h, batch, num_segments=num_graphs)
    cnt = jax.ops.segment_sum(jnp.ones((h.shape[0], 1), h.dtype), batch, num_segments=num_graphs)
    pooled = sums / jnp.clip(cnt, 1.0, None)
    jet_count = jnp.round(jnp.clip(pooled @ W_count + b_count, 0.0, 20.0))
    c = 3
    jet_props_single = pooled @ W_jet + b_jet
    jet_properties = jnp.stack([jet_props_single] * c).squeeze()
    return (jet_count, jet_properties)

if __name__ == "__main__":
    import jax
    _d = setup_inputs()
    print(jax.jit(kernel)(*tuple(_d.values())))

</pallas_src>

<mosaic_0001>
#map = affine_map<(d0, d1) -> (0, 0, 0, 0)>
#map1 = affine_map<(d0, d1) -> (0, 0)>
#map2 = affine_map<(d0, d1) -> (0, 0, 0)>
module attributes {stable_mosaic.version = 14 : i64} {
  func.func @_seg_sum_body(%arg0: i32, %arg1: i32, %arg2: memref<2x32x100x100xi32, #tpu.memory_space<hbm>>, %arg3: memref<10000x128xf32, #tpu.memory_space<hbm>>, %arg4: memref<640x128xf32, #tpu.memory_space<hbm>>, %arg5: memref<2x10000x128xf32, #tpu.memory_space<hbm>>, %arg6: memref<10000x128xf32, #tpu.memory_space<vmem_shared>>, %arg7: memref<2x100xi32, #tpu.memory_space<vmem>>, %arg8: memref<2x100xi32, #tpu.memory_space<vmem>>, %arg9: memref<2x100xi32, #tpu.memory_space<vmem>>, %arg10: memref<2x100xi32, #tpu.memory_space<vmem>>, %arg11: memref<2x100xi32, #tpu.memory_space<vmem>>, %arg12: memref<2x100xi32, #tpu.memory_space<vmem>>, %arg13: memref<100x128xf32, #tpu.memory_space<vmem>>, %arg14: memref<100x128xf32, #tpu.memory_space<vmem>>, %arg15: memref<100x128xf32, #tpu.memory_space<vmem>>, %arg16: memref<!tpu.dma_semaphore, #tpu.memory_space<semaphore_mem>>, %arg17: memref<!tpu.dma_semaphore, #tpu.memory_space<semaphore_mem>>, %arg18: memref<!tpu.dma_semaphore, #tpu.memory_space<semaphore_mem>>, %arg19: memref<!tpu.dma_semaphore, #tpu.memory_space<semaphore_mem>>, %arg20: memref<!tpu.dma_semaphore, #tpu.memory_space<semaphore_mem>>, %arg21: memref<!tpu.dma_semaphore, #tpu.memory_space<semaphore_mem>>, %arg22: memref<!tpu.dma_semaphore, #tpu.memory_space<semaphore_mem>>, %arg23: memref<!tpu.dma_semaphore, #tpu.memory_space<semaphore_mem>>, %arg24: memref<!tpu.dma_semaphore, #tpu.memory_space<semaphore_mem>>, %arg25: memref<!tpu.dma_semaphore, #tpu.memory_space<semaphore_mem>>, %arg26: memref<!tpu.dma_semaphore, #tpu.memory_space<semaphore_mem>>, %arg27: memref<!tpu.dma_semaphore, #tpu.memory_space<semaphore_mem>>, %arg28: memref<!tpu.dma_semaphore, #tpu.memory_space<semaphore_mem>>) attributes {dimension_semantics = [#tpu.dimension_semantics<core_parallel>, #tpu.dimension_semantics<subcore_parallel>], iteration_bounds = array<i64: 2, 16>, scalar_prefetch = 0 : i64, scratch_operands = 23 : i64, tpu.core_type = #tpu.core_type<sc_vector_subcore>, window_params = [{transform_indices = #map}, {transform_indices = #map1}, {transform_indices = #map1}, {transform_indices = #map2}]} {
    %mul3A = arith.constant 16 : i32
    %mul3A_0 = arith.muli %arg0, %mul3A : i32
    %add3A = arith.addi %mul3A_0, %arg1 : i32
    %mul3A_1 = arith.constant 624 : i32
    %mul3A_2 = arith.muli %arg1, %mul3A_1 : i32
    %lt3A = arith.constant 15 : i32
    %lt3A_3 = arith.cmpi slt, %arg1, %lt3A : i32
    %convert_element_type3A = arith.extui %lt3A_3 : i1 to i32
    %cond3A = arith.constant 0 : i32
    %cond3A_4 = arith.cmpi ne, %convert_element_type3A, %cond3A : i32
    scf.if %cond3A_4 {
      %dma_start3A_247 = arith.constant 0 : i32
      %dma_start3A_248 = tpu.memref_slice %arg6[%mul3A_2, %dma_start3A_247] : memref<10000x128xf32, #tpu.memory_space<vmem_shared>> -> memref<624x128xf32, #tpu.memory_space<vmem_shared>>
      %dma_start3A_249 = arith.constant 0 : i32
      %dma_start3A_250 = arith.constant 0 : i32
      %dma_start3A_251 = tpu.memref_slice %arg4[%dma_start3A_249, %dma_start3A_250] : memref<640x128xf32, #tpu.memory_space<hbm>> -> memref<624x128xf32, #tpu.memory_space<hbm>>
      tpu.enqueue_dma source(%dma_start3A_251 : memref<624x128xf32, #tpu.memory_space<hbm>>) target(%dma_start3A_248 : memref<624x128xf32, #tpu.memory_space<vmem_shared>>) target_semaphore(%arg16 : memref<!tpu.dma_semaphore, #tpu.memory_space<semaphore_mem>>)
    } else {
    }
    %eq3A = arith.constant 15 : i32
    %eq3A_5 = arith.cmpi eq, %arg1, %eq3A : i32
    %convert_element_type3A_6 = arith.extui %eq3A_5 : i1 to i32
    %cond3A_7 = arith.constant 0 : i32
    %cond3A_8 = arith.cmpi ne, %convert_element_type3A_6, %cond3A_7 : i32
    scf.if %cond3A_8 {
      %dma_start3A_247 = arith.constant 0 : i32
      %dma_start3A_248 = tpu.memref_slice %arg6[%mul3A_2, %dma_start3A_247] : memref<10000x128xf32, #tpu.memory_space<vmem_shared>> -> memref<640x128xf32, #tpu.memory_space<vmem_shared>>
      tpu.enqueue_dma source(%arg4 : memref<640x128xf32, #tpu.memory_space<hbm>>) target(%dma_start3A_248 : memref<640x128xf32, #tpu.memory_space<vmem_shared>>) target_semaphore(%arg16 : memref<!tpu.dma_semaphore, #tpu.memory_space<semaphore_mem>>)
    } else {
    }
    %dma_start3A = arith.constant 0 : i32
    %dma_start3A_9 = arith.constant 0 : i32
    %dma_start3A_10 = arith.constant 0 : i32
    %dma_start3A_11 = tpu.memref_slice %arg2[%dma_start3A_9, %add3A, %dma_start3A, %dma_start3A_10] : memref<2x32x100x100xi32, #tpu.memory_space<hbm>> -> memref<2x1x1x100xi32, #tpu.memory_space<hbm>>
    %dma_start3A_12 = tpu.memref_squeeze %dma_start3A_11 : memref<2x1x1x100xi32, #tpu.memory_space<hbm>> -> memref<2x100xi32, #tpu.memory_space<hbm>>
    %dma_start3A_13 = arith.constant 0 : i32
    %dma_start3A_14 = arith.constant 0 : i32
    %dma_start3A_15 = tpu.memref_slice %arg2[%dma_start3A_13, %add3A, %dma_start3A, %dma_start3A_14] : memref<2x32x100x100xi32, #tpu.memory_space<hbm>> -> memref<2x1x1x100xi32, #tpu.memory_space<hbm>>
    %dma_start3A_16 = tpu.memref_squeeze %dma_start3A_15 : memref<2x1x1x100xi32, #tpu.memory_space<hbm>> -> memref<2x100xi32, #tpu.memory_space<hbm>>
    tpu.enqueue_dma source(%dma_start3A_16 : memref<2x100xi32, #tpu.memory_space<hbm>>) target(%arg7 : memref<2x100xi32, #tpu.memory_space<vmem>>) target_semaphore(%arg17 : memref<!tpu.dma_semaphore, #tpu.memory_space<semaphore_mem>>)
    %dma_start3A_17 = arith.constant 1 : i32
    %dma_start3A_18 = arith.constant 0 : i32
    %dma_start3A_19 = arith.constant 0 : i32
    %dma_start3A_20 = tpu.memref_slice %arg2[%dma_start3A_18, %add3A, %dma_start3A_17, %dma_start3A_19] : memref<2x32x100x100xi32, #tpu.memory_space<hbm>> -> memref<2x1x1x100xi32, #tpu.memory_space<hbm>>
    %dma_start3A_21 = tpu.memref_squeeze %dma_start3A_20 : memref<2x1x1x100xi32, #tpu.memory_space<hbm>> -> memref<2x100xi32, #tpu.memory_space<hbm>>
    %dma_start3A_22 = arith.constant 0 : i32
    %dma_start3A_23 = arith.constant 0 : i32
    %dma_start3A_24 = tpu.memref_slice %arg2[%dma_start3A_22, %add3A, %dma_start3A_17, %dma_start3A_23] : memref<2x32x100x100xi32, #tpu.memory_space<hbm>> -> memref<2x1x1x100xi32, #tpu.memory_space<hbm>>
    %dma_start3A_25 = tpu.memref_squeeze %dma_start3A_24 : memref<2x1x1x100xi32, #tpu.memory_space<hbm>> -> memref<2x100xi32, #tpu.memory_space<hbm>>
    tpu.enqueue_dma source(%dma_start3A_25 : memref<2x100xi32, #tpu.memory_space<hbm>>) target(%arg8 : memref<2x100xi32, #tpu.memory_space<vmem>>) target_semaphore(%arg18 : memref<!tpu.dma_semaphore, #tpu.memory_space<semaphore_mem>>)
    %dma_start3A_26 = arith.constant 2 : i32
    %dma_start3A_27 = arith.constant 0 : i32
    %dma_start3A_28 = arith.constant 0 : i32
    %dma_start3A_29 = tpu.memref_slice %arg2[%dma_start3A_27, %add3A, %dma_start3A_26, %dma_start3A_28] : memref<2x32x100x100xi32, #tpu.memory_space<hbm>> -> memref<2x1x1x100xi32, #tpu.memory_space<hbm>>
    %dma_start3A_30 = tpu.memref_squeeze %dma_start3A_29 : memref<2x1x1x100xi32, #tpu.memory_space<hbm>> -> memref<2x100xi32, #tpu.memory_space<hbm>>
    %dma_start3A_31 = arith.constant 0 : i32
    %dma_start3A_32 = arith.constant 0 : i32
    %dma_start3A_33 = tpu.memref_slice %arg2[%dma_start3A_31, %add3A, %dma_start3A_26, %dma_start3A_32] : memref<2x32x100x100xi32, #tpu.memory_space<hbm>> -> memref<2x1x1x100xi32, #tpu.memory_space<hbm>>
    %dma_start3A_34 = tpu.memref_squeeze %dma_start3A_33 : memref<2x1x1x100xi32, #tpu.memory_space<hbm>> -> memref<2x100xi32, #tpu.memory_space<hbm>>
    tpu.enqueue_dma source(%dma_start3A_34 : memref<2x100xi32, #tpu.memory_space<hbm>>) target(%arg9 : memref<2x100xi32, #tpu.memory_space<vmem>>) target_semaphore(%arg19 : memref<!tpu.dma_semaphore, #tpu.memory_space<semaphore_mem>>)
    %lt3A_35 = arith.constant 15 : i32
    %lt3A_36 = arith.cmpi slt, %arg1, %lt3A_35 : i32
    %convert_element_type3A_37 = arith.extui %lt3A_36 : i1 to i32
    %cond3A_38 = arith.constant 0 : i32
    %cond3A_39 = arith.cmpi ne, %convert_element_type3A_37, %cond3A_38 : i32
    scf.if %cond3A_39 {
      %dma_wait3A_247 = arith.constant 0 : i32
      %dma_wait3A_248 = tpu.memref_slice %arg6[%mul3A_2, %dma_wait3A_247] : memref<10000x128xf32, #tpu.memory_space<vmem_shared>> -> memref<624x128xf32, #tpu.memory_space<vmem_shared>>
      %dma_wait3A_249 = arith.constant 0 : i32
      %dma_wait3A_250 = arith.constant 0 : i32
      %dma_wait3A_251 = tpu.memref_slice %arg4[%dma_wait3A_249, %dma_wait3A_250] : memref<640x128xf32, #tpu.memory_space<hbm>> -> memref<624x128xf32, #tpu.memory_space<hbm>>
      tpu.wait_dma2 semaphore(%arg16 : memref<!tpu.dma_semaphore, #tpu.memory_space<semaphore_mem>>) src(%dma_wait3A_251 : memref<624x128xf32, #tpu.memory_space<hbm>>) dst(%dma_wait3A_248 : memref<624x128xf32, #tpu.memory_space<vmem_shared>>)
    } else {
    }
    %eq3A_40 = arith.constant 15 : i32
    %eq3A_41 = arith.cmpi eq, %arg1, %eq3A_40 : i32
    %convert_element_type3A_42 = arith.extui %eq3A_41 : i1 to i32
    %cond3A_43 = arith.constant 0 : i32
    %cond3A_44 = arith.cmpi ne, %convert_element_type3A_42, %cond3A_43 : i32
    scf.if %cond3A_44 {
      %dma_wait3A_247 = arith.constant 0 : i32
      %dma_wait3A_248 = tpu.memref_slice %arg6[%mul3A_2, %dma_wait3A_247] : memref<10000x128xf32, #tpu.memory_space<vmem_shared>> -> memref<640x128xf32, #tpu.memory_space<vmem_shared>>
      tpu.wait_dma2 semaphore(%arg16 : memref<!tpu.dma_semaphore, #tpu.memory_space<semaphore_mem>>) src(%arg4 : memref<640x128xf32, #tpu.memory_space<hbm>>) dst(%dma_wait3A_248 : memref<640x128xf32, #tpu.memory_space<vmem_shared>>)
    } else {
    }
    %dma_wait3A = arith.constant 0 : i32
    %dma_wait3A_45 = arith.constant 0 : i32
    %dma_wait3A_46 = arith.constant 0 : i32
    %dma_wait3A_47 = tpu.memref_slice %arg2[%dma_wait3A_45, %add3A, %dma_wait3A, %dma_wait3A_46] : memref<2x32x100x100xi32, #tpu.memory_space<hbm>> -> memref<2x1x1x100xi32, #tpu.memory_space<hbm>>
    %dma_wait3A_48 = tpu.memref_squeeze %dma_wait3A_47 : memref<2x1x1x100xi32, #tpu.memory_space<hbm>> -> memref<2x100xi32, #tpu.memory_space<hbm>>
    %dma_wait3A_49 = arith.constant 0 : i32
    %dma_wait3A_50 = arith.constant 0 : i32
    %dma_wait3A_51 = tpu.memref_slice %arg2[%dma_wait3A_49, %add3A, %dma_wait3A, %dma_wait3A_50] : memref<2x32x100x100xi32, #tpu.memory_space<hbm>> -> memref<2x1x1x100xi32, #tpu.memory_space<hbm>>
    %dma_wait3A_52 = tpu.memref_squeeze %dma_wait3A_51 : memref<2x1x1x100xi32, #tpu.memory_space<hbm>> -> memref<2x100xi32, #tpu.memory_space<hbm>>
    tpu.wait_dma2 semaphore(%arg17 : memref<!tpu.dma_semaphore, #tpu.memory_space<semaphore_mem>>) src(%dma_wait3A_52 : memref<2x100xi32, #tpu.memory_space<hbm>>) dst(%arg7 : memref<2x100xi32, #tpu.memory_space<vmem>>)
    %dma_start3A_53 = arith.constant 0 : i32
    %dma_start3A_54 = arith.constant 0 : i32
    %dma_start3A_55 = tpu.memref_slice %arg7[%dma_start3A_53, %dma_start3A_54] : memref<2x100xi32, #tpu.memory_space<vmem>> -> memref<1x100xi32, #tpu.memory_space<vmem>>
    %dma_start3A_56 = tpu.memref_squeeze %dma_start3A_55 : memref<1x100xi32, #tpu.memory_space<vmem>> -> memref<100xi32, #tpu.memory_space<vmem>>
    %dma_start3A_57 = arith.constant 0 : i32
    %dma_start3A_58 = arith.constant 0 : i32
    %dma_start3A_59 = tpu.memref_slice %arg3[%dma_start3A_57, %dma_start3A_58] : memref<10000x128xf32, #tpu.memory_space<hbm>> -> memref<10000x128xf32, #tpu.memory_space<hbm>>
    tpu.enqueue_indirect_dma source(%dma_start3A_59 : memref<10000x128xf32, #tpu.memory_space<hbm>>) target(%arg13 : memref<100x128xf32, #tpu.memory_space<vmem>>) offsets(%dma_start3A_56 : memref<100xi32, #tpu.memory_space<vmem>>) semaphore(%arg23 : memref<!tpu.dma_semaphore, #tpu.memory_space<semaphore_mem>>)
    %dma_wait3A_60 = arith.constant 1 : i32
    %dma_wait3A_61 = arith.constant 0 : i32
    %dma_wait3A_62 = arith.constant 0 : i32
    %dma_wait3A_63 = tpu.memref_slice %arg2[%dma_wait3A_61, %add3A, %dma_wait3A_60, %dma_wait3A_62] : memref<2x32x100x100xi32, #tpu.memory_space<hbm>> -> memref<2x1x1x100xi32, #tpu.memory_space<hbm>>
    %dma_wait3A_64 = tpu.memref_squeeze %dma_wait3A_63 : memref<2x1x1x100xi32, #tpu.memory_space<hbm>> -> memref<2x100xi32, #tpu.memory_space<hbm>>
    %dma_wait3A_65 = arith.constant 0 : i32
    %dma_wait3A_66 = arith.constant 0 : i32
    %dma_wait3A_67 = tpu.memref_slice %arg2[%dma_wait3A_65, %add3A, %dma_wait3A_60, %dma_wait3A_66] : memref<2x32x100x100xi32, #tpu.memory_space<hbm>> -> memref<2x1x1x100xi32, #tpu.memory_space<hbm>>
    %dma_wait3A_68 = tpu.memref_squeeze %dma_wait3A_67 : memref<2x1x1x100xi32, #tpu.memory_space<hbm>> -> memref<2x100xi32, #tpu.memory_space<hbm>>
    tpu.wait_dma2 semaphore(%arg18 : memref<!tpu.dma_semaphore, #tpu.memory_space<semaphore_mem>>) src(%dma_wait3A_68 : memref<2x100xi32, #tpu.memory_space<hbm>>) dst(%arg8 : memref<2x100xi32, #tpu.memory_space<vmem>>)
    %dma_start3A_69 = arith.constant 0 : i32
    %dma_start3A_70 = arith.constant 0 : i32
    %dma_start3A_71 = tpu.memref_slice %arg8[%dma_start3A_69, %dma_start3A_70] : memref<2x100xi32, #tpu.memory_space<vmem>> -> memref<1x100xi32, #tpu.memory_space<vmem>>
    %dma_start3A_72 = tpu.memref_squeeze %dma_start3A_71 : memref<1x100xi32, #tpu.memory_space<vmem>> -> memref<100xi32, #tpu.memory_space<vmem>>
    %dma_start3A_73 = arith.constant 0 : i32
    %dma_start3A_74 = arith.constant 0 : i32
    %dma_start3A_75 = tpu.memref_slice %arg3[%dma_start3A_73, %dma_start3A_74] : memref<10000x128xf32, #tpu.memory_space<hbm>> -> memref<10000x128xf32, #tpu.memory_space<hbm>>
    tpu.enqueue_indirect_dma source(%dma_start3A_75 : memref<10000x128xf32, #tpu.memory_space<hbm>>) target(%arg14 : memref<100x128xf32, #tpu.memory_space<vmem>>) offsets(%dma_start3A_72 : memref<100xi32, #tpu.memory_space<vmem>>) semaphore(%arg24 : memref<!tpu.dma_semaphore, #tpu.memory_space<semaphore_mem>>)
    %barrier3A = arith.constant 0 : index
    tpu.barrier barrier_id(%barrier3A)
    %scan3A = arith.constant 0 : i32
    %scan3A_76 = arith.constant 16 : i32
    %scan3A_77 = arith.addi %scan3A, %scan3A_76 : i32
    %scan3A_78 = arith.constant 1 : i32
    scf.for %scan3A_247 = %scan3A to %scan3A_77 step %scan3A_78  : i32 {
      %mul3A_248 = arith.constant 1 : i32
      %mul3A_249 = arith.muli %scan3A_247, %mul3A_248 : i32
      %add3A_250 = arith.constant 0 : i32
      %add3A_251 = arith.addi %add3A_250, %mul3A_249 : i32
      %mul3A_252 = arith.constant 6 : i32
      %mul3A_253 = arith.muli %mul3A_252, %add3A_251 : i32
      %add3A_254 = arith.constant 0 : i32
      %add3A_255 = arith.addi %mul3A_253, %add3A_254 : i32
      %dma_wait3A_256 = arith.constant 0 : i32
      %dma_wait3A_257 = arith.constant 0 : i32
      %dma_wait3A_258 = tpu.memref_slice %arg7[%dma_wait3A_256, %dma_wait3A_257] : memref<2x100xi32, #tpu.memory_space<vmem>> -> memref<1x100xi32, #tpu.memory_space<vmem>>
      %dma_wait3A_259 = tpu.memref_squeeze %dma_wait3A_258 : memref<1x100xi32, #tpu.memory_space<vmem>> -> memref<100xi32, #tpu.memory_space<vmem>>
      %dma_wait3A_260 = arith.constant 0 : i32
      %dma_wait3A_261 = arith.constant 0 : i32
      %dma_wait3A_262 = tpu.memref_slice %arg3[%dma_wait3A_260, %dma_wait3A_261] : memref<10000x128xf32, #tpu.memory_space<hbm>> -> memref<10000x128xf32, #tpu.memory_space<hbm>>
      tpu.wait_indirect_dma semaphore(%arg23 : memref<!tpu.dma_semaphore, #tpu.memory_space<semaphore_mem>>) src(%dma_wait3A_262 : memref<10000x128xf32, #tpu.memory_space<hbm>>) dst(%arg13 : memref<100x128xf32, #tpu.memory_space<vmem>>)
      %dma_start3A_263 = arith.constant 1 : i32
      %dma_start3A_264 = arith.constant 0 : i32
      %dma_start3A_265 = tpu.memref_slice %arg7[%dma_start3A_263, %dma_start3A_264] : memref<2x100xi32, #tpu.memory_space<vmem>> -> memref<1x100xi32, #tpu.memory_space<vmem>>
      %dma_start3A_266 = tpu.memref_squeeze %dma_start3A_265 : memref<1x100xi32, #tpu.memory_space<vmem>> -> memref<100xi32, #tpu.memory_space<vmem>>
      %dma_start3A_267 = arith.constant 0 : i32
      %dma_start3A_268 = arith.constant 0 : i32
      %dma_start3A_269 = tpu.memref_slice %arg6[%dma_start3A_267, %dma_start3A_268] : memref<10000x128xf32, #tpu.memory_space<vmem_shared>> -> memref<10000x128xf32, #tpu.memory_space<vmem_shared>>
      tpu.enqueue_indirect_dma source(%arg13 : memref<100x128xf32, #tpu.memory_space<vmem>>) target(%dma_start3A_269 : memref<10000x128xf32, #tpu.memory_space<vmem_shared>>) offsets(%dma_start3A_266 : memref<100xi32, #tpu.memory_space<vmem>>) semaphore(%arg26 : memref<!tpu.dma_semaphore, #tpu.memory_space<semaphore_mem>>) {add = true}
      %add3A_270 = arith.constant 3 : i32
      %add3A_271 = arith.addi %add3A_255, %add3A_270 : i32
      %lt3A_272 = arith.constant 100 : i32
      %lt3A_273 = arith.cmpi slt, %add3A_271, %lt3A_272 : i32
      %convert_element_type3A_274 = arith.extui %lt3A_273 : i1 to i32
      %cond3A_275 = arith.constant 0 : i32
      %cond3A_276 = arith.cmpi ne, %convert_element_type3A_274, %cond3A_275 : i32
      scf.if %cond3A_276 {
        %add3A_446 = arith.constant 3 : i32
        %add3A_447 = arith.addi %add3A_255, %add3A_446 : i32
        %dma_start3A_448 = arith.constant 0 : i32
        %dma_start3A_449 = arith.constant 0 : i32
        %dma_start3A_450 = tpu.memref_slice %arg2[%dma_start3A_448, %add3A, %add3A_447, %dma_start3A_449] : memref<2x32x100x100xi32, #tpu.memory_space<hbm>> -> memref<2x1x1x100xi32, #tpu.memory_space<hbm>>
        %dma_start3A_451 = tpu.memref_squeeze %dma_start3A_450 : memref<2x1x1x100xi32, #tpu.memory_space<hbm>> -> memref<2x100xi32, #tpu.memory_space<hbm>>
        %dma_start3A_452 = arith.constant 0 : i32
        %dma_start3A_453 = arith.constant 0 : i32
        %dma_start3A_454 = tpu.memref_slice %arg2[%dma_start3A_452, %add3A, %add3A_447, %dma_start3A_453] : memref<2x32x100x100xi32, #tpu.memory_space<hbm>> -> memref<2x1x1x100xi32, #tpu.memory_space<hbm>>
        %dma_start3A_455 = tpu.memref_squeeze %dma_start3A_454 : memref<2x1x1x100xi32, #tpu.memory_space<hbm>> -> memref<2x100xi32, #tpu.memory_space<hbm>>
        tpu.enqueue_dma source(%dma_start3A_455 : memref<2x100xi32, #tpu.memory_space<hbm>>) target(%arg10 : memref<2x100xi32, #tpu.memory_space<vmem>>) target_semaphore(%arg20 : memref<!tpu.dma_semaphore, #tpu.memory_space<semaphore_mem>>)
      } else {
      }
      %add3A_277 = arith.constant 3 : i32
      %add3A_278 = arith.addi %add3A_255, %add3A_277 : i32
      %sub3A_279 = arith.constant 1 : i32
      %sub3A_280 = arith.subi %add3A_278, %sub3A_279 : i32
      %lt3A_281 = arith.constant 100 : i32
      %lt3A_282 = arith.cmpi slt, %sub3A_280, %lt3A_281 : i32
      %convert_element_type3A_283 = arith.extui %lt3A_282 : i1 to i32
      %cond3A_284 = arith.constant 0 : i32
      %cond3A_285 = arith.cmpi ne, %convert_element_type3A_283, %cond3A_284 : i32
      scf.if %cond3A_285 {
        %ge3A = arith.constant 1 : i32
        %ge3A_446 = arith.cmpi sge, %add3A_255, %ge3A : i32
        %convert_element_type3A_447 = arith.extui %ge3A_446 : i1 to i32
        %cond3A_448 = arith.constant 0 : i32
        %cond3A_449 = arith.cmpi ne, %convert_element_type3A_447, %cond3A_448 : i32
        scf.if %cond3A_449 {
          %dma_wait3A_466 = arith.constant 1 : i32
          %dma_wait3A_467 = arith.constant 0 : i32
          %dma_wait3A_468 = tpu.memref_slice %arg7[%dma_wait3A_466, %dma_wait3A_467] : memref<2x100xi32, #tpu.memory_space<vmem>> -> memref<1x100xi32, #tpu.memory_space<vmem>>
          %dma_wait3A_469 = tpu.memref_squeeze %dma_wait3A_468 : memref<1x100xi32, #tpu.memory_space<vmem>> -> memref<100xi32, #tpu.memory_space<vmem>>
          %dma_wait3A_470 = arith.constant 0 : i32
          %dma_wait3A_471 = arith.constant 0 : i32
          %dma_wait3A_472 = tpu.memref_slice %arg6[%dma_wait3A_470, %dma_wait3A_471] : memref<10000x128xf32, #tpu.memory_space<vmem_shared>> -> memref<10000x128xf32, #tpu.memory_space<vmem_shared>>
          tpu.wait_indirect_dma semaphore(%arg28 : memref<!tpu.dma_semaphore, #tpu.memory_space<semaphore_mem>>) src(%arg15 : memref<100x128xf32, #tpu.memory_space<vmem>>) dst(%dma_wait3A_472 : memref<10000x128xf32, #tpu.memory_space<vmem_shared>>)
        } else {
        }
        %dma_wait3A_450 = arith.constant 0 : i32
        %dma_wait3A_451 = arith.constant 0 : i32
        %dma_wait3A_452 = arith.constant 0 : i32
        %dma_wait3A_453 = tpu.memref_slice %arg2[%dma_wait3A_451, %add3A, %dma_wait3A_450, %dma_wait3A_452] : memref<2x32x100x100xi32, #tpu.memory_space<hbm>> -> memref<2x1x1x100xi32, #tpu.memory_space<hbm>>
        %dma_wait3A_454 = tpu.memref_squeeze %dma_wait3A_453 : memref<2x1x1x100xi32, #tpu.memory_space<hbm>> -> memref<2x100xi32, #tpu.memory_space<hbm>>
        %dma_wait3A_455 = arith.constant 0 : i32
        %dma_wait3A_456 = arith.constant 0 : i32
        %dma_wait3A_457 = tpu.memref_slice %arg2[%dma_wait3A_455, %add3A, %dma_wait3A_450, %dma_wait3A_456] : memref<2x32x100x100xi32, #tpu.memory_space<hbm>> -> memref<2x1x1x100xi32, #tpu.memory_space<hbm>>
        %dma_wait3A_458 = tpu.memref_squeeze %dma_wait3A_457 : memref<2x1x1x100xi32, #tpu.memory_space<hbm>> -> memref<2x100xi32, #tpu.memory_space<hbm>>
        tpu.wait_dma2 semaphore(%arg19 : memref<!tpu.dma_semaphore, #tpu.memory_space<semaphore_mem>>) src(%dma_wait3A_458 : memref<2x100xi32, #tpu.memory_space<hbm>>) dst(%arg9 : memref<2x100xi32, #tpu.memory_space<vmem>>)
        %dma_start3A_459 = arith.constant 0 : i32
        %dma_start3A_460 = arith.constant 0 : i32
        %dma_start3A_461 = tpu.memref_slice %arg9[%dma_start3A_459, %dma_start3A_460] : memref<2x100xi32, #tpu.memory_space<vmem>> -> memref<1x100xi32, #tpu.memory_space<vmem>>
        %dma_start3A_462 = tpu.memref_squeeze %dma_start3A_461 : memref<1x100xi32, #tpu.memory_space<vmem>> -> memref<100xi32, #tpu.memory_space<vmem>>
        %dma_start3A_463 = arith.constant 0 : i32
        %dma_start3A_464 = arith.constant 0 : i32
        %dma_start3A_465 = tpu.memref_slice %arg3[%dma_start3A_463, %dma_start3A_464] : memref<10000x128xf32, #tpu.memory_space<hbm>> -> memref<10000x128xf32, #tpu.memory_space<hbm>>
        tpu.enqueue_indirect_dma source(%dma_start3A_465 : memref<10000x128xf32, #tpu.memory_space<hbm>>) target(%arg15 : memref<100x128xf32, #tpu.memory_space<vmem>>) offsets(%dma_start3A_462 : memref<100xi32, #tpu.memory_space<vmem>>) semaphore(%arg25 : memref<!tpu.dma_semaphore, #tpu.memory_space<semaphore_mem>>)
      } else {
      }
      %add3A_286 = arith.constant 1 : i32
      %add3A_287 = arith.addi %mul3A_253, %add3A_286 : i32
      %dma_wait3A_288 = arith.constant 0 : i32
      %dma_wait3A_289 = arith.constant 0 : i32
      %dma_wait3A_290 = tpu.memref_slice %arg8[%dma_wait3A_288, %dma_wait3A_289] : memref<2x100xi32, #tpu.memory_space<vmem>> -> memref<1x100xi32, #tpu.memory_space<vmem>>
      %dma_wait3A_291 = tpu.memref_squeeze %dma_wait3A_290 : memref<1x100xi32, #tpu.memory_space<vmem>> -> memref<100xi32, #tpu.memory_space<vmem>>
      %dma_wait3A_292 = arith.constant 0 : i32
      %dma_wait3A_293 = arith.constant 0 : i32
      %dma_wait3A_294 = tpu.memref_slice %arg3[%dma_wait3A_292, %dma_wait3A_293] : memref<10000x128xf32, #tpu.memory_space<hbm>> -> memref<10000x128xf32, #tpu.memory_space<hbm>>
      tpu.wait_indirect_dma semaphore(%arg24 : memref<!tpu.dma_semaphore, #tpu.memory_space<semaphore_mem>>) src(%dma_wait3A_294 : memref<10000x128xf32, #tpu.memory_space<hbm>>) dst(%arg14 : memref<100x128xf32, #tpu.memory_space<vmem>>)
      %dma_start3A_295 = arith.constant 1 : i32
      %dma_start3A_296 = arith.constant 0 : i32
      %dma_start3A_297 = tpu.memref_slice %arg8[%dma_start3A_295, %dma_start3A_296] : memref<2x100xi32, #tpu.memory_space<vmem>> -> memref<1x100xi32, #tpu.memory_space<vmem>>
      %dma_start3A_298 = tpu.memref_squeeze %dma_start3A_297 : memref<1x100xi32, #tpu.memory_space<vmem>> -> memref<100xi32, #tpu.memory_space<vmem>>
      %dma_start3A_299 = arith.constant 0 : i32
      %dma_start3A_300 = arith.constant 0 : i32
      %dma_start3A_301 = tpu.memref_slice %arg6[%dma_start3A_299, %dma_start3A_300] : memref<10000x128xf32, #tpu.memory_space<vmem_shared>> -> memref<10000x128xf32, #tpu.memory_space<vmem_shared>>
      tpu.enqueue_indirect_dma source(%arg14 : memref<100x128xf32, #tpu.memory_space<vmem>>) target(%dma_start3A_301 : memref<10000x128xf32, #tpu.memory_space<vmem_shared>>) offsets(%dma_start3A_298 : memref<100xi32, #tpu.memory_space<vmem>>) semaphore(%arg27 : memref<!tpu.dma_semaphore, #tpu.memory_space<semaphore_mem>>) {add = true}
      %add3A_302 = arith.constant 3 : i32
      %add3A_303 = arith.addi %add3A_287, %add3A_302 : i32
      %lt3A_304 = arith.constant 100 : i32
      %lt3A_305 = arith.cmpi slt, %add3A_303, %lt3A_304 : i32
      %convert_element_type3A_306 = arith.extui %lt3A_305 : i1 to i32
      %cond3A_307 = arith.constant 0 : i32
      %cond3A_308 = arith.cmpi ne, %convert_element_type3A_306, %cond3A_307 : i32
      scf.if %cond3A_308 {
        %add3A_446 = arith.constant 3 : i32
        %add3A_447 = arith.addi %add3A_287, %add3A_446 : i32
        %dma_start3A_448 = arith.constant 0 : i32
        %dma_start3A_449 = arith.constant 0 : i32
        %dma_start3A_450 = tpu.memref_slice %arg2[%dma_start3A_448, %add3A, %add3A_447, %dma_start3A_449] : memref<2x32x100x100xi32, #tpu.memory_space<hbm>> -> memref<2x1x1x100xi32, #tpu.memory_space<hbm>>
        %dma_start3A_451 = tpu.memref_squeeze %dma_start3A_450 : memref<2x1x1x100xi32, #tpu.memory_space<hbm>> -> memref<2x100xi32, #tpu.memory_space<hbm>>
        %dma_start3A_452 = arith.constant 0 : i32
        %dma_start3A_453 = arith.constant 0 : i32
        %dma_start3A_454 = tpu.memref_slice %arg2[%dma_start3A_452, %add3A, %add3A_447, %dma_start3A_453] : memref<2x32x100x100xi32, #tpu.memory_space<hbm>> -> memref<2x1x1x100xi32, #tpu.memory_space<hbm>>
        %dma_start3A_455 = tpu.memref_squeeze %dma_start3A_454 : memref<2x1x1x100xi32, #tpu.memory_space<hbm>> -> memref<2x100xi32, #tpu.memory_space<hbm>>
        tpu.enqueue_dma source(%dma_start3A_455 : memref<2x100xi32, #tpu.memory_space<hbm>>) target(%arg11 : memref<2x100xi32, #tpu.memory_space<vmem>>) target_semaphore(%arg21 : memref<!tpu.dma_semaphore, #tpu.memory_space<semaphore_mem>>)
      } else {
      }
      %add3A_309 = arith.constant 3 : i32
      %add3A_310 = arith.addi %add3A_287, %add3A_309 : i32
      %sub3A_311 = arith.constant 1 : i32
      %sub3A_312 = arith.subi %add3A_310, %sub3A_311 : i32
      %lt3A_313 = arith.constant 100 : i32
      %lt3A_314 = arith.cmpi slt, %sub3A_312, %lt3A_313 : i32
      %convert_element_type3A_315 = arith.extui %lt3A_314 : i1 to i32
      %cond3A_316 = arith.constant 0 : i32
      %cond3A_317 = arith.cmpi ne, %convert_element_type3A_315, %cond3A_316 : i32
      scf.if %cond3A_317 {
        %ge3A = arith.constant 1 : i32
        %ge3A_446 = arith.cmpi sge, %add3A_287, %ge3A : i32
        %convert_element_type3A_447 = arith.extui %ge3A_446 : i1 to i32
        %cond3A_448 = arith.constant 0 : i32
        %cond3A_449 = arith.cmpi ne, %convert_element_type3A_447, %cond3A_448 : i32
        scf.if %cond3A_449 {
          %dma_wait3A_466 = arith.constant 1 : i32
          %dma_wait3A_467 = arith.constant 0 : i32
          %dma_wait3A_468 = tpu.memref_slice %arg7[%dma_wait3A_466, %dma_wait3A_467] : memref<2x100xi32, #tpu.memory_space<vmem>> -> memref<1x100xi32, #tpu.memory_space<vmem>>
          %dma_wait3A_469 = tpu.memref_squeeze %dma_wait3A_468 : memref<1x100xi32, #tpu.memory_space<vmem>> -> memref<100xi32, #tpu.memory_space<vmem>>
          %dma_wait3A_470 = arith.constant 0 : i32
          %dma_wait3A_471 = arith.constant 0 : i32
          %dma_wait3A_472 = tpu.memref_slice %arg6[%dma_wait3A_470, %dma_wait3A_471] : memref<10000x128xf32, #tpu.memory_space<vmem_shared>> -> memref<10000x128xf32, #tpu.memory_space<vmem_shared>>
          tpu.wait_indirect_dma semaphore(%arg26 : memref<!tpu.dma_semaphore, #tpu.memory_space<semaphore_mem>>) src(%arg13 : memref<100x128xf32, #tpu.memory_space<vmem>>) dst(%dma_wait3A_472 : memref<10000x128xf32, #tpu.memory_space<vmem_shared>>)
        } else {
        }
        %dma_wait3A_450 = arith.constant 0 : i32
        %dma_wait3A_451 = arith.constant 0 : i32
        %dma_wait3A_452 = arith.constant 0 : i32
        %dma_wait3A_453 = tpu.memref_slice %arg2[%dma_wait3A_451, %add3A, %dma_wait3A_450, %dma_wait3A_452] : memref<2x32x100x100xi32, #tpu.memory_space<hbm>> -> memref<2x1x1x100xi32, #tpu.memory_space<hbm>>
        %dma_wait3A_454 = tpu.memref_squeeze %dma_wait3A_453 : memref<2x1x1x100xi32, #tpu.memory_space<hbm>> -> memref<2x100xi32, #tpu.memory_space<hbm>>
        %dma_wait3A_455 = arith.constant 0 : i32
        %dma_wait3A_456 = arith.constant 0 : i32
        %dma_wait3A_457 = tpu.memref_slice %arg2[%dma_wait3A_455, %add3A, %dma_wait3A_450, %dma_wait3A_456] : memref<2x32x100x100xi32, #tpu.memory_space<hbm>> -> memref<2x1x1x100xi32, #tpu.memory_space<hbm>>
        %dma_wait3A_458 = tpu.memref_squeeze %dma_wait3A_457 : memref<2x1x1x100xi32, #tpu.memory_space<hbm>> -> memref<2x100xi32, #tpu.memory_space<hbm>>
        tpu.wait_dma2 semaphore(%arg20 : memref<!tpu.dma_semaphore, #tpu.memory_space<semaphore_mem>>) src(%dma_wait3A_458 : memref<2x100xi32, #tpu.memory_space<hbm>>) dst(%arg10 : memref<2x100xi32, #tpu.memory_space<vmem>>)
        %dma_start3A_459 = arith.constant 0 : i32
        %dma_start3A_460 = arith.constant 0 : i32
        %dma_start3A_461 = tpu.memref_slice %arg10[%dma_start3A_459, %dma_start3A_460] : memref<2x100xi32, #tpu.memory_space<vmem>> -> memref<1x100xi32, #tpu.memory_space<vmem>>
        %dma_start3A_462 = tpu.memref_squeeze %dma_start3A_461 : memref<1x100xi32, #tpu.memory_space<vmem>> -> memref<100xi32, #tpu.memory_space<vmem>>
        %dma_start3A_463 = arith.constant 0 : i32
        %dma_start3A_464 = arith.constant 0 : i32
        %dma_start3A_465 = tpu.memref_slice %arg3[%dma_start3A_463, %dma_start3A_464] : memref<10000x128xf32, #tpu.memory_space<hbm>> -> memref<10000x128xf32, #tpu.memory_space<hbm>>
        tpu.enqueue_indirect_dma source(%dma_start3A_465 : memref<10000x128xf32, #tpu.memory_space<hbm>>) target(%arg13 : memref<100x128xf32, #tpu.memory_space<vmem>>) offsets(%dma_start3A_462 : memref<100xi32, #tpu.memory_space<vmem>>) semaphore(%arg23 : memref<!tpu.dma_semaphore, #tpu.memory_space<semaphore_mem>>)
      } else {
      }
      %add3A_318 = arith.constant 2 : i32
      %add3A_319 = arith.addi %mul3A_253, %add3A_318 : i32
      %dma_wait3A_320 = arith.constant 0 : i32
      %dma_wait3A_321 = arith.constant 0 : i32
      %dma_wait3A_322 = tpu.memref_slice %arg9[%dma_wait3A_320, %dma_wait3A_321] : memref<2x100xi32, #tpu.memory_space<vmem>> -> memref<1x100xi32, #tpu.memory_space<vmem>>
      %dma_wait3A_323 = tpu.memref_squeeze %dma_wait3A_322 : memref<1x100xi32, #tpu.memory_space<vmem>> -> memref<100xi32, #tpu.memory_space<vmem>>
      %dma_wait3A_324 = arith.constant 0 : i32
      %dma_wait3A_325 = arith.constant 0 : i32
      %dma_wait3A_326 = tpu.memref_slice %arg3[%dma_wait3A_324, %dma_wait3A_325] : memref<10000x128xf32, #tpu.memory_space<hbm>> -> memref<10000x128xf32, #tpu.memory_space<hbm>>
      tpu.wait_indirect_dma semaphore(%arg25 : memref<!tpu.dma_semaphore, #tpu.memory_space<semaphore_mem>>) src(%dma_wait3A_326 : memref<10000x128xf32, #tpu.memory_space<hbm>>) dst(%arg15 : memref<100x128xf32, #tpu.memory_space<vmem>>)
      %dma_start3A_327 = arith.constant 1 : i32
      %dma_start3A_328 = arith.constant 0 : i32
      %dma_start3A_329 = tpu.memref_slice %arg9[%dma_start3A_327, %dma_start3A_328] : memref<2x100xi32, #tpu.memory_space<vmem>> -> memref<1x100xi32, #tpu.memory_space<vmem>>
      %dma_start3A_330 = tpu.memref_squeeze %dma_start3A_329 : memref<1x100xi32, #tpu.memory_space<vmem>> -> memref<100xi32, #tpu.memory_space<vmem>>
      %dma_start3A_331 = arith.constant 0 : i32
      %dma_start3A_332 = arith.constant 0 : i32
      %dma_start3A_333 = tpu.memref_slice %arg6[%dma_start3A_331, %dma_start3A_332] : memref<10000x128xf32, #tpu.memory_space<vmem_shared>> -> memref<10000x128xf32, #tpu.memory_space<vmem_shared>>
      tpu.enqueue_indirect_dma source(%arg15 : memref<100x128xf32, #tpu.memory_space<vmem>>) target(%dma_start3A_333 : memref<10000x128xf32, #tpu.memory_space<vmem_shared>>) offsets(%dma_start3A_330 : memref<100xi32, #tpu.memory_space<vmem>>) semaphore(%arg28 : memref<!tpu.dma_semaphore, #tpu.memory_space<semaphore_mem>>) {add = true}
      %add3A_334 = arith.constant 3 : i32
      %add3A_335 = arith.addi %add3A_319, %add3A_334 : i32
      %lt3A_336 = arith.constant 100 : i32
      %lt3A_337 = arith.cmpi slt, %add3A_335, %lt3A_336 : i32
      %convert_element_type3A_338 = arith.extui %lt3A_337 : i1 to i32
      %cond3A_339 = arith.constant 0 : i32
      %cond3A_340 = arith.cmpi ne, %convert_element_type3A_338, %cond3A_339 : i32
      scf.if %cond3A_340 {
        %add3A_446 = arith.constant 3 : i32
        %add3A_447 = arith.addi %add3A_319, %add3A_446 : i32
        %dma_start3A_448 = arith.constant 0 : i32
        %dma_start3A_449 = arith.constant 0 : i32
        %dma_start3A_450 = tpu.memref_slice %arg2[%dma_start3A_448, %add3A, %add3A_447, %dma_start3A_449] : memref<2x32x100x100xi32, #tpu.memory_space<hbm>> -> memref<2x1x1x100xi32, #tpu.memory_space<hbm>>
        %dma_start3A_451 = tpu.memref_squeeze %dma_start3A_450 : memref<2x1x1x100xi32, #tpu.memory_space<hbm>> -> memref<2x100xi32, #tpu.memory_space<hbm>>
        %dma_start3A_452 = arith.constant 0 : i32
        %dma_start3A_453 = arith.constant 0 : i32
        %dma_start3A_454 = tpu.memref_slice %arg2[%dma_start3A_452, %add3A, %add3A_447, %dma_start3A_453] : memref<2x32x100x100xi32, #tpu.memory_space<hbm>> -> memref<2x1x1x100xi32, #tpu.memory_space<hbm>>
        %dma_start3A_455 = tpu.memref_squeeze %dma_start3A_454 : memref<2x1x1x100xi32, #tpu.memory_space<hbm>> -> memref<2x100xi32, #tpu.memory_space<hbm>>
        tpu.enqueue_dma source(%dma_start3A_455 : memref<2x100xi32, #tpu.memory_space<hbm>>) target(%arg12 : memref<2x100xi32, #tpu.memory_space<vmem>>) target_semaphore(%arg22 : memref<!tpu.dma_semaphore, #tpu.memory_space<semaphore_mem>>)
      } else {
      }
      %add3A_341 = arith.constant 3 : i32
      %add3A_342 = arith.addi %add3A_319, %add3A_341 : i32
      %sub3A_343 = arith.constant 1 : i32
      %sub3A_344 = arith.subi %add3A_342, %sub3A_343 : i32
      %lt3A_345 = arith.constant 100 : i32
      %lt3A_346 = arith.cmpi slt, %sub3A_344, %lt3A_345 : i32
      %convert_element_type3A_347 = arith.extui %lt3A_346 : i1 to i32
      %cond3A_348 = arith.constant 0 : i32
      %cond3A_349 = arith.cmpi ne, %convert_element_type3A_347, %cond3A_348 : i32
      scf.if %cond3A_349 {
        %ge3A = arith.constant 1 : i32
        %ge3A_446 = arith.cmpi sge, %add3A_319, %ge3A : i32
        %convert_element_type3A_447 = arith.extui %ge3A_446 : i1 to i32
        %cond3A_448 = arith.constant 0 : i32
        %cond3A_449 = arith.cmpi ne, %convert_element_type3A_447, %cond3A_448 : i32
        scf.if %cond3A_449 {
          %dma_wait3A_466 = arith.constant 1 : i32
          %dma_wait3A_467 = arith.constant 0 : i32
          %dma_wait3A_468 = tpu.memref_slice %arg7[%dma_wait3A_466, %dma_wait3A_467] : memref<2x100xi32, #tpu.memory_space<vmem>> -> memref<1x100xi32, #tpu.memory_space<vmem>>
          %dma_wait3A_469 = tpu.memref_squeeze %dma_wait3A_468 : memref<1x100xi32, #tpu.memory_space<vmem>> -> memref<100xi32, #tpu.memory_space<vmem>>
          %dma_wait3A_470 = arith.constant 0 : i32
          %dma_wait3A_471 = arith.constant 0 : i32
          %dma_wait3A_472 = tpu.memref_slice %arg6[%dma_wait3A_470, %dma_wait3A_471] : memref<10000x128xf32, #tpu.memory_space<vmem_shared>> -> memref<10000x128xf32, #tpu.memory_space<vmem_shared>>
          tpu.wait_indirect_dma semaphore(%arg27 : memref<!tpu.dma_semaphore, #tpu.memory_space<semaphore_mem>>) src(%arg14 : memref<100x128xf32, #tpu.memory_space<vmem>>) dst(%dma_wait3A_472 : memref<10000x128xf32, #tpu.memory_space<vmem_shared>>)
        } else {
        }
        %dma_wait3A_450 = arith.constant 0 : i32
        %dma_wait3A_451 = arith.constant 0 : i32
        %dma_wait3A_452 = arith.constant 0 : i32
        %dma_wait3A_453 = tpu.memref_slice %arg2[%dma_wait3A_451, %add3A, %dma_wait3A_450, %dma_wait3A_452] : memref<2x32x100x100xi32, #tpu.memory_space<hbm>> -> memref<2x1x1x100xi32, #tpu.memory_space<hbm>>
        %dma_wait3A_454 = tpu.memref_squeeze %dma_wait3A_453 : memref<2x1x1x100xi32, #tpu.memory_space<hbm>> -> memref<2x100xi32, #tpu.memory_space<hbm>>
        %dma_wait3A_455 = arith.constant 0 : i32
        %dma_wait3A_456 = arith.constant 0 : i32
        %dma_wait3A_457 = tpu.memref_slice %arg2[%dma_wait3A_455, %add3A, %dma_wait3A_450, %dma_wait3A_456] : memref<2x32x100x100xi32, #tpu.memory_space<hbm>> -> memref<2x1x1x100xi32, #tpu.memory_space<hbm>>
        %dma_wait3A_458 = tpu.memref_squeeze %dma_wait3A_457 : memref<2x1x1x100xi32, #tpu.memory_space<hbm>> -> memref<2x100xi32, #tpu.memory_space<hbm>>
        tpu.wait_dma2 semaphore(%arg21 : memref<!tpu.dma_semaphore, #tpu.memory_space<semaphore_mem>>) src(%dma_wait3A_458 : memref<2x100xi32, #tpu.memory_space<hbm>>) dst(%arg11 : memref<2x100xi32, #tpu.memory_space<vmem>>)
        %dma_start3A_459 = arith.constant 0 : i32
        %dma_start3A_460 = arith.constant 0 : i32
        %dma_start3A_461 = tpu.memref_slice %arg11[%dma_start3A_459, %dma_start3A_460] : memref<2x100xi32, #tpu.memory_space<vmem>> -> memref<1x100xi32, #tpu.memory_space<vmem>>
        %dma_start3A_462 = tpu.memref_squeeze %dma_start3A_461 : memref<1x100xi32, #tpu.memory_space<vmem>> -> memref<100xi32, #tpu.memory_space<vmem>>
        %dma_start3A_463 = arith.constant 0 : i32
        %dma_start3A_464 = arith.constant 0 : i32
        %dma_start3A_465 = tpu.memref_slice %arg3[%dma_start3A_463, %dma_start3A_464] : memref<10000x128xf32, #tpu.memory_space<hbm>> -> memref<10000x128xf32, #tpu.memory_space<hbm>>
        tpu.enqueue_indirect_dma source(%dma_start3A_465 : memref<10000x128xf32, #tpu.memory_space<hbm>>) target(%arg14 : memref<100x128xf32, #tpu.memory_space<vmem>>) offsets(%dma_start3A_462 : memref<100xi32, #tpu.memory_space<vmem>>) semaphore(%arg24 : memref<!tpu.dma_semaphore, #tpu.memory_space<semaphore_mem>>)
      } else {
      }
      %add3A_350 = arith.constant 3 : i32
      %add3A_351 = arith.addi %mul3A_253, %add3A_350 : i32
      %dma_wait3A_352 = arith.constant 0 : i32
      %dma_wait3A_353 = arith.constant 0 : i32
      %dma_wait3A_354 = tpu.memref_slice %arg10[%dma_wait3A_352, %dma_wait3A_353] : memref<2x100xi32, #tpu.memory_space<vmem>> -> memref<1x100xi32, #tpu.memory_space<vmem>>
      %dma_wait3A_355 = tpu.memref_squeeze %dma_wait3A_354 : memref<1x100xi32, #tpu.memory_space<vmem>> -> memref<100xi32, #tpu.memory_space<vmem>>
      %dma_wait3A_356 = arith.constant 0 : i32
      %dma_wait3A_357 = arith.constant 0 : i32
      %dma_wait3A_358 = tpu.memref_slice %arg3[%dma_wait3A_356, %dma_wait3A_357] : memref<10000x128xf32, #tpu.memory_space<hbm>> -> memref<10000x128xf32, #tpu.memory_space<hbm>>
      tpu.wait_indirect_dma semaphore(%arg23 : memref<!tpu.dma_semaphore, #tpu.memory_space<semaphore_mem>>) src(%dma_wait3A_358 : memref<10000x128xf32, #tpu.memory_space<hbm>>) dst(%arg13 : memref<100x128xf32, #tpu.memory_space<vmem>>)
      %dma_start3A_359 = arith.constant 1 : i32
      %dma_start3A_360 = arith.constant 0 : i32
      %dma_start3A_361 = tpu.memref_slice %arg10[%dma_start3A_359, %dma_start3A_360] : memref<2x100xi32, #tpu.memory_space<vmem>> -> memref<1x100xi32, #tpu.memory_space<vmem>>
      %dma_start3A_362 = tpu.memref_squeeze %dma_start3A_361 : memref<1x100xi32, #tpu.memory_space<vmem>> -> memref<100xi32, #tpu.memory_space<vmem>>
      %dma_start3A_363 = arith.constant 0 : i32
      %dma_start3A_364 = arith.constant 0 : i32
      %dma_start3A_365 = tpu.memref_slice %arg6[%dma_start3A_363, %dma_start3A_364] : memref<10000x128xf32, #tpu.memory_space<vmem_shared>> -> memref<10000x128xf32, #tpu.memory_space<vmem_shared>>
      tpu.enqueue_indirect_dma source(%arg13 : memref<100x128xf32, #tpu.memory_space<vmem>>) target(%dma_start3A_365 : memref<10000x128xf32, #tpu.memory_space<vmem_shared>>) offsets(%dma_start3A_362 : memref<100xi32, #tpu.memory_space<vmem>>) semaphore(%arg26 : memref<!tpu.dma_semaphore, #tpu.memory_space<semaphore_mem>>) {add = true}
      %add3A_366 = arith.constant 3 : i32
      %add3A_367 = arith.addi %add3A_351, %add3A_366 : i32
      %lt3A_368 = arith.constant 100 : i32
      %lt3A_369 = arith.cmpi slt, %add3A_367, %lt3A_368 : i32
      %convert_element_type3A_370 = arith.extui %lt3A_369 : i1 to i32
      %cond3A_371 = arith.constant 0 : i32
      %cond3A_372 = arith.cmpi ne, %convert_element_type3A_370, %cond3A_371 : i32
      scf.if %cond3A_372 {
        %add3A_446 = arith.constant 3 : i32
        %add3A_447 = arith.addi %add3A_351, %add3A_446 : i32
        %dma_start3A_448 = arith.constant 0 : i32
        %dma_start3A_449 = arith.constant 0 : i32
        %dma_start3A_450 = tpu.memref_slice %arg2[%dma_start3A_448, %add3A, %add3A_447, %dma_start3A_449] : memref<2x32x100x100xi32, #tpu.memory_space<hbm>> -> memref<2x1x1x100xi32, #tpu.memory_space<hbm>>
        %dma_start3A_451 = tpu.memref_squeeze %dma_start3A_450 : memref<2x1x1x100xi32, #tpu.memory_space<hbm>> -> memref<2x100xi32, #tpu.memory_space<hbm>>
        %dma_start3A_452 = arith.constant 0 : i32
        %dma_start3A_453 = arith.constant 0 : i32
        %dma_start3A_454 = tpu.memref_slice %arg2[%dma_start3A_452, %add3A, %add3A_447, %dma_start3A_453] : memref<2x32x100x100xi32, #tpu.memory_space<hbm>> -> memref<2x1x1x100xi32, #tpu.memory_space<hbm>>
        %dma_start3A_455 = tpu.memref_squeeze %dma_start3A_454 : memref<2x1x1x100xi32, #tpu.memory_space<hbm>> -> memref<2x100xi32, #tpu.memory_space<hbm>>
        tpu.enqueue_dma source(%dma_start3A_455 : memref<2x100xi32, #tpu.memory_space<hbm>>) target(%arg7 : memref<2x100xi32, #tpu.memory_space<vmem>>) target_semaphore(%arg17 : memref<!tpu.dma_semaphore, #tpu.memory_space<semaphore_mem>>)
      } else {
      }
      %add3A_373 = arith.constant 3 : i32
      %add3A_374 = arith.addi %add3A_351, %add3A_373 : i32
      %sub3A_375 = arith.constant 1 : i32
      %sub3A_376 = arith.subi %add3A_374, %sub3A_375 : i32
      %lt3A_377 = arith.constant 100 : i32
      %lt3A_378 = arith.cmpi slt, %sub3A_376, %lt3A_377 : i32
      %convert_element_type3A_379 = arith.extui %lt3A_378 : i1 to i32
      %cond3A_380 = arith.constant 0 : i32
      %cond3A_381 = arith.cmpi ne, %convert_element_type3A_379, %cond3A_380 : i32
      scf.if %cond3A_381 {
        %ge3A = arith.constant 1 : i32
        %ge3A_446 = arith.cmpi sge, %add3A_351, %ge3A : i32
        %convert_element_type3A_447 = arith.extui %ge3A_446 : i1 to i32
        %cond3A_448 = arith.constant 0 : i32
        %cond3A_449 = arith.cmpi ne, %convert_element_type3A_447, %cond3A_448 : i32
        scf.if %cond3A_449 {
          %dma_wait3A_466 = arith.constant 1 : i32
          %dma_wait3A_467 = arith.constant 0 : i32
          %dma_wait3A_468 = tpu.memref_slice %arg7[%dma_wait3A_466, %dma_wait3A_467] : memref<2x100xi32, #tpu.memory_space<vmem>> -> memref<1x100xi32, #tpu.memory_space<vmem>>
          %dma_wait3A_469 = tpu.memref_squeeze %dma_wait3A_468 : memref<1x100xi32, #tpu.memory_space<vmem>> -> memref<100xi32, #tpu.memory_space<vmem>>
          %dma_wait3A_470 = arith.constant 0 : i32
          %dma_wait3A_471 = arith.constant 0 : i32
          %dma_wait3A_472 = tpu.memref_slice %arg6[%dma_wait3A_470, %dma_wait3A_471] : memref<10000x128xf32, #tpu.memory_space<vmem_shared>> -> memref<10000x128xf32, #tpu.memory_space<vmem_shared>>
          tpu.wait_indirect_dma semaphore(%arg28 : memref<!tpu.dma_semaphore, #tpu.memory_space<semaphore_mem>>) src(%arg15 : memref<100x128xf32, #tpu.memory_space<vmem>>) dst(%dma_wait3A_472 : memref<10000x128xf32, #tpu.memory_space<vmem_shared>>)
        } else {
        }
        %dma_wait3A_450 = arith.constant 0 : i32
        %dma_wait3A_451 = arith.constant 0 : i32
        %dma_wait3A_452 = arith.constant 0 : i32
        %dma_wait3A_453 = tpu.memref_slice %arg2[%dma_wait3A_451, %add3A, %dma_wait3A_450, %dma_wait3A_452] : memref<2x32x100x100xi32, #tpu.memory_space<hbm>> -> memref<2x1x1x100xi32, #tpu.memory_space<hbm>>
        %dma_wait3A_454 = tpu.memref_squeeze %dma_wait3A_453 : memref<2x1x1x100xi32, #tpu.memory_space<hbm>> -> memref<2x100xi32, #tpu.memory_space<hbm>>
        %dma_wait3A_455 = arith.constant 0 : i32
        %dma_wait3A_456 = arith.constant 0 : i32
        %dma_wait3A_457 = tpu.memref_slice %arg2[%dma_wait3A_455, %add3A, %dma_wait3A_450, %dma_wait3A_456] : memref<2x32x100x100xi32, #tpu.memory_space<hbm>> -> memref<2x1x1x100xi32, #tpu.memory_space<hbm>>
        %dma_wait3A_458 = tpu.memref_squeeze %dma_wait3A_457 : memref<2x1x1x100xi32, #tpu.memory_space<hbm>> -> memref<2x100xi32, #tpu.memory_space<hbm>>
        tpu.wait_dma2 semaphore(%arg22 : memref<!tpu.dma_semaphore, #tpu.memory_space<semaphore_mem>>) src(%dma_wait3A_458 : memref<2x100xi32, #tpu.memory_space<hbm>>) dst(%arg12 : memref<2x100xi32, #tpu.memory_space<vmem>>)
        %dma_start3A_459 = arith.constant 0 : i32
        %dma_start3A_460 = arith.constant 0 : i32
        %dma_start3A_461 = tpu.memref_slice %arg12[%dma_start3A_459, %dma_start3A_460] : memref<2x100xi32, #tpu.memory_space<vmem>> -> memref<1x100xi32, #tpu.memory_space<vmem>>
        %dma_start3A_462 = tpu.memref_squeeze %dma_start3A_461 : memref<1x100xi32, #tpu.memory_space<vmem>> -> memref<100xi32, #tpu.memory_space<vmem>>
        %dma_start3A_463 = arith.constant 0 : i32
        %dma_start3A_464 = arith.constant 0 : i32
        %dma_start3A_465 = tpu.memref_slice %arg3[%dma_start3A_463, %dma_start3A_464] : memref<10000x128xf32, #tpu.memory_space<hbm>> -> memref<10000x128xf32, #tpu.memory_space<hbm>>
        tpu.enqueue_indirect_dma source(%dma_start3A_465 : memref<10000x128xf32, #tpu.memory_space<hbm>>) target(%arg15 : memref<100x128xf32, #tpu.memory_space<vmem>>) offsets(%dma_start3A_462 : memref<100xi32, #tpu.memory_space<vmem>>) semaphore(%arg25 : memref<!tpu.dma_semaphore, #tpu.memory_space<semaphore_mem>>)
      } else {
      }
      %add3A_382 = arith.constant 4 : i32
      %add3A_383 = arith.addi %mul3A_253, %add3A_382 : i32
      %dma_wait3A_384 = arith.constant 0 : i32
      %dma_wait3A_385 = arith.constant 0 : i32
      %dma_wait3A_386 = tpu.memref_slice %arg11[%dma_wait3A_384, %dma_wait3A_385] : memref<2x100xi32, #tpu.memory_space<vmem>> -> memref<1x100xi32, #tpu.memory_space<vmem>>
      %dma_wait3A_387 = tpu.memref_squeeze %dma_wait3A_386 : memref<1x100xi32, #tpu.memory_space<vmem>> -> memref<100xi32, #tpu.memory_space<vmem>>
      %dma_wait3A_388 = arith.constant 0 : i32
      %dma_wait3A_389 = arith.constant 0 : i32
      %dma_wait3A_390 = tpu.memref_slice %arg3[%dma_wait3A_388, %dma_wait3A_389] : memref<10000x128xf32, #tpu.memory_space<hbm>> -> memref<10000x128xf32, #tpu.memory_space<hbm>>
      tpu.wait_indirect_dma semaphore(%arg24 : memref<!tpu.dma_semaphore, #tpu.memory_space<semaphore_mem>>) src(%dma_wait3A_390 : memref<10000x128xf32, #tpu.memory_space<hbm>>) dst(%arg14 : memref<100x128xf32, #tpu.memory_space<vmem>>)
      %dma_start3A_391 = arith.constant 1 : i32
      %dma_start3A_392 = arith.constant 0 : i32
      %dma_start3A_393 = tpu.memref_slice %arg11[%dma_start3A_391, %dma_start3A_392] : memref<2x100xi32, #tpu.memory_space<vmem>> -> memref<1x100xi32, #tpu.memory_space<vmem>>
      %dma_start3A_394 = tpu.memref_squeeze %dma_start3A_393 : memref<1x100xi32, #tpu.memory_space<vmem>> -> memref<100xi32, #tpu.memory_space<vmem>>
      %dma_start3A_395 = arith.constant 0 : i32
      %dma_start3A_396 = arith.constant 0 : i32
      %dma_start3A_397 = tpu.memref_slice %arg6[%dma_start3A_395, %dma_start3A_396] : memref<10000x128xf32, #tpu.memory_space<vmem_shared>> -> memref<10000x128xf32, #tpu.memory_space<vmem_shared>>
      tpu.enqueue_indirect_dma source(%arg14 : memref<100x128xf32, #tpu.memory_space<vmem>>) target(%dma_start3A_397 : memref<10000x128xf32, #tpu.memory_space<vmem_shared>>) offsets(%dma_start3A_394 : memref<100xi32, #tpu.memory_space<vmem>>) semaphore(%arg27 : memref<!tpu.dma_semaphore, #tpu.memory_space<semaphore_mem>>) {add = true}
      %add3A_398 = arith.constant 3 : i32
      %add3A_399 = arith.addi %add3A_383, %add3A_398 : i32
      %lt3A_400 = arith.constant 100 : i32
      %lt3A_401 = arith.cmpi slt, %add3A_399, %lt3A_400 : i32
      %convert_element_type3A_402 = arith.extui %lt3A_401 : i1 to i32
      %cond3A_403 = arith.constant 0 : i32
      %cond3A_404 = arith.cmpi ne, %convert_element_type3A_402, %cond3A_403 : i32
      scf.if %cond3A_404 {
        %add3A_446 = arith.constant 3 : i32
        %add3A_447 = arith.addi %add3A_383, %add3A_446 : i32
        %dma_start3A_448 = arith.constant 0 : i32
        %dma_start3A_449 = arith.constant 0 : i32
        %dma_start3A_450 = tpu.memref_slice %arg2[%dma_start3A_448, %add3A, %add3A_447, %dma_start3A_449] : memref<2x32x100x100xi32, #tpu.memory_space<hbm>> -> memref<2x1x1x100xi32, #tpu.memory_space<hbm>>
        %dma_start3A_451 = tpu.memref_squeeze %dma_start3A_450 : memref<2x1x1x100xi32, #tpu.memory_space<hbm>> -> memref<2x100xi32, #tpu.memory_space<hbm>>
        %dma_start3A_452 = arith.constant 0 : i32
        %dma_start3A_453 = arith.constant 0 : i32
        %dma_start3A_454 = tpu.memref_slice %arg2[%dma_start3A_452, %add3A, %add3A_447, %dma_start3A_453] : memref<2x32x100x100xi32, #tpu.memory_space<hbm>> -> memref<2x1x1x100xi32, #tpu.memory_space<hbm>>
        %dma_start3A_455 = tpu.memref_squeeze %dma_start3A_454 : memref<2x1x1x100xi32, #tpu.memory_space<hbm>> -> memref<2x100xi32, #tpu.memory_space<hbm>>
        tpu.enqueue_dma source(%dma_start3A_455 : memref<2x100xi32, #tpu.memory_space<hbm>>) target(%arg8 : memref<2x100xi32, #tpu.memory_space<vmem>>) target_semaphore(%arg18 : memref<!tpu.dma_semaphore, #tpu.memory_space<semaphore_mem>>)
      } else {
      }
      %add3A_405 = arith.constant 3 : i32
      %add3A_406 = arith.addi %add3A_383, %add3A_405 : i32
      %sub3A_407 = arith.constant 1 : i32
      %sub3A_408 = arith.subi %add3A_406, %sub3A_407 : i32
      %lt3A_409 = arith.constant 100 : i32
      %lt3A_410 = arith.cmpi slt, %sub3A_408, %lt3A_409 : i32
      %convert_element_type3A_411 = arith.extui %lt3A_410 : i1 to i32
      %cond3A_412 = arith.constant 0 : i32
      %cond3A_413 = arith.cmpi ne, %convert_element_type3A_411, %cond3A_412 : i32
      scf.if %cond3A_413 {
        %ge3A = arith.constant 1 : i32
        %ge3A_446 = arith.cmpi sge, %add3A_383, %ge3A : i32
        %convert_element_type3A_447 = arith.extui %ge3A_446 : i1 to i32
        %cond3A_448 = arith.constant 0 : i32
        %cond3A_449 = arith.cmpi ne, %convert_element_type3A_447, %cond3A_448 : i32
        scf.if %cond3A_449 {
          %dma_wait3A_466 = arith.constant 1 : i32
          %dma_wait3A_467 = arith.constant 0 : i32
          %dma_wait3A_468 = tpu.memref_slice %arg7[%dma_wait3A_466, %dma_wait3A_467] : memref<2x100xi32, #tpu.memory_space<vmem>> -> memref<1x100xi32, #tpu.memory_space<vmem>>
          %dma_wait3A_469 = tpu.memref_squeeze %dma_wait3A_468 : memref<1x100xi32, #tpu.memory_space<vmem>> -> memref<100xi32, #tpu.memory_space<vmem>>
          %dma_wait3A_470 = arith.constant 0 : i32
          %dma_wait3A_471 = arith.constant 0 : i32
          %dma_wait3A_472 = tpu.memref_slice %arg6[%dma_wait3A_470, %dma_wait3A_471] : memref<10000x128xf32, #tpu.memory_space<vmem_shared>> -> memref<10000x128xf32, #tpu.memory_space<vmem_shared>>
          tpu.wait_indirect_dma semaphore(%arg26 : memref<!tpu.dma_semaphore, #tpu.memory_space<semaphore_mem>>) src(%arg13 : memref<100x128xf32, #tpu.memory_space<vmem>>) dst(%dma_wait3A_472 : memref<10000x128xf32, #tpu.memory_space<vmem_shared>>)
        } else {
        }
        %dma_wait3A_450 = arith.constant 0 : i32
        %dma_wait3A_451 = arith.constant 0 : i32
        %dma_wait3A_452 = arith.constant 0 : i32
        %dma_wait3A_453 = tpu.memref_slice %arg2[%dma_wait3A_451, %add3A, %dma_wait3A_450, %dma_wait3A_452] : memref<2x32x100x100xi32, #tpu.memory_space<hbm>> -> memref<2x1x1x100xi32, #tpu.memory_space<hbm>>
        %dma_wait3A_454 = tpu.memref_squeeze %dma_wait3A_453 : memref<2x1x1x100xi32, #tpu.memory_space<hbm>> -> memref<2x100xi32, #tpu.memory_space<hbm>>
        %dma_wait3A_455 = arith.constant 0 : i32
        %dma_wait3A_456 = arith.constant 0 : i32
        %dma_wait3A_457 = tpu.memref_slice %arg2[%dma_wait3A_455, %add3A, %dma_wait3A_450, %dma_wait3A_456] : memref<2x32x100x100xi32, #tpu.memory_space<hbm>> -> memref<2x1x1x100xi32, #tpu.memory_space<hbm>>
        %dma_wait3A_458 = tpu.memref_squeeze %dma_wait3A_457 : memref<2x1x1x100xi32, #tpu.memory_space<hbm>> -> memref<2x100xi32, #tpu.memory_space<hbm>>
        tpu.wait_dma2 semaphore(%arg17 : memref<!tpu.dma_semaphore, #tpu.memory_space<semaphore_mem>>) src(%dma_wait3A_458 : memref<2x100xi32, #tpu.memory_space<hbm>>) dst(%arg7 : memref<2x100xi32, #tpu.memory_space<vmem>>)
        %dma_start3A_459 = arith.constant 0 : i32
        %dma_start3A_460 = arith.constant 0 : i32
        %dma_start3A_461 = tpu.memref_slice %arg7[%dma_start3A_459, %dma_start3A_460] : memref<2x100xi32, #tpu.memory_space<vmem>> -> memref<1x100xi32, #tpu.memory_space<vmem>>
        %dma_start3A_462 = tpu.memref_squeeze %dma_start3A_461 : memref<1x100xi32, #tpu.memory_space<vmem>> -> memref<100xi32, #tpu.memory_space<vmem>>
        %dma_start3A_463 = arith.constant 0 : i32
        %dma_start3A_464 = arith.constant 0 : i32
        %dma_start3A_465 = tpu.memref_slice %arg3[%dma_start3A_463, %dma_start3A_464] : memref<10000x128xf32, #tpu.memory_space<hbm>> -> memref<10000x128xf32, #tpu.memory_space<hbm>>
        tpu.enqueue_indirect_dma source(%dma_start3A_465 : memref<10000x128xf32, #tpu.memory_space<hbm>>) target(%arg13 : memref<100x128xf32, #tpu.memory_space<vmem>>) offsets(%dma_start3A_462 : memref<100xi32, #tpu.memory_space<vmem>>) semaphore(%arg23 : memref<!tpu.dma_semaphore, #tpu.memory_space<semaphore_mem>>)
      } else {
      }
      %add3A_414 = arith.constant 5 : i32
      %add3A_415 = arith.addi %mul3A_253, %add3A_414 : i32
      %dma_wait3A_416 = arith.constant 0 : i32
      %dma_wait3A_417 = arith.constant 0 : i32
      %dma_wait3A_418 = tpu.memref_slice %arg12[%dma_wait3A_416, %dma_wait3A_417] : memref<2x100xi32, #tpu.memory_space<vmem>> -> memref<1x100xi32, #tpu.memory_space<vmem>>
      %dma_wait3A_419 = tpu.memref_squeeze %dma_wait3A_418 : memref<1x100xi32, #tpu.memory_space<vmem>> -> memref<100xi32, #tpu.memory_space<vmem>>
      %dma_wait3A_420 = arith.constant 0 : i32
      %dma_wait3A_421 = arith.constant 0 : i32
      %dma_wait3A_422 = tpu.memref_slice %arg3[%dma_wait3A_420, %dma_wait3A_421] : memref<10000x128xf32, #tpu.memory_space<hbm>> -> memref<10000x128xf32, #tpu.memory_space<hbm>>
      tpu.wait_indirect_dma semaphore(%arg25 : memref<!tpu.dma_semaphore, #tpu.memory_space<semaphore_mem>>) src(%dma_wait3A_422 : memref<10000x128xf32, #tpu.memory_space<hbm>>) dst(%arg15 : memref<100x128xf32, #tpu.memory_space<vmem>>)
      %dma_start3A_423 = arith.constant 1 : i32
      %dma_start3A_424 = arith.constant 0 : i32
      %dma_start3A_425 = tpu.memref_slice %arg12[%dma_start3A_423, %dma_start3A_424] : memref<2x100xi32, #tpu.memory_space<vmem>> -> memref<1x100xi32, #tpu.memory_space<vmem>>
      %dma_start3A_426 = tpu.memref_squeeze %dma_start3A_425 : memref<1x100xi32, #tpu.memory_space<vmem>> -> memref<100xi32, #tpu.memory_space<vmem>>
      %dma_start3A_427 = arith.constant 0 : i32
      %dma_start3A_428 = arith.constant 0 : i32
      %dma_start3A_429 = tpu.memref_slice %arg6[%dma_start3A_427, %dma_start3A_428] : memref<10000x128xf32, #tpu.memory_space<vmem_shared>> -> memref<10000x128xf32, #tpu.memory_space<vmem_shared>>
      tpu.enqueue_indirect_dma source(%arg15 : memref<100x128xf32, #tpu.memory_space<vmem>>) target(%dma_start3A_429 : memref<10000x128xf32, #tpu.memory_space<vmem_shared>>) offsets(%dma_start3A_426 : memref<100xi32, #tpu.memory_space<vmem>>) semaphore(%arg28 : memref<!tpu.dma_semaphore, #tpu.memory_space<semaphore_mem>>) {add = true}
      %add3A_430 = arith.constant 3 : i32
      %add3A_431 = arith.addi %add3A_415, %add3A_430 : i32
      %lt3A_432 = arith.constant 100 : i32
      %lt3A_433 = arith.cmpi slt, %add3A_431, %lt3A_432 : i32
      %convert_element_type3A_434 = arith.extui %lt3A_433 : i1 to i32
      %cond3A_435 = arith.constant 0 : i32
      %cond3A_436 = arith.cmpi ne, %convert_element_type3A_434, %cond3A_435 : i32
      scf.if %cond3A_436 {
        %add3A_446 = arith.constant 3 : i32
        %add3A_447 = arith.addi %add3A_415, %add3A_446 : i32
        %dma_start3A_448 = arith.constant 0 : i32
        %dma_start3A_449 = arith.constant 0 : i32
        %dma_start3A_450 = tpu.memref_slice %arg2[%dma_start3A_448, %add3A, %add3A_447, %dma_start3A_449] : memref<2x32x100x100xi32, #tpu.memory_space<hbm>> -> memref<2x1x1x100xi32, #tpu.memory_space<hbm>>
        %dma_start3A_451 = tpu.memref_squeeze %dma_start3A_450 : memref<2x1x1x100xi32, #tpu.memory_space<hbm>> -> memref<2x100xi32, #tpu.memory_space<hbm>>
        %dma_start3A_452 = arith.constant 0 : i32
        %dma_start3A_453 = arith.constant 0 : i32
        %dma_start3A_454 = tpu.memref_slice %arg2[%dma_start3A_452, %add3A, %add3A_447, %dma_start3A_453] : memref<2x32x100x100xi32, #tpu.memory_space<hbm>> -> memref<2x1x1x100xi32, #tpu.memory_space<hbm>>
        %dma_start3A_455 = tpu.memref_squeeze %dma_start3A_454 : memref<2x1x1x100xi32, #tpu.memory_space<hbm>> -> memref<2x100xi32, #tpu.memory_space<hbm>>
        tpu.enqueue_dma source(%dma_start3A_455 : memref<2x100xi32, #tpu.memory_space<hbm>>) target(%arg9 : memref<2x100xi32, #tpu.memory_space<vmem>>) target_semaphore(%arg19 : memref<!tpu.dma_semaphore, #tpu.memory_space<semaphore_mem>>)
      } else {
      }
      %add3A_437 = arith.constant 3 : i32
      %add3A_438 = arith.addi %add3A_415, %add3A_437 : i32
      %sub3A_439 = arith.constant 1 : i32
      %sub3A_440 = arith.subi %add3A_438, %sub3A_439 : i32
      %lt3A_441 = arith.constant 100 : i32
      %lt3A_442 = arith.cmpi slt, %sub3A_440, %lt3A_441 : i32
      %convert_element_type3A_443 = arith.extui %lt3A_442 : i1 to i32
      %cond3A_444 = arith.constant 0 : i32
      %cond3A_445 = arith.cmpi ne, %convert_element_type3A_443, %cond3A_444 : i32
      scf.if %cond3A_445 {
        %ge3A = arith.constant 1 : i32
        %ge3A_446 = arith.cmpi sge, %add3A_415, %ge3A : i32
        %convert_element_type3A_447 = arith.extui %ge3A_446 : i1 to i32
        %cond3A_448 = arith.constant 0 : i32
        %cond3A_449 = arith.cmpi ne, %convert_element_type3A_447, %cond3A_448 : i32
        scf.if %cond3A_449 {
          %dma_wait3A_466 = arith.constant 1 : i32
          %dma_wait3A_467 = arith.constant 0 : i32
          %dma_wait3A_468 = tpu.memref_slice %arg7[%dma_wait3A_466, %dma_wait3A_467] : memref<2x100xi32, #tpu.memory_space<vmem>> -> memref<1x100xi32, #tpu.memory_space<vmem>>
          %dma_wait3A_469 = tpu.memref_squeeze %dma_wait3A_468 : memref<1x100xi32, #tpu.memory_space<vmem>> -> memref<100xi32, #tpu.memory_space<vmem>>
          %dma_wait3A_470 = arith.constant 0 : i32
          %dma_wait3A_471 = arith.constant 0 : i32
          %dma_wait3A_472 = tpu.memref_slice %arg6[%dma_wait3A_470, %dma_wait3A_471] : memref<10000x128xf32, #tpu.memory_space<vmem_shared>> -> memref<10000x128xf32, #tpu.memory_space<vmem_shared>>
          tpu.wait_indirect_dma semaphore(%arg27 : memref<!tpu.dma_semaphore, #tpu.memory_space<semaphore_mem>>) src(%arg14 : memref<100x128xf32, #tpu.memory_space<vmem>>) dst(%dma_wait3A_472 : memref<10000x128xf32, #tpu.memory_space<vmem_shared>>)
        } else {
        }
        %dma_wait3A_450 = arith.constant 0 : i32
        %dma_wait3A_451 = arith.constant 0 : i32
        %dma_wait3A_452 = arith.constant 0 : i32
        %dma_wait3A_453 = tpu.memref_slice %arg2[%dma_wait3A_451, %add3A, %dma_wait3A_450, %dma_wait3A_452] : memref<2x32x100x100xi32, #tpu.memory_space<hbm>> -> memref<2x1x1x100xi32, #tpu.memory_space<hbm>>
        %dma_wait3A_454 = tpu.memref_squeeze %dma_wait3A_453 : memref<2x1x1x100xi32, #tpu.memory_space<hbm>> -> memref<2x100xi32, #tpu.memory_space<hbm>>
        %dma_wait3A_455 = arith.constant 0 : i32
        %dma_wait3A_456 = arith.constant 0 : i32
        %dma_wait3A_457 = tpu.memref_slice %arg2[%dma_wait3A_455, %add3A, %dma_wait3A_450, %dma_wait3A_456] : memref<2x32x100x100xi32, #tpu.memory_space<hbm>> -> memref<2x1x1x100xi32, #tpu.memory_space<hbm>>
        %dma_wait3A_458 = tpu.memref_squeeze %dma_wait3A_457 : memref<2x1x1x100xi32, #tpu.memory_space<hbm>> -> memref<2x100xi32, #tpu.memory_space<hbm>>
        tpu.wait_dma2 semaphore(%arg18 : memref<!tpu.dma_semaphore, #tpu.memory_space<semaphore_mem>>) src(%dma_wait3A_458 : memref<2x100xi32, #tpu.memory_space<hbm>>) dst(%arg8 : memref<2x100xi32, #tpu.memory_space<vmem>>)
        %dma_start3A_459 = arith.constant 0 : i32
        %dma_start3A_460 = arith.constant 0 : i32
        %dma_start3A_461 = tpu.memref_slice %arg8[%dma_start3A_459, %dma_start3A_460] : memref<2x100xi32, #tpu.memory_space<vmem>> -> memref<1x100xi32, #tpu.memory_space<vmem>>
        %dma_start3A_462 = tpu.memref_squeeze %dma_start3A_461 : memref<1x100xi32, #tpu.memory_space<vmem>> -> memref<100xi32, #tpu.memory_space<vmem>>
        %dma_start3A_463 = arith.constant 0 : i32
        %dma_start3A_464 = arith.constant 0 : i32
        %dma_start3A_465 = tpu.memref_slice %arg3[%dma_start3A_463, %dma_start3A_464] : memref<10000x128xf32, #tpu.memory_space<hbm>> -> memref<10000x128xf32, #tpu.memory_space<hbm>>
        tpu.enqueue_indirect_dma source(%dma_start3A_465 : memref<10000x128xf32, #tpu.memory_space<hbm>>) target(%arg14 : memref<100x128xf32, #tpu.memory_space<vmem>>) offsets(%dma_start3A_462 : memref<100xi32, #tpu.memory_space<vmem>>) semaphore(%arg24 : memref<!tpu.dma_semaphore, #tpu.memory_space<semaphore_mem>>)
      } else {
      }
    }
    %scan3A_79 = arith.constant 16 : i32
    %dma_wait3A_80 = arith.constant 0 : i32
    %dma_wait3A_81 = arith.constant 0 : i32
    %dma_wait3A_82 = tpu.memref_slice %arg7[%dma_wait3A_80, %dma_wait3A_81] : memref<2x100xi32, #tpu.memory_space<vmem>> -> memref<1x100xi32, #tpu.memory_space<vmem>>
    %dma_wait3A_83 = tpu.memref_squeeze %dma_wait3A_82 : memref<1x100xi32, #tpu.memory_space<vmem>> -> memref<100xi32, #tpu.memory_space<vmem>>
    %dma_wait3A_84 = arith.constant 0 : i32
    %dma_wait3A_85 = arith.constant 0 : i32
    %dma_wait3A_86 = tpu.memref_slice %arg3[%dma_wait3A_84, %dma_wait3A_85] : memref<10000x128xf32, #tpu.memory_space<hbm>> -> memref<10000x128xf32, #tpu.memory_space<hbm>>
    tpu.wait_indirect_dma semaphore(%arg23 : memref<!tpu.dma_semaphore, #tpu.memory_space<semaphore_mem>>) src(%dma_wait3A_86 : memref<10000x128xf32, #tpu.memory_space<hbm>>) dst(%arg13 : memref<100x128xf32, #tpu.memory_space<vmem>>)
    %dma_start3A_87 = arith.constant 1 : i32
    %dma_start3A_88 = arith.constant 0 : i32
    %dma_start3A_89 = tpu.memref_slice %arg7[%dma_start3A_87, %dma_start3A_88] : memref<2x100xi32, #tpu.memory_space<vmem>> -> memref<1x100xi32, #tpu.memory_space<vmem>>
    %dma_start3A_90 = tpu.memref_squeeze %dma_start3A_89 : memref<1x100xi32, #tpu.memory_space<vmem>> -> memref<100xi32, #tpu.memory_space<vmem>>
    %dma_start3A_91 = arith.constant 0 : i32
    %dma_start3A_92 = arith.constant 0 : i32
    %dma_start3A_93 = tpu.memref_slice %arg6[%dma_start3A_91, %dma_start3A_92] : memref<10000x128xf32, #tpu.memory_space<vmem_shared>> -> memref<10000x128xf32, #tpu.memory_space<vmem_shared>>
    tpu.enqueue_indirect_dma source(%arg13 : memref<100x128xf32, #tpu.memory_space<vmem>>) target(%dma_start3A_93 : memref<10000x128xf32, #tpu.memory_space<vmem_shared>>) offsets(%dma_start3A_90 : memref<100xi32, #tpu.memory_space<vmem>>) semaphore(%arg26 : memref<!tpu.dma_semaphore, #tpu.memory_space<semaphore_mem>>) {add = true}
    %add3A_94 = arith.constant 96 : i32
    %add3A_95 = arith.constant 3 : i32
    %add3A_96 = arith.addi %add3A_94, %add3A_95 : i32
    %lt3A_97 = arith.constant 100 : i32
    %lt3A_98 = arith.cmpi slt, %add3A_96, %lt3A_97 : i32
    %convert_element_type3A_99 = arith.extui %lt3A_98 : i1 to i32
    %cond3A_100 = arith.constant 96 : i32
    %cond3A_101 = arith.constant 0 : i32
    %cond3A_102 = arith.cmpi ne, %convert_element_type3A_99, %cond3A_101 : i32
    scf.if %cond3A_102 {
      %add3A_247 = arith.constant 3 : i32
      %add3A_248 = arith.addi %cond3A_100, %add3A_247 : i32
      %dma_start3A_249 = arith.constant 0 : i32
      %dma_start3A_250 = arith.constant 0 : i32
      %dma_start3A_251 = tpu.memref_slice %arg2[%dma_start3A_249, %add3A, %add3A_248, %dma_start3A_250] : memref<2x32x100x100xi32, #tpu.memory_space<hbm>> -> memref<2x1x1x100xi32, #tpu.memory_space<hbm>>
      %dma_start3A_252 = tpu.memref_squeeze %dma_start3A_251 : memref<2x1x1x100xi32, #tpu.memory_space<hbm>> -> memref<2x100xi32, #tpu.memory_space<hbm>>
      %dma_start3A_253 = arith.constant 0 : i32
      %dma_start3A_254 = arith.constant 0 : i32
      %dma_start3A_255 = tpu.memref_slice %arg2[%dma_start3A_253, %add3A, %add3A_248, %dma_start3A_254] : memref<2x32x100x100xi32, #tpu.memory_space<hbm>> -> memref<2x1x1x100xi32, #tpu.memory_space<hbm>>
      %dma_start3A_256 = tpu.memref_squeeze %dma_start3A_255 : memref<2x1x1x100xi32, #tpu.memory_space<hbm>> -> memref<2x100xi32, #tpu.memory_space<hbm>>
      tpu.enqueue_dma source(%dma_start3A_256 : memref<2x100xi32, #tpu.memory_space<hbm>>) target(%arg10 : memref<2x100xi32, #tpu.memory_space<vmem>>) target_semaphore(%arg20 : memref<!tpu.dma_semaphore, #tpu.memory_space<semaphore_mem>>)
    } else {
    }
    %add3A_103 = arith.constant 96 : i32
    %add3A_104 = arith.constant 3 : i32
    %add3A_105 = arith.addi %add3A_103, %add3A_104 : i32
    %sub3A = arith.constant 1 : i32
    %sub3A_106 = arith.subi %add3A_105, %sub3A : i32
    %lt3A_107 = arith.constant 100 : i32
    %lt3A_108 = arith.cmpi slt, %sub3A_106, %lt3A_107 : i32
    %convert_element_type3A_109 = arith.extui %lt3A_108 : i1 to i32
    %cond3A_110 = arith.constant 96 : i32
    %cond3A_111 = arith.constant 0 : i32
    %cond3A_112 = arith.cmpi ne, %convert_element_type3A_109, %cond3A_111 : i32
    scf.if %cond3A_112 {
      %ge3A = arith.constant 1 : i32
      %ge3A_247 = arith.cmpi sge, %cond3A_110, %ge3A : i32
      %convert_element_type3A_248 = arith.extui %ge3A_247 : i1 to i32
      %cond3A_249 = arith.constant 0 : i32
      %cond3A_250 = arith.cmpi ne, %convert_element_type3A_248, %cond3A_249 : i32
      scf.if %cond3A_250 {
        %dma_wait3A_267 = arith.constant 1 : i32
        %dma_wait3A_268 = arith.constant 0 : i32
        %dma_wait3A_269 = tpu.memref_slice %arg7[%dma_wait3A_267, %dma_wait3A_268] : memref<2x100xi32, #tpu.memory_space<vmem>> -> memref<1x100xi32, #tpu.memory_space<vmem>>
        %dma_wait3A_270 = tpu.memref_squeeze %dma_wait3A_269 : memref<1x100xi32, #tpu.memory_space<vmem>> -> memref<100xi32, #tpu.memory_space<vmem>>
        %dma_wait3A_271 = arith.constant 0 : i32
        %dma_wait3A_272 = arith.constant 0 : i32
        %dma_wait3A_273 = tpu.memref_slice %arg6[%dma_wait3A_271, %dma_wait3A_272] : memref<10000x128xf32, #tpu.memory_space<vmem_shared>> -> memref<10000x128xf32, #tpu.memory_space<vmem_shared>>
        tpu.wait_indirect_dma semaphore(%arg28 : memref<!tpu.dma_semaphore, #tpu.memory_space<semaphore_mem>>) src(%arg15 : memref<100x128xf32, #tpu.memory_space<vmem>>) dst(%dma_wait3A_273 : memref<10000x128xf32, #tpu.memory_space<vmem_shared>>)
      } else {
      }
      %dma_wait3A_251 = arith.constant 0 : i32
      %dma_wait3A_252 = arith.constant 0 : i32
      %dma_wait3A_253 = arith.constant 0 : i32
      %dma_wait3A_254 = tpu.memref_slice %arg2[%dma_wait3A_252, %add3A, %dma_wait3A_251, %dma_wait3A_253] : memref<2x32x100x100xi32, #tpu.memory_space<hbm>> -> memref<2x1x1x100xi32, #tpu.memory_space<hbm>>
      %dma_wait3A_255 = tpu.memref_squeeze %dma_wait3A_254 : memref<2x1x1x100xi32, #tpu.memory_space<hbm>> -> memref<2x100xi32, #tpu.memory_space<hbm>>
      %dma_wait3A_256 = arith.constant 0 : i32
      %dma_wait3A_257 = arith.constant 0 : i32
      %dma_wait3A_258 = tpu.memref_slice %arg2[%dma_wait3A_256, %add3A, %dma_wait3A_251, %dma_wait3A_257] : memref<2x32x100x100xi32, #tpu.memory_space<hbm>> -> memref<2x1x1x100xi32, #tpu.memory_space<hbm>>
      %dma_wait3A_259 = tpu.memref_squeeze %dma_wait3A_258 : memref<2x1x1x100xi32, #tpu.memory_space<hbm>> -> memref<2x100xi32, #tpu.memory_space<hbm>>
      tpu.wait_dma2 semaphore(%arg19 : memref<!tpu.dma_semaphore, #tpu.memory_space<semaphore_mem>>) src(%dma_wait3A_259 : memref<2x100xi32, #tpu.memory_space<hbm>>) dst(%arg9 : memref<2x100xi32, #tpu.memory_space<vmem>>)
      %dma_start3A_260 = arith.constant 0 : i32
      %dma_start3A_261 = arith.constant 0 : i32
      %dma_start3A_262 = tpu.memref_slice %arg9[%dma_start3A_260, %dma_start3A_261] : memref<2x100xi32, #tpu.memory_space<vmem>> -> memref<1x100xi32, #tpu.memory_space<vmem>>
      %dma_start3A_263 = tpu.memref_squeeze %dma_start3A_262 : memref<1x100xi32, #tpu.memory_space<vmem>> -> memref<100xi32, #tpu.memory_space<vmem>>
      %dma_start3A_264 = arith.constant 0 : i32
      %dma_start3A_265 = arith.constant 0 : i32
      %dma_start3A_266 = tpu.memref_slice %arg3[%dma_start3A_264, %dma_start3A_265] : memref<10000x128xf32, #tpu.memory_space<hbm>> -> memref<10000x128xf32, #tpu.memory_space<hbm>>
      tpu.enqueue_indirect_dma source(%dma_start3A_266 : memref<10000x128xf32, #tpu.memory_space<hbm>>) target(%arg15 : memref<100x128xf32, #tpu.memory_space<vmem>>) offsets(%dma_start3A_263 : memref<100xi32, #tpu.memory_space<vmem>>) semaphore(%arg25 : memref<!tpu.dma_semaphore, #tpu.memory_space<semaphore_mem>>)
    } else {
    }
    %dma_wait3A_113 = arith.constant 0 : i32
    %dma_wait3A_114 = arith.constant 0 : i32
    %dma_wait3A_115 = tpu.memref_slice %arg8[%dma_wait3A_113, %dma_wait3A_114] : memref<2x100xi32, #tpu.memory_space<vmem>> -> memref<1x100xi32, #tpu.memory_space<vmem>>
    %dma_wait3A_116 = tpu.memref_squeeze %dma_wait3A_115 : memref<1x100xi32, #tpu.memory_space<vmem>> -> memref<100xi32, #tpu.memory_space<vmem>>
    %dma_wait3A_117 = arith.constant 0 : i32
    %dma_wait3A_118 = arith.constant 0 : i32
    %dma_wait3A_119 = tpu.memref_slice %arg3[%dma_wait3A_117, %dma_wait3A_118] : memref<10000x128xf32, #tpu.memory_space<hbm>> -> memref<10000x128xf32, #tpu.memory_space<hbm>>
    tpu.wait_indirect_dma semaphore(%arg24 : memref<!tpu.dma_semaphore, #tpu.memory_space<semaphore_mem>>) src(%dma_wait3A_119 : memref<10000x128xf32, #tpu.memory_space<hbm>>) dst(%arg14 : memref<100x128xf32, #tpu.memory_space<vmem>>)
    %dma_start3A_120 = arith.constant 1 : i32
    %dma_start3A_121 = arith.constant 0 : i32
    %dma_start3A_122 = tpu.memref_slice %arg8[%dma_start3A_120, %dma_start3A_121] : memref<2x100xi32, #tpu.memory_space<vmem>> -> memref<1x100xi32, #tpu.memory_space<vmem>>
    %dma_start3A_123 = tpu.memref_squeeze %dma_start3A_122 : memref<1x100xi32, #tpu.memory_space<vmem>> -> memref<100xi32, #tpu.memory_space<vmem>>
    %dma_start3A_124 = arith.constant 0 : i32
    %dma_start3A_125 = arith.constant 0 : i32
    %dma_start3A_126 = tpu.memref_slice %arg6[%dma_start3A_124, %dma_start3A_125] : memref<10000x128xf32, #tpu.memory_space<vmem_shared>> -> memref<10000x128xf32, #tpu.memory_space<vmem_shared>>
    tpu.enqueue_indirect_dma source(%arg14 : memref<100x128xf32, #tpu.memory_space<vmem>>) target(%dma_start3A_126 : memref<10000x128xf32, #tpu.memory_space<vmem_shared>>) offsets(%dma_start3A_123 : memref<100xi32, #tpu.memory_space<vmem>>) semaphore(%arg27 : memref<!tpu.dma_semaphore, #tpu.memory_space<semaphore_mem>>) {add = true}
    %add3A_127 = arith.constant 97 : i32
    %add3A_128 = arith.constant 3 : i32
    %add3A_129 = arith.addi %add3A_127, %add3A_128 : i32
    %lt3A_130 = arith.constant 100 : i32
    %lt3A_131 = arith.cmpi slt, %add3A_129, %lt3A_130 : i32
    %convert_element_type3A_132 = arith.extui %lt3A_131 : i1 to i32
    %cond3A_133 = arith.constant 97 : i32
    %cond3A_134 = arith.constant 0 : i32
    %cond3A_135 = arith.cmpi ne, %convert_element_type3A_132, %cond3A_134 : i32
    scf.if %cond3A_135 {
      %add3A_247 = arith.constant 3 : i32
      %add3A_248 = arith.addi %cond3A_133, %add3A_247 : i32
      %dma_start3A_249 = arith.constant 0 : i32
      %dma_start3A_250 = arith.constant 0 : i32
      %dma_start3A_251 = tpu.memref_slice %arg2[%dma_start3A_249, %add3A, %add3A_248, %dma_start3A_250] : memref<2x32x100x100xi32, #tpu.memory_space<hbm>> -> memref<2x1x1x100xi32, #tpu.memory_space<hbm>>
      %dma_start3A_252 = tpu.memref_squeeze %dma_start3A_251 : memref<2x1x1x100xi32, #tpu.memory_space<hbm>> -> memref<2x100xi32, #tpu.memory_space<hbm>>
      %dma_start3A_253 = arith.constant 0 : i32
      %dma_start3A_254 = arith.constant 0 : i32
      %dma_start3A_255 = tpu.memref_slice %arg2[%dma_start3A_253, %add3A, %add3A_248, %dma_start3A_254] : memref<2x32x100x100xi32, #tpu.memory_space<hbm>> -> memref<2x1x1x100xi32, #tpu.memory_space<hbm>>
      %dma_start3A_256 = tpu.memref_squeeze %dma_start3A_255 : memref<2x1x1x100xi32, #tpu.memory_space<hbm>> -> memref<2x100xi32, #tpu.memory_space<hbm>>
      tpu.enqueue_dma source(%dma_start3A_256 : memref<2x100xi32, #tpu.memory_space<hbm>>) target(%arg11 : memref<2x100xi32, #tpu.memory_space<vmem>>) target_semaphore(%arg21 : memref<!tpu.dma_semaphore, #tpu.memory_space<semaphore_mem>>)
    } else {
    }
    %add3A_136 = arith.constant 97 : i32
    %add3A_137 = arith.constant 3 : i32
    %add3A_138 = arith.addi %add3A_136, %add3A_137 : i32
    %sub3A_139 = arith.constant 1 : i32
    %sub3A_140 = arith.subi %add3A_138, %sub3A_139 : i32
    %lt3A_141 = arith.constant 100 : i32
    %lt3A_142 = arith.cmpi slt, %sub3A_140, %lt3A_141 : i32
    %convert_element_type3A_143 = arith.extui %lt3A_142 : i1 to i32
    %cond3A_144 = arith.constant 97 : i32
    %cond3A_145 = arith.constant 0 : i32
    %cond3A_146 = arith.cmpi ne, %convert_element_type3A_143, %cond3A_145 : i32
    scf.if %cond3A_146 {
      %ge3A = arith.constant 1 : i32
      %ge3A_247 = arith.cmpi sge, %cond3A_144, %ge3A : i32
      %convert_element_type3A_248 = arith.extui %ge3A_247 : i1 to i32
      %cond3A_249 = arith.constant 0 : i32
      %cond3A_250 = arith.cmpi ne, %convert_element_type3A_248, %cond3A_249 : i32
      scf.if %cond3A_250 {
        %dma_wait3A_267 = arith.constant 1 : i32
        %dma_wait3A_268 = arith.constant 0 : i32
        %dma_wait3A_269 = tpu.memref_slice %arg7[%dma_wait3A_267, %dma_wait3A_268] : memref<2x100xi32, #tpu.memory_space<vmem>> -> memref<1x100xi32, #tpu.memory_space<vmem>>
        %dma_wait3A_270 = tpu.memref_squeeze %dma_wait3A_269 : memref<1x100xi32, #tpu.memory_space<vmem>> -> memref<100xi32, #tpu.memory_space<vmem>>
        %dma_wait3A_271 = arith.constant 0 : i32
        %dma_wait3A_272 = arith.constant 0 : i32
        %dma_wait3A_273 = tpu.memref_slice %arg6[%dma_wait3A_271, %dma_wait3A_272] : memref<10000x128xf32, #tpu.memory_space<vmem_shared>> -> memref<10000x128xf32, #tpu.memory_space<vmem_shared>>
        tpu.wait_indirect_dma semaphore(%arg26 : memref<!tpu.dma_semaphore, #tpu.memory_space<semaphore_mem>>) src(%arg13 : memref<100x128xf32, #tpu.memory_space<vmem>>) dst(%dma_wait3A_273 : memref<10000x128xf32, #tpu.memory_space<vmem_shared>>)
      } else {
      }
      %dma_wait3A_251 = arith.constant 0 : i32
      %dma_wait3A_252 = arith.constant 0 : i32
      %dma_wait3A_253 = arith.constant 0 : i32
      %dma_wait3A_254 = tpu.memref_slice %arg2[%dma_wait3A_252, %add3A, %dma_wait3A_251, %dma_wait3A_253] : memref<2x32x100x100xi32, #tpu.memory_space<hbm>> -> memref<2x1x1x100xi32, #tpu.memory_space<hbm>>
      %dma_wait3A_255 = tpu.memref_squeeze %dma_wait3A_254 : memref<2x1x1x100xi32, #tpu.memory_space<hbm>> -> memref<2x100xi32, #tpu.memory_space<hbm>>
      %dma_wait3A_256 = arith.constant 0 : i32
      %dma_wait3A_257 = arith.constant 0 : i32
      %dma_wait3A_258 = tpu.memref_slice %arg2[%dma_wait3A_256, %add3A, %dma_wait3A_251, %dma_wait3A_257] : memref<2x32x100x100xi32, #tpu.memory_space<hbm>> -> memref<2x1x1x100xi32, #tpu.memory_space<hbm>>
      %dma_wait3A_259 = tpu.memref_squeeze %dma_wait3A_258 : memref<2x1x1x100xi32, #tpu.memory_space<hbm>> -> memref<2x100xi32, #tpu.memory_space<hbm>>
      tpu.wait_dma2 semaphore(%arg20 : memref<!tpu.dma_semaphore, #tpu.memory_space<semaphore_mem>>) src(%dma_wait3A_259 : memref<2x100xi32, #tpu.memory_space<hbm>>) dst(%arg10 : memref<2x100xi32, #tpu.memory_space<vmem>>)
      %dma_start3A_260 = arith.constant 0 : i32
      %dma_start3A_261 = arith.constant 0 : i32
      %dma_start3A_262 = tpu.memref_slice %arg10[%dma_start3A_260, %dma_start3A_261] : memref<2x100xi32, #tpu.memory_space<vmem>> -> memref<1x100xi32, #tpu.memory_space<vmem>>
      %dma_start3A_263 = tpu.memref_squeeze %dma_start3A_262 : memref<1x100xi32, #tpu.memory_space<vmem>> -> memref<100xi32, #tpu.memory_space<vmem>>
      %dma_start3A_264 = arith.constant 0 : i32
      %dma_start3A_265 = arith.constant 0 : i32
      %dma_start3A_266 = tpu.memref_slice %arg3[%dma_start3A_264, %dma_start3A_265] : memref<10000x128xf32, #tpu.memory_space<hbm>> -> memref<10000x128xf32, #tpu.memory_space<hbm>>
      tpu.enqueue_indirect_dma source(%dma_start3A_266 : memref<10000x128xf32, #tpu.memory_space<hbm>>) target(%arg13 : memref<100x128xf32, #tpu.memory_space<vmem>>) offsets(%dma_start3A_263 : memref<100xi32, #tpu.memory_space<vmem>>) semaphore(%arg23 : memref<!tpu.dma_semaphore, #tpu.memory_space<semaphore_mem>>)
    } else {
    }
    %dma_wait3A_147 = arith.constant 0 : i32
    %dma_wait3A_148 = arith.constant 0 : i32
    %dma_wait3A_149 = tpu.memref_slice %arg9[%dma_wait3A_147, %dma_wait3A_148] : memref<2x100xi32, #tpu.memory_space<vmem>> -> memref<1x100xi32, #tpu.memory_space<vmem>>
    %dma_wait3A_150 = tpu.memref_squeeze %dma_wait3A_149 : memref<1x100xi32, #tpu.memory_space<vmem>> -> memref<100xi32, #tpu.memory_space<vmem>>
    %dma_wait3A_151 = arith.constant 0 : i32
    %dma_wait3A_152 = arith.constant 0 : i32
    %dma_wait3A_153 = tpu.memref_slice %arg3[%dma_wait3A_151, %dma_wait3A_152] : memref<10000x128xf32, #tpu.memory_space<hbm>> -> memref<10000x128xf32, #tpu.memory_space<hbm>>
    tpu.wait_indirect_dma semaphore(%arg25 : memref<!tpu.dma_semaphore, #tpu.memory_space<semaphore_mem>>) src(%dma_wait3A_153 : memref<10000x128xf32, #tpu.memory_space<hbm>>) dst(%arg15 : memref<100x128xf32, #tpu.memory_space<vmem>>)
    %dma_start3A_154 = arith.constant 1 : i32
    %dma_start3A_155 = arith.constant 0 : i32
    %dma_start3A_156 = tpu.memref_slice %arg9[%dma_start3A_154, %dma_start3A_155] : memref<2x100xi32, #tpu.memory_space<vmem>> -> memref<1x100xi32, #tpu.memory_space<vmem>>
    %dma_start3A_157 = tpu.memref_squeeze %dma_start3A_156 : memref<1x100xi32, #tpu.memory_space<vmem>> -> memref<100xi32, #tpu.memory_space<vmem>>
    %dma_start3A_158 = arith.constant 0 : i32
    %dma_start3A_159 = arith.constant 0 : i32
    %dma_start3A_160 = tpu.memref_slice %arg6[%dma_start3A_158, %dma_start3A_159] : memref<10000x128xf32, #tpu.memory_space<vmem_shared>> -> memref<10000x128xf32, #tpu.memory_space<vmem_shared>>
    tpu.enqueue_indirect_dma source(%arg15 : memref<100x128xf32, #tpu.memory_space<vmem>>) target(%dma_start3A_160 : memref<10000x128xf32, #tpu.memory_space<vmem_shared>>) offsets(%dma_start3A_157 : memref<100xi32, #tpu.memory_space<vmem>>) semaphore(%arg28 : memref<!tpu.dma_semaphore, #tpu.memory_space<semaphore_mem>>) {add = true}
    %add3A_161 = arith.constant 98 : i32
    %add3A_162 = arith.constant 3 : i32
    %add3A_163 = arith.addi %add3A_161, %add3A_162 : i32
    %lt3A_164 = arith.constant 100 : i32
    %lt3A_165 = arith.cmpi slt, %add3A_163, %lt3A_164 : i32
    %convert_element_type3A_166 = arith.extui %lt3A_165 : i1 to i32
    %cond3A_167 = arith.constant 98 : i32
    %cond3A_168 = arith.constant 0 : i32
    %cond3A_169 = arith.cmpi ne, %convert_element_type3A_166, %cond3A_168 : i32
    scf.if %cond3A_169 {
      %add3A_247 = arith.constant 3 : i32
      %add3A_248 = arith.addi %cond3A_167, %add3A_247 : i32
      %dma_start3A_249 = arith.constant 0 : i32
      %dma_start3A_250 = arith.constant 0 : i32
      %dma_start3A_251 = tpu.memref_slice %arg2[%dma_start3A_249, %add3A, %add3A_248, %dma_start3A_250] : memref<2x32x100x100xi32, #tpu.memory_space<hbm>> -> memref<2x1x1x100xi32, #tpu.memory_space<hbm>>
      %dma_start3A_252 = tpu.memref_squeeze %dma_start3A_251 : memref<2x1x1x100xi32, #tpu.memory_space<hbm>> -> memref<2x100xi32, #tpu.memory_space<hbm>>
      %dma_start3A_253 = arith.constant 0 : i32
      %dma_start3A_254 = arith.constant 0 : i32
      %dma_start3A_255 = tpu.memref_slice %arg2[%dma_start3A_253, %add3A, %add3A_248, %dma_start3A_254] : memref<2x32x100x100xi32, #tpu.memory_space<hbm>> -> memref<2x1x1x100xi32, #tpu.memory_space<hbm>>
      %dma_start3A_256 = tpu.memref_squeeze %dma_start3A_255 : memref<2x1x1x100xi32, #tpu.memory_space<hbm>> -> memref<2x100xi32, #tpu.memory_space<hbm>>
      tpu.enqueue_dma source(%dma_start3A_256 : memref<2x100xi32, #tpu.memory_space<hbm>>) target(%arg12 : memref<2x100xi32, #tpu.memory_space<vmem>>) target_semaphore(%arg22 : memref<!tpu.dma_semaphore, #tpu.memory_space<semaphore_mem>>)
    } else {
    }
    %add3A_170 = arith.constant 98 : i32
    %add3A_171 = arith.constant 3 : i32
    %add3A_172 = arith.addi %add3A_170, %add3A_171 : i32
    %sub3A_173 = arith.constant 1 : i32
    %sub3A_174 = arith.subi %add3A_172, %sub3A_173 : i32
    %lt3A_175 = arith.constant 100 : i32
    %lt3A_176 = arith.cmpi slt, %sub3A_174, %lt3A_175 : i32
    %convert_element_type3A_177 = arith.extui %lt3A_176 : i1 to i32
    %cond3A_178 = arith.constant 98 : i32
    %cond3A_179 = arith.constant 0 : i32
    %cond3A_180 = arith.cmpi ne, %convert_element_type3A_177, %cond3A_179 : i32
    scf.if %cond3A_180 {
      %ge3A = arith.constant 1 : i32
      %ge3A_247 = arith.cmpi sge, %cond3A_178, %ge3A : i32
      %convert_element_type3A_248 = arith.extui %ge3A_247 : i1 to i32
      %cond3A_249 = arith.constant 0 : i32
      %cond3A_250 = arith.cmpi ne, %convert_element_type3A_248, %cond3A_249 : i32
      scf.if %cond3A_250 {
        %dma_wait3A_267 = arith.constant 1 : i32
        %dma_wait3A_268 = arith.constant 0 : i32
        %dma_wait3A_269 = tpu.memref_slice %arg7[%dma_wait3A_267, %dma_wait3A_268] : memref<2x100xi32, #tpu.memory_space<vmem>> -> memref<1x100xi32, #tpu.memory_space<vmem>>
        %dma_wait3A_270 = tpu.memref_squeeze %dma_wait3A_269 : memref<1x100xi32, #tpu.memory_space<vmem>> -> memref<100xi32, #tpu.memory_space<vmem>>
        %dma_wait3A_271 = arith.constant 0 : i32
        %dma_wait3A_272 = arith.constant 0 : i32
        %dma_wait3A_273 = tpu.memref_slice %arg6[%dma_wait3A_271, %dma_wait3A_272] : memref<10000x128xf32, #tpu.memory_space<vmem_shared>> -> memref<10000x128xf32, #tpu.memory_space<vmem_shared>>
        tpu.wait_indirect_dma semaphore(%arg27 : memref<!tpu.dma_semaphore, #tpu.memory_space<semaphore_mem>>) src(%arg14 : memref<100x128xf32, #tpu.memory_space<vmem>>) dst(%dma_wait3A_273 : memref<10000x128xf32, #tpu.memory_space<vmem_shared>>)
      } else {
      }
      %dma_wait3A_251 = arith.constant 0 : i32
      %dma_wait3A_252 = arith.constant 0 : i32
      %dma_wait3A_253 = arith.constant 0 : i32
      %dma_wait3A_254 = tpu.memref_slice %arg2[%dma_wait3A_252, %add3A, %dma_wait3A_251, %dma_wait3A_253] : memref<2x32x100x100xi32, #tpu.memory_space<hbm>> -> memref<2x1x1x100xi32, #tpu.memory_space<hbm>>
      %dma_wait3A_255 = tpu.memref_squeeze %dma_wait3A_254 : memref<2x1x1x100xi32, #tpu.memory_space<hbm>> -> memref<2x100xi32, #tpu.memory_space<hbm>>
      %dma_wait3A_256 = arith.constant 0 : i32
      %dma_wait3A_257 = arith.constant 0 : i32
      %dma_wait3A_258 = tpu.memref_slice %arg2[%dma_wait3A_256, %add3A, %dma_wait3A_251, %dma_wait3A_257] : memref<2x32x100x100xi32, #tpu.memory_space<hbm>> -> memref<2x1x1x100xi32, #tpu.memory_space<hbm>>
      %dma_wait3A_259 = tpu.memref_squeeze %dma_wait3A_258 : memref<2x1x1x100xi32, #tpu.memory_space<hbm>> -> memref<2x100xi32, #tpu.memory_space<hbm>>
      tpu.wait_dma2 semaphore(%arg21 : memref<!tpu.dma_semaphore, #tpu.memory_space<semaphore_mem>>) src(%dma_wait3A_259 : memref<2x100xi32, #tpu.memory_space<hbm>>) dst(%arg11 : memref<2x100xi32, #tpu.memory_space<vmem>>)
      %dma_start3A_260 = arith.constant 0 : i32
      %dma_start3A_261 = arith.constant 0 : i32
      %dma_start3A_262 = tpu.memref_slice %arg11[%dma_start3A_260, %dma_start3A_261] : memref<2x100xi32, #tpu.memory_space<vmem>> -> memref<1x100xi32, #tpu.memory_space<vmem>>
      %dma_start3A_263 = tpu.memref_squeeze %dma_start3A_262 : memref<1x100xi32, #tpu.memory_space<vmem>> -> memref<100xi32, #tpu.memory_space<vmem>>
      %dma_start3A_264 = arith.constant 0 : i32
      %dma_start3A_265 = arith.constant 0 : i32
      %dma_start3A_266 = tpu.memref_slice %arg3[%dma_start3A_264, %dma_start3A_265] : memref<10000x128xf32, #tpu.memory_space<hbm>> -> memref<10000x128xf32, #tpu.memory_space<hbm>>
      tpu.enqueue_indirect_dma source(%dma_start3A_266 : memref<10000x128xf32, #tpu.memory_space<hbm>>) target(%arg14 : memref<100x128xf32, #tpu.memory_space<vmem>>) offsets(%dma_start3A_263 : memref<100xi32, #tpu.memory_space<vmem>>) semaphore(%arg24 : memref<!tpu.dma_semaphore, #tpu.memory_space<semaphore_mem>>)
    } else {
    }
    %dma_wait3A_181 = arith.constant 0 : i32
    %dma_wait3A_182 = arith.constant 0 : i32
    %dma_wait3A_183 = tpu.memref_slice %arg10[%dma_wait3A_181, %dma_wait3A_182] : memref<2x100xi32, #tpu.memory_space<vmem>> -> memref<1x100xi32, #tpu.memory_space<vmem>>
    %dma_wait3A_184 = tpu.memref_squeeze %dma_wait3A_183 : memref<1x100xi32, #tpu.memory_space<vmem>> -> memref<100xi32, #tpu.memory_space<vmem>>
    %dma_wait3A_185 = arith.constant 0 : i32
    %dma_wait3A_186 = arith.constant 0 : i32
    %dma_wait3A_187 = tpu.memref_slice %arg3[%dma_wait3A_185, %dma_wait3A_186] : memref<10000x128xf32, #tpu.memory_space<hbm>> -> memref<10000x128xf32, #tpu.memory_space<hbm>>
    tpu.wait_indirect_dma semaphore(%arg23 : memref<!tpu.dma_semaphore, #tpu.memory_space<semaphore_mem>>) src(%dma_wait3A_187 : memref<10000x128xf32, #tpu.memory_space<hbm>>) dst(%arg13 : memref<100x128xf32, #tpu.memory_space<vmem>>)
    %dma_start3A_188 = arith.constant 1 : i32
    %dma_start3A_189 = arith.constant 0 : i32
    %dma_start3A_190 = tpu.memref_slice %arg10[%dma_start3A_188, %dma_start3A_189] : memref<2x100xi32, #tpu.memory_space<vmem>> -> memref<1x100xi32, #tpu.memory_space<vmem>>
    %dma_start3A_191 = tpu.memref_squeeze %dma_start3A_190 : memref<1x100xi32, #tpu.memory_space<vmem>> -> memref<100xi32, #tpu.memory_space<vmem>>
    %dma_start3A_192 = arith.constant 0 : i32
    %dma_start3A_193 = arith.constant 0 : i32
    %dma_start3A_194 = tpu.memref_slice %arg6[%dma_start3A_192, %dma_start3A_193] : memref<10000x128xf32, #tpu.memory_space<vmem_shared>> -> memref<10000x128xf32, #tpu.memory_space<vmem_shared>>
    tpu.enqueue_indirect_dma source(%arg13 : memref<100x128xf32, #tpu.memory_space<vmem>>) target(%dma_start3A_194 : memref<10000x128xf32, #tpu.memory_space<vmem_shared>>) offsets(%dma_start3A_191 : memref<100xi32, #tpu.memory_space<vmem>>) semaphore(%arg26 : memref<!tpu.dma_semaphore, #tpu.memory_space<semaphore_mem>>) {add = true}
    %add3A_195 = arith.constant 99 : i32
    %add3A_196 = arith.constant 3 : i32
    %add3A_197 = arith.addi %add3A_195, %add3A_196 : i32
    %lt3A_198 = arith.constant 100 : i32
    %lt3A_199 = arith.cmpi slt, %add3A_197, %lt3A_198 : i32
    %convert_element_type3A_200 = arith.extui %lt3A_199 : i1 to i32
    %cond3A_201 = arith.constant 99 : i32
    %cond3A_202 = arith.constant 0 : i32
    %cond3A_203 = arith.cmpi ne, %convert_element_type3A_200, %cond3A_202 : i32
    scf.if %cond3A_203 {
      %add3A_247 = arith.constant 3 : i32
      %add3A_248 = arith.addi %cond3A_201, %add3A_247 : i32
      %dma_start3A_249 = arith.constant 0 : i32
      %dma_start3A_250 = arith.constant 0 : i32
      %dma_start3A_251 = tpu.memref_slice %arg2[%dma_start3A_249, %add3A, %add3A_248, %dma_start3A_250] : memref<2x32x100x100xi32, #tpu.memory_space<hbm>> -> memref<2x1x1x100xi32, #tpu.memory_space<hbm>>
      %dma_start3A_252 = tpu.memref_squeeze %dma_start3A_251 : memref<2x1x1x100xi32, #tpu.memory_space<hbm>> -> memref<2x100xi32, #tpu.memory_space<hbm>>
      %dma_start3A_253 = arith.constant 0 : i32
      %dma_start3A_254 = arith.constant 0 : i32
      %dma_start3A_255 = tpu.memref_slice %arg2[%dma_start3A_253, %add3A, %add3A_248, %dma_start3A_254] : memref<2x32x100x100xi32, #tpu.memory_space<hbm>> -> memref<2x1x1x100xi32, #tpu.memory_space<hbm>>
      %dma_start3A_256 = tpu.memref_squeeze %dma_start3A_255 : memref<2x1x1x100xi32, #tpu.memory_space<hbm>> -> memref<2x100xi32, #tpu.memory_space<hbm>>
      tpu.enqueue_dma source(%dma_start3A_256 : memref<2x100xi32, #tpu.memory_space<hbm>>) target(%arg7 : memref<2x100xi32, #tpu.memory_space<vmem>>) target_semaphore(%arg17 : memref<!tpu.dma_semaphore, #tpu.memory_space<semaphore_mem>>)
    } else {
    }
    %add3A_204 = arith.constant 99 : i32
    %add3A_205 = arith.constant 3 : i32
    %add3A_206 = arith.addi %add3A_204, %add3A_205 : i32
    %sub3A_207 = arith.constant 1 : i32
    %sub3A_208 = arith.subi %add3A_206, %sub3A_207 : i32
    %lt3A_209 = arith.constant 100 : i32
    %lt3A_210 = arith.cmpi slt, %sub3A_208, %lt3A_209 : i32
    %convert_element_type3A_211 = arith.extui %lt3A_210 : i1 to i32
    %cond3A_212 = arith.constant 99 : i32
    %cond3A_213 = arith.constant 0 : i32
    %cond3A_214 = arith.cmpi ne, %convert_element_type3A_211, %cond3A_213 : i32
    scf.if %cond3A_214 {
      %ge3A = arith.constant 1 : i32
      %ge3A_247 = arith.cmpi sge, %cond3A_212, %ge3A : i32
      %convert_element_type3A_248 = arith.extui %ge3A_247 : i1 to i32
      %cond3A_249 = arith.constant 0 : i32
      %cond3A_250 = arith.cmpi ne, %convert_element_type3A_248, %cond3A_249 : i32
      scf.if %cond3A_250 {
        %dma_wait3A_267 = arith.constant 1 : i32
        %dma_wait3A_268 = arith.constant 0 : i32
        %dma_wait3A_269 = tpu.memref_slice %arg7[%dma_wait3A_267, %dma_wait3A_268] : memref<2x100xi32, #tpu.memory_space<vmem>> -> memref<1x100xi32, #tpu.memory_space<vmem>>
        %dma_wait3A_270 = tpu.memref_squeeze %dma_wait3A_269 : memref<1x100xi32, #tpu.memory_space<vmem>> -> memref<100xi32, #tpu.memory_space<vmem>>
        %dma_wait3A_271 = arith.constant 0 : i32
        %dma_wait3A_272 = arith.constant 0 : i32
        %dma_wait3A_273 = tpu.memref_slice %arg6[%dma_wait3A_271, %dma_wait3A_272] : memref<10000x128xf32, #tpu.memory_space<vmem_shared>> -> memref<10000x128xf32, #tpu.memory_space<vmem_shared>>
        tpu.wait_indirect_dma semaphore(%arg28 : memref<!tpu.dma_semaphore, #tpu.memory_space<semaphore_mem>>) src(%arg15 : memref<100x128xf32, #tpu.memory_space<vmem>>) dst(%dma_wait3A_273 : memref<10000x128xf32, #tpu.memory_space<vmem_shared>>)
      } else {
      }
      %dma_wait3A_251 = arith.constant 0 : i32
      %dma_wait3A_252 = arith.constant 0 : i32
      %dma_wait3A_253 = arith.constant 0 : i32
      %dma_wait3A_254 = tpu.memref_slice %arg2[%dma_wait3A_252, %add3A, %dma_wait3A_251, %dma_wait3A_253] : memref<2x32x100x100xi32, #tpu.memory_space<hbm>> -> memref<2x1x1x100xi32, #tpu.memory_space<hbm>>
      %dma_wait3A_255 = tpu.memref_squeeze %dma_wait3A_254 : memref<2x1x1x100xi32, #tpu.memory_space<hbm>> -> memref<2x100xi32, #tpu.memory_space<hbm>>
      %dma_wait3A_256 = arith.constant 0 : i32
      %dma_wait3A_257 = arith.constant 0 : i32
      %dma_wait3A_258 = tpu.memref_slice %arg2[%dma_wait3A_256, %add3A, %dma_wait3A_251, %dma_wait3A_257] : memref<2x32x100x100xi32, #tpu.memory_space<hbm>> -> memref<2x1x1x100xi32, #tpu.memory_space<hbm>>
      %dma_wait3A_259 = tpu.memref_squeeze %dma_wait3A_258 : memref<2x1x1x100xi32, #tpu.memory_space<hbm>> -> memref<2x100xi32, #tpu.memory_space<hbm>>
      tpu.wait_dma2 semaphore(%arg22 : memref<!tpu.dma_semaphore, #tpu.memory_space<semaphore_mem>>) src(%dma_wait3A_259 : memref<2x100xi32, #tpu.memory_space<hbm>>) dst(%arg12 : memref<2x100xi32, #tpu.memory_space<vmem>>)
      %dma_start3A_260 = arith.constant 0 : i32
      %dma_start3A_261 = arith.constant 0 : i32
      %dma_start3A_262 = tpu.memref_slice %arg12[%dma_start3A_260, %dma_start3A_261] : memref<2x100xi32, #tpu.memory_space<vmem>> -> memref<1x100xi32, #tpu.memory_space<vmem>>
      %dma_start3A_263 = tpu.memref_squeeze %dma_start3A_262 : memref<1x100xi32, #tpu.memory_space<vmem>> -> memref<100xi32, #tpu.memory_space<vmem>>
      %dma_start3A_264 = arith.constant 0 : i32
      %dma_start3A_265 = arith.constant 0 : i32
      %dma_start3A_266 = tpu.memref_slice %arg3[%dma_start3A_264, %dma_start3A_265] : memref<10000x128xf32, #tpu.memory_space<hbm>> -> memref<10000x128xf32, #tpu.memory_space<hbm>>
      tpu.enqueue_indirect_dma source(%dma_start3A_266 : memref<10000x128xf32, #tpu.memory_space<hbm>>) target(%arg15 : memref<100x128xf32, #tpu.memory_space<vmem>>) offsets(%dma_start3A_263 : memref<100xi32, #tpu.memory_space<vmem>>) semaphore(%arg25 : memref<!tpu.dma_semaphore, #tpu.memory_space<semaphore_mem>>)
    } else {
    }
    %dma_wait3A_215 = arith.constant 1 : i32
    %dma_wait3A_216 = arith.constant 0 : i32
    %dma_wait3A_217 = tpu.memref_slice %arg7[%dma_wait3A_215, %dma_wait3A_216] : memref<2x100xi32, #tpu.memory_space<vmem>> -> memref<1x100xi32, #tpu.memory_space<vmem>>
    %dma_wait3A_218 = tpu.memref_squeeze %dma_wait3A_217 : memref<1x100xi32, #tpu.memory_space<vmem>> -> memref<100xi32, #tpu.memory_space<vmem>>
    %dma_wait3A_219 = arith.constant 0 : i32
    %dma_wait3A_220 = arith.constant 0 : i32
    %dma_wait3A_221 = tpu.memref_slice %arg6[%dma_wait3A_219, %dma_wait3A_220] : memref<10000x128xf32, #tpu.memory_space<vmem_shared>> -> memref<10000x128xf32, #tpu.memory_space<vmem_shared>>
    tpu.wait_indirect_dma semaphore(%arg26 : memref<!tpu.dma_semaphore, #tpu.memory_space<semaphore_mem>>) src(%arg13 : memref<100x128xf32, #tpu.memory_space<vmem>>) dst(%dma_wait3A_221 : memref<10000x128xf32, #tpu.memory_space<vmem_shared>>)
    %dma_wait3A_222 = arith.constant 1 : i32
    %dma_wait3A_223 = arith.constant 0 : i32
    %dma_wait3A_224 = tpu.memref_slice %arg7[%dma_wait3A_222, %dma_wait3A_223] : memref<2x100xi32, #tpu.memory_space<vmem>> -> memref<1x100xi32, #tpu.memory_space<vmem>>
    %dma_wait3A_225 = tpu.memref_squeeze %dma_wait3A_224 : memref<1x100xi32, #tpu.memory_space<vmem>> -> memref<100xi32, #tpu.memory_space<vmem>>
    %dma_wait3A_226 = arith.constant 0 : i32
    %dma_wait3A_227 = arith.constant 0 : i32
    %dma_wait3A_228 = tpu.memref_slice %arg6[%dma_wait3A_226, %dma_wait3A_227] : memref<10000x128xf32, #tpu.memory_space<vmem_shared>> -> memref<10000x128xf32, #tpu.memory_space<vmem_shared>>
    tpu.wait_indirect_dma semaphore(%arg27 : memref<!tpu.dma_semaphore, #tpu.memory_space<semaphore_mem>>) src(%arg14 : memref<100x128xf32, #tpu.memory_space<vmem>>) dst(%dma_wait3A_228 : memref<10000x128xf32, #tpu.memory_space<vmem_shared>>)
    %dma_wait3A_229 = arith.constant 1 : i32
    %dma_wait3A_230 = arith.constant 0 : i32
    %dma_wait3A_231 = tpu.memref_slice %arg7[%dma_wait3A_229, %dma_wait3A_230] : memref<2x100xi32, #tpu.memory_space<vmem>> -> memref<1x100xi32, #tpu.memory_space<vmem>>
    %dma_wait3A_232 = tpu.memref_squeeze %dma_wait3A_231 : memref<1x100xi32, #tpu.memory_space<vmem>> -> memref<100xi32, #tpu.memory_space<vmem>>
    %dma_wait3A_233 = arith.constant 0 : i32
    %dma_wait3A_234 = arith.constant 0 : i32
    %dma_wait3A_235 = tpu.memref_slice %arg6[%dma_wait3A_233, %dma_wait3A_234] : memref<10000x128xf32, #tpu.memory_space<vmem_shared>> -> memref<10000x128xf32, #tpu.memory_space<vmem_shared>>
    tpu.wait_indirect_dma semaphore(%arg28 : memref<!tpu.dma_semaphore, #tpu.memory_space<semaphore_mem>>) src(%arg15 : memref<100x128xf32, #tpu.memory_space<vmem>>) dst(%dma_wait3A_235 : memref<10000x128xf32, #tpu.memory_space<vmem_shared>>)
    %barrier3A_236 = arith.constant 0 : index
    tpu.barrier barrier_id(%barrier3A_236)
    %lt3A_237 = arith.constant 15 : i32
    %lt3A_238 = arith.cmpi slt, %arg1, %lt3A_237 : i32
    %convert_element_type3A_239 = arith.extui %lt3A_238 : i1 to i32
    %cond3A_240 = arith.constant 0 : i32
    %cond3A_241 = arith.cmpi ne, %convert_element_type3A_239, %cond3A_240 : i32
    scf.if %cond3A_241 {
      "tpu.region"() ({
        %run_scoped3A = tpu.sem_alloc : memref<!tpu.dma_semaphore, #tpu.memory_space<semaphore_mem>>
        %dma_start3A_247 = arith.constant 0 : i32
        %dma_start3A_248 = tpu.memref_slice %arg5[%arg0, %mul3A_2, %dma_start3A_247] : memref<2x10000x128xf32, #tpu.memory_space<hbm>> -> memref<1x624x128xf32, #tpu.memory_space<hbm>>
        %dma_start3A_249 = tpu.memref_squeeze %dma_start3A_248 : memref<1x624x128xf32, #tpu.memory_space<hbm>> -> memref<624x128xf32, #tpu.memory_space<hbm>>
        %dma_start3A_250 = arith.constant 0 : i32
        %dma_start3A_251 = tpu.memref_slice %arg6[%mul3A_2, %dma_start3A_250] : memref<10000x128xf32, #tpu.memory_space<vmem_shared>> -> memref<624x128xf32, #tpu.memory_space<vmem_shared>>
        tpu.enqueue_dma source(%dma_start3A_251 : memref<624x128xf32, #tpu.memory_space<vmem_shared>>) target(%dma_start3A_249 : memref<624x128xf32, #tpu.memory_space<hbm>>) target_semaphore(%run_scoped3A : memref<!tpu.dma_semaphore, #tpu.memory_space<semaphore_mem>>)
        %dma_wait3A_252 = arith.constant 0 : i32
        %dma_wait3A_253 = tpu.memref_slice %arg5[%arg0, %mul3A_2, %dma_wait3A_252] : memref<2x10000x128xf32, #tpu.memory_space<hbm>> -> memref<1x624x128xf32, #tpu.memory_space<hbm>>
        %dma_wait3A_254 = tpu.memref_squeeze %dma_wait3A_253 : memref<1x624x128xf32, #tpu.memory_space<hbm>> -> memref<624x128xf32, #tpu.memory_space<hbm>>
        %dma_wait3A_255 = arith.constant 0 : i32
        %dma_wait3A_256 = tpu.memref_slice %arg6[%mul3A_2, %dma_wait3A_255] : memref<10000x128xf32, #tpu.memory_space<vmem_shared>> -> memref<624x128xf32, #tpu.memory_space<vmem_shared>>
        tpu.wait_dma2 semaphore(%run_scoped3A : memref<!tpu.dma_semaphore, #tpu.memory_space<semaphore_mem>>) src(%dma_wait3A_256 : memref<624x128xf32, #tpu.memory_space<vmem_shared>>) dst(%dma_wait3A_254 : memref<624x128xf32, #tpu.memory_space<hbm>>)
        tpu.yield
      }) : () -> ()
    } else {
    }
    %eq3A_242 = arith.constant 15 : i32
    %eq3A_243 = arith.cmpi eq, %arg1, %eq3A_242 : i32
    %convert_element_type3A_244 = arith.extui %eq3A_243 : i1 to i32
    %cond3A_245 = arith.constant 0 : i32
    %cond3A_246 = arith.cmpi ne, %convert_element_type3A_244, %cond3A_245 : i32
    scf.if %cond3A_246 {
      "tpu.region"() ({
        %run_scoped3A = tpu.sem_alloc : memref<!tpu.dma_semaphore, #tpu.memory_space<semaphore_mem>>
        %dma_start3A_247 = arith.constant 0 : i32
        %dma_start3A_248 = tpu.memref_slice %arg5[%arg0, %mul3A_2, %dma_start3A_247] : memref<2x10000x128xf32, #tpu.memory_space<hbm>> -> memref<1x640x128xf32, #tpu.memory_space<hbm>>
        %dma_start3A_249 = tpu.memref_squeeze %dma_start3A_248 : memref<1x640x128xf32, #tpu.memory_space<hbm>> -> memref<640x128xf32, #tpu.memory_space<hbm>>
        %dma_start3A_250 = arith.constant 0 : i32
        %dma_start3A_251 = tpu.memref_slice %arg6[%mul3A_2, %dma_start3A_250] : memref<10000x128xf32, #tpu.memory_space<vmem_shared>> -> memref<640x128xf32, #tpu.memory_space<vmem_shared>>
        tpu.enqueue_dma source(%dma_start3A_251 : memref<640x128xf32, #tpu.memory_space<vmem_shared>>) target(%dma_start3A_249 : memref<640x128xf32, #tpu.memory_space<hbm>>) target_semaphore(%run_scoped3A : memref<!tpu.dma_semaphore, #tpu.memory_space<semaphore_mem>>)
        %dma_wait3A_252 = arith.constant 0 : i32
        %dma_wait3A_253 = tpu.memref_slice %arg5[%arg0, %mul3A_2, %dma_wait3A_252] : memref<2x10000x128xf32, #tpu.memory_space<hbm>> -> memref<1x640x128xf32, #tpu.memory_space<hbm>>
        %dma_wait3A_254 = tpu.memref_squeeze %dma_wait3A_253 : memref<1x640x128xf32, #tpu.memory_space<hbm>> -> memref<640x128xf32, #tpu.memory_space<hbm>>
        %dma_wait3A_255 = arith.constant 0 : i32
        %dma_wait3A_256 = tpu.memref_slice %arg6[%mul3A_2, %dma_wait3A_255] : memref<10000x128xf32, #tpu.memory_space<vmem_shared>> -> memref<640x128xf32, #tpu.memory_space<vmem_shared>>
        tpu.wait_dma2 semaphore(%run_scoped3A : memref<!tpu.dma_semaphore, #tpu.memory_space<semaphore_mem>>) src(%dma_wait3A_256 : memref<640x128xf32, #tpu.memory_space<vmem_shared>>) dst(%dma_wait3A_254 : memref<640x128xf32, #tpu.memory_space<hbm>>)
        tpu.yield
      }) : () -> ()
    } else {
    }
    return
  }
}

#map = affine_map<(d0, d1) -> (0, 0, 0, 0)>
#map1 = affine_map<(d0, d1) -> (0, 0)>
#map2 = affine_map<(d0, d1) -> (0, 0, 0)>
module attributes {stable_mosaic.version = 14 : i64} {
  func.func @_seg_sum_body(%arg0: i32, %arg1: i32, %arg2: memref<2x32x100x100xi32, #tpu.memory_space<hbm>>, %arg3: memref<10000x128xf32, #tpu.memory_space<hbm>>, %arg4: memref<640x128xf32, #tpu.memory_space<hbm>>, %arg5: memref<2x10000x128xf32, #tpu.memory_space<hbm>>, %arg6: memref<10000x128xf32, #tpu.memory_space<vmem_shared>>, %arg7: memref<2x100xi32, #tpu.memory_space<vmem>>, %arg8: memref<2x100xi32, #tpu.memory_space<vmem>>, %arg9: memref<2x100xi32, #tpu.memory_space<vmem>>, %arg10: memref<2x100xi32, #tpu.memory_space<vmem>>, %arg11: memref<2x100xi32, #tpu.memory_space<vmem>>, %arg12: memref<2x100xi32, #tpu.memory_space<vmem>>, %arg13: memref<100x128xf32, #tpu.memory_space<vmem>>, %arg14: memref<100x128xf32, #tpu.memory_space<vmem>>, %arg15: memref<100x128xf32, #tpu.memory_space<vmem>>, %arg16: memref<!tpu.dma_semaphore, #tpu.memory_space<semaphore_mem>>, %arg17: memref<!tpu.dma_semaphore, #tpu.memory_space<semaphore_mem>>, %arg18: memref<!tpu.dma_semaphore, #tpu.memory_space<semaphore_mem>>, %arg19: memref<!tpu.dma_semaphore, #tpu.memory_space<semaphore_mem>>, %arg20: memref<!tpu.dma_semaphore, #tpu.memory_space<semaphore_mem>>, %arg21: memref<!tpu.dma_semaphore, #tpu.memory_space<semaphore_mem>>, %arg22: memref<!tpu.dma_semaphore, #tpu.memory_space<semaphore_mem>>, %arg23: memref<!tpu.dma_semaphore, #tpu.memory_space<semaphore_mem>>, %arg24: memref<!tpu.dma_semaphore, #tpu.memory_space<semaphore_mem>>, %arg25: memref<!tpu.dma_semaphore, #tpu.memory_space<semaphore_mem>>, %arg26: memref<!tpu.dma_semaphore, #tpu.memory_space<semaphore_mem>>, %arg27: memref<!tpu.dma_semaphore, #tpu.memory_space<semaphore_mem>>, %arg28: memref<!tpu.dma_semaphore, #tpu.memory_space<semaphore_mem>>) attributes {dimension_semantics = [#tpu.dimension_semantics<core_parallel>, #tpu.dimension_semantics<subcore_parallel>], iteration_bounds = array<i64: 2, 16>, scalar_prefetch = 0 : i64, scratch_operands = 23 : i64, tpu.core_type = #tpu.core_type<sc_vector_subcore>, window_params = [{transform_indices = #map}, {transform_indices = #map1}, {transform_indices = #map1}, {transform_indices = #map2}]} {
    %mul3A = arith.constant 16 : i32
    %mul3A_0 = arith.muli %arg0, %mul3A : i32
    %add3A = arith.addi %mul3A_0, %arg1 : i32
    %mul3A_1 = arith.constant 624 : i32
    %mul3A_2 = arith.muli %arg1, %mul3A_1 : i32
    %lt3A = arith.constant 15 : i32
    %lt3A_3 = arith.cmpi slt, %arg1, %lt3A : i32
    %convert_element_type3A = arith.extui %lt3A_3 : i1 to i32
    %cond3A = arith.constant 0 : i32
    %cond3A_4 = arith.cmpi ne, %convert_element_type3A, %cond3A : i32
    scf.if %cond3A_4 {
      %dma_start3A_247 = arith.constant 0 : i32
      %dma_start3A_248 = tpu.memref_slice %arg6[%mul3A_2, %dma_start3A_247] : memref<10000x128xf32, #tpu.memory_space<vmem_shared>> -> memref<624x128xf32, #tpu.memory_space<vmem_shared>>
      %dma_start3A_249 = arith.constant 0 : i32
      %dma_start3A_250 = arith.constant 0 : i32
      %dma_start3A_251 = tpu.memref_slice %arg4[%dma_start3A_249, %dma_start3A_250] : memref<640x128xf32, #tpu.memory_space<hbm>> -> memref<624x128xf32, #tpu.memory_space<hbm>>
      tpu.enqueue_dma source(%dma_start3A_251 : memref<624x128xf32, #tpu.memory_space<hbm>>) target(%dma_start3A_248 : memref<624x128xf32, #tpu.memory_space<vmem_shared>>) target_semaphore(%arg16 : memref<!tpu.dma_semaphore, #tpu.memory_space<semaphore_mem>>)
    } else {
    }
    %eq3A = arith.constant 15 : i32
    %eq3A_5 = arith.cmpi eq, %arg1, %eq3A : i32
    %convert_element_type3A_6 = arith.extui %eq3A_5 : i1 to i32
    %cond3A_7 = arith.constant 0 : i32
    %cond3A_8 = arith.cmpi ne, %convert_element_type3A_6, %cond3A_7 : i32
    scf.if %cond3A_8 {
      %dma_start3A_247 = arith.constant 0 : i32
      %dma_start3A_248 = tpu.memref_slice %arg6[%mul3A_2, %dma_start3A_247] : memref<10000x128xf32, #tpu.memory_space<vmem_shared>> -> memref<640x128xf32, #tpu.memory_space<vmem_shared>>
      tpu.enqueue_dma source(%arg4 : memref<640x128xf32, #tpu.memory_space<hbm>>) target(%dma_start3A_248 : memref<640x128xf32, #tpu.memory_space<vmem_shared>>) target_semaphore(%arg16 : memref<!tpu.dma_semaphore, #tpu.memory_space<semaphore_mem>>)
    } else {
    }
    %dma_start3A = arith.constant 0 : i32
    %dma_start3A_9 = arith.constant 0 : i32
    %dma_start3A_10 = arith.constant 0 : i32
    %dma_start3A_11 = tpu.memref_slice %arg2[%dma_start3A_9, %add3A, %dma_start3A, %dma_start3A_10] : memref<2x32x100x100xi32, #tpu.memory_space<hbm>> -> memref<2x1x1x100xi32, #tpu.memory_space<hbm>>
    %dma_start3A_12 = tpu.memref_squeeze %dma_start3A_11 : memref<2x1x1x100xi32, #tpu.memory_space<hbm>> -> memref<2x100xi32, #tpu.memory_space<hbm>>
    %dma_start3A_13 = arith.constant 0 : i32
    %dma_start3A_14 = arith.constant 0 : i32
    %dma_start3A_15 = tpu.memref_slice %arg2[%dma_start3A_13, %add3A, %dma_start3A, %dma_start3A_14] : memref<2x32x100x100xi32, #tpu.memory_space<hbm>> -> memref<2x1x1x100xi32, #tpu.memory_space<hbm>>
    %dma_start3A_16 = tpu.memref_squeeze %dma_start3A_15 : memref<2x1x1x100xi32, #tpu.memory_space<hbm>> -> memref<2x100xi32, #tpu.memory_space<hbm>>
    tpu.enqueue_dma source(%dma_start3A_16 : memref<2x100xi32, #tpu.memory_space<hbm>>) target(%arg7 : memref<2x100xi32, #tpu.memory_space<vmem>>) target_semaphore(%arg17 : memref<!tpu.dma_semaphore, #tpu.memory_space<semaphore_mem>>)
    %dma_start3A_17 = arith.constant 1 : i32
    %dma_start3A_18 = arith.constant 0 : i32
    %dma_start3A_19 = arith.constant 0 : i32
    %dma_start3A_20 = tpu.memref_slice %arg2[%dma_start3A_18, %add3A, %dma_start3A_17, %dma_start3A_19] : memref<2x32x100x100xi32, #tpu.memory_space<hbm>> -> memref<2x1x1x100xi32, #tpu.memory_space<hbm>>
    %dma_start3A_21 = tpu.memref_squeeze %dma_start3A_20 : memref<2x1x1x100xi32, #tpu.memory_space<hbm>> -> memref<2x100xi32, #tpu.memory_space<hbm>>
    %dma_start3A_22 = arith.constant 0 : i32
    %dma_start3A_23 = arith.constant 0 : i32
    %dma_start3A_24 = tpu.memref_slice %arg2[%dma_start3A_22, %add3A, %dma_start3A_17, %dma_start3A_23] : memref<2x32x100x100xi32, #tpu.memory_space<hbm>> -> memref<2x1x1x100xi32, #tpu.memory_space<hbm>>
    %dma_start3A_25 = tpu.memref_squeeze %dma_start3A_24 : memref<2x1x1x100xi32, #tpu.memory_space<hbm>> -> memref<2x100xi32, #tpu.memory_space<hbm>>
    tpu.enqueue_dma source(%dma_start3A_25 : memref<2x100xi32, #tpu.memory_space<hbm>>) target(%arg8 : memref<2x100xi32, #tpu.memory_space<vmem>>) target_semaphore(%arg18 : memref<!tpu.dma_semaphore, #tpu.memory_space<semaphore_mem>>)
    %dma_start3A_26 = arith.constant 2 : i32
    %dma_start3A_27 = arith.constant 0 : i32
    %dma_start3A_28 = arith.constant 0 : i32
    %dma_start3A_29 = tpu.memref_slice %arg2[%dma_start3A_27, %add3A, %dma_start3A_26, %dma_start3A_28] : memref<2x32x100x100xi32, #tpu.memory_space<hbm>> -> memref<2x1x1x100xi32, #tpu.memory_space<hbm>>
    %dma_start3A_30 = tpu.memref_squeeze %dma_start3A_29 : memref<2x1x1x100xi32, #tpu.memory_space<hbm>> -> memref<2x100xi32, #tpu.memory_space<hbm>>
    %dma_start3A_31 = arith.constant 0 : i32
    %dma_start3A_32 = arith.constant 0 : i32
    %dma_start3A_33 = tpu.memref_slice %arg2[%dma_start3A_31, %add3A, %dma_start3A_26, %dma_start3A_32] : memref<2x32x100x100xi32, #tpu.memory_space<hbm>> -> memref<2x1x1x100xi32, #tpu.memory_space<hbm>>
    %dma_start3A_34 = tpu.memref_squeeze %dma_start3A_33 : memref<2x1x1x100xi32, #tpu.memory_space<hbm>> -> memref<2x100xi32, #tpu.memory_space<hbm>>
    tpu.enqueue_dma source(%dma_start3A_34 : memref<2x100xi32, #tpu.memory_space<hbm>>) target(%arg9 : memref<2x100xi32, #tpu.memory_space<vmem>>) target_semaphore(%arg19 : memref<!tpu.dma_semaphore, #tpu.memory_space<semaphore_mem>>)
    %lt3A_35 = arith.constant 15 : i32
    %lt3A_36 = arith.cmpi slt, %arg1, %lt3A_35 : i32
    %convert_element_type3A_37 = arith.extui %lt3A_36 : i1 to i32
    %cond3A_38 = arith.constant 0 : i32
    %cond3A_39 = arith.cmpi ne, %convert_element_type3A_37, %cond3A_38 : i32
    scf.if %cond3A_39 {
      %dma_wait3A_247 = arith.constant 0 : i32
      %dma_wait3A_248 = tpu.memref_slice %arg6[%mul3A_2, %dma_wait3A_247] : memref<10000x128xf32, #tpu.memory_space<vmem_shared>> -> memref<624x128xf32, #tpu.memory_space<vmem_shared>>
      %dma_wait3A_249 = arith.constant 0 : i32
      %dma_wait3A_250 = arith.constant 0 : i32
      %dma_wait3A_251 = tpu.memref_slice %arg4[%dma_wait3A_249, %dma_wait3A_250] : memref<640x128xf32, #tpu.memory_space<hbm>> -> memref<624x128xf32, #tpu.memory_space<hbm>>
      tpu.wait_dma2 semaphore(%arg16 : memref<!tpu.dma_semaphore, #tpu.memory_space<semaphore_mem>>) src(%dma_wait3A_251 : memref<624x128xf32, #tpu.memory_space<hbm>>) dst(%dma_wait3A_248 : memref<624x128xf32, #tpu.memory_space<vmem_shared>>)
    } else {
    }
    %eq3A_40 = arith.constant 15 : i32
    %eq3A_41 = arith.cmpi eq, %arg1, %eq3A_40 : i32
    %convert_element_type3A_42 = arith.extui %eq3A_41 : i1 to i32
    %cond3A_43 = arith.constant 0 : i32
    %cond3A_44 = arith.cmpi ne, %convert_element_type3A_42, %cond3A_43 : i32
    scf.if %cond3A_44 {
      %dma_wait3A_247 = arith.constant 0 : i32
      %dma_wait3A_248 = tpu.memref_slice %arg6[%mul3A_2, %dma_wait3A_247] : memref<10000x128xf32, #tpu.memory_space<vmem_shared>> -> memref<640x128xf32, #tpu.memory_space<vmem_shared>>
      tpu.wait_dma2 semaphore(%arg16 : memref<!tpu.dma_semaphore, #tpu.memory_space<semaphore_mem>>) src(%arg4 : memref<640x128xf32, #tpu.memory_space<hbm>>) dst(%dma_wait3A_248 : memref<640x128xf32, #tpu.memory_space<vmem_shared>>)
    } else {
    }
    %dma_wait3A = arith.constant 0 : i32
    %dma_wait3A_45 = arith.constant 0 : i32
    %dma_wait3A_46 = arith.constant 0 : i32
    %dma_wait3A_47 = tpu.memref_slice %arg2[%dma_wait3A_45, %add3A, %dma_wait3A, %dma_wait3A_46] : memref<2x32x100x100xi32, #tpu.memory_space<hbm>> -> memref<2x1x1x100xi32, #tpu.memory_space<hbm>>
    %dma_wait3A_48 = tpu.memref_squeeze %dma_wait3A_47 : memref<2x1x1x100xi32, #tpu.memory_space<hbm>> -> memref<2x100xi32, #tpu.memory_space<hbm>>
    %dma_wait3A_49 = arith.constant 0 : i32
    %dma_wait3A_50 = arith.constant 0 : i32
    %dma_wait3A_51 = tpu.memref_slice %arg2[%dma_wait3A_49, %add3A, %dma_wait3A, %dma_wait3A_50] : memref<2x32x100x100xi32, #tpu.memory_space<hbm>> -> memref<2x1x1x100xi32, #tpu.memory_space<hbm>>
    %dma_wait3A_52 = tpu.memref_squeeze %dma_wait3A_51 : memref<2x1x1x100xi32, #tpu.memory_space<hbm>> -> memref<2x100xi32, #tpu.memory_space<hbm>>
    tpu.wait_dma2 semaphore(%arg17 : memref<!tpu.dma_semaphore, #tpu.memory_space<semaphore_mem>>) src(%dma_wait3A_52 : memref<2x100xi32, #tpu.memory_space<hbm>>) dst(%arg7 : memref<2x100xi32, #tpu.memory_space<vmem>>)
    %dma_start3A_53 = arith.constant 0 : i32
    %dma_start3A_54 = arith.constant 0 : i32
    %dma_start3A_55 = tpu.memref_slice %arg7[%dma_start3A_53, %dma_start3A_54] : memref<2x100xi32, #tpu.memory_space<vmem>> -> memref<1x100xi32, #tpu.memory_space<vmem>>
    %dma_start3A_56 = tpu.memref_squeeze %dma_start3A_55 : memref<1x100xi32, #tpu.memory_space<vmem>> -> memref<100xi32, #tpu.memory_space<vmem>>
    %dma_start3A_57 = arith.constant 0 : i32
    %dma_start3A_58 = arith.constant 0 : i32
    %dma_start3A_59 = tpu.memref_slice %arg3[%dma_start3A_57, %dma_start3A_58] : memref<10000x128xf32, #tpu.memory_space<hbm>> -> memref<10000x128xf32, #tpu.memory_space<hbm>>
    tpu.enqueue_indirect_dma source(%dma_start3A_59 : memref<10000x128xf32, #tpu.memory_space<hbm>>) target(%arg13 : memref<100x128xf32, #tpu.memory_space<vmem>>) offsets(%dma_start3A_56 : memref<100xi32, #tpu.memory_space<vmem>>) semaphore(%arg23 : memref<!tpu.dma_semaphore, #tpu.memory_space<semaphore_mem>>)
    %dma_wait3A_60 = arith.constant 1 : i32
    %dma_wait3A_61 = arith.constant 0 : i32
    %dma_wait3A_62 = arith.constant 0 : i32
    %dma_wait3A_63 = tpu.memref_slice %arg2[%dma_wait3A_61, %add3A, %dma_wait3A_60, %dma_wait3A_62] : memref<2x32x100x100xi32, #tpu.memory_space<hbm>> -> memref<2x1x1x100xi32, #tpu.memory_space<hbm>>
    %dma_wait3A_64 = tpu.memref_squeeze %dma_wait3A_63 : memref<2x1x1x100xi32, #tpu.memory_space<hbm>> -> memref<2x100xi32, #tpu.memory_space<hbm>>
    %dma_wait3A_65 = arith.constant 0 : i32
    %dma_wait3A_66 = arith.constant 0 : i32
    %dma_wait3A_67 = tpu.memref_slice %arg2[%dma_wait3A_65, %add3A, %dma_wait3A_60, %dma_wait3A_66] : memref<2x32x100x100xi32, #tpu.memory_space<hbm>> -> memref<2x1x1x100xi32, #tpu.memory_space<hbm>>
    %dma_wait3A_68 = tpu.memref_squeeze %dma_wait3A_67 : memref<2x1x1x100xi32, #tpu.memory_space<hbm>> -> memref<2x100xi32, #tpu.memory_space<hbm>>
    tpu.wait_dma2 semaphore(%arg18 : memref<!tpu.dma_semaphore, #tpu.memory_space<semaphore_mem>>) src(%dma_wait3A_68 : memref<2x100xi32, #tpu.memory_space<hbm>>) dst(%arg8 : memref<2x100xi32, #tpu.memory_space<vmem>>)
    %dma_start3A_69 = arith.constant 0 : i32
    %dma_start3A_70 = arith.constant 0 : i32
    %dma_start3A_71 = tpu.memref_slice %arg8[%dma_start3A_69, %dma_start3A_70] : memref<2x100xi32, #tpu.memory_space<vmem>> -> memref<1x100xi32, #tpu.memory_space<vmem>>
    %dma_start3A_72 = tpu.memref_squeeze %dma_start3A_71 : memref<1x100xi32, #tpu.memory_space<vmem>> -> memref<100xi32, #tpu.memory_space<vmem>>
    %dma_start3A_73 = arith.constant 0 : i32
    %dma_start3A_74 = arith.constant 0 : i32
    %dma_start3A_75 = tpu.memref_slice %arg3[%dma_start3A_73, %dma_start3A_74] : memref<10000x128xf32, #tpu.memory_space<hbm>> -> memref<10000x128xf32, #tpu.memory_space<hbm>>
    tpu.enqueue_indirect_dma source(%dma_start3A_75 : memref<10000x128xf32, #tpu.memory_space<hbm>>) target(%arg14 : memref<100x128xf32, #tpu.memory_space<vmem>>) offsets(%dma_start3A_72 : memref<100xi32, #tpu.memory_space<vmem>>) semaphore(%arg24 : memref<!tpu.dma_semaphore, #tpu.memory_space<semaphore_mem>>)
    %barrier3A = arith.constant 0 : index
    tpu.barrier barrier_id(%barrier3A)
    %scan3A = arith.constant 0 : i32
    %scan3A_76 = arith.constant 16 : i32
    %scan3A_77 = arith.addi %scan3A, %scan3A_76 : i32
    %scan3A_78 = arith.constant 1 : i32
    scf.for %scan3A_247 = %scan3A to %scan3A_77 step %scan3A_78  : i32 {
      %mul3A_248 = arith.constant 1 : i32
      %mul3A_249 = arith.muli %scan3A_247, %mul3A_248 : i32
      %add3A_250 = arith.constant 0 : i32
      %add3A_251 = arith.addi %add3A_250, %mul3A_249 : i32
      %mul3A_252 = arith.constant 6 : i32
      %mul3A_253 = arith.muli %mul3A_252, %add3A_251 : i32
      %add3A_254 = arith.constant 0 : i32
      %add3A_255 = arith.addi %mul3A_253, %add3A_254 : i32
      %dma_wait3A_256 = arith.constant 0 : i32
      %dma_wait3A_257 = arith.constant 0 : i32
      %dma_wait3A_258 = tpu.memref_slice %arg7[%dma_wait3A_256, %dma_wait3A_257] : memref<2x100xi32, #tpu.memory_space<vmem>> -> memref<1x100xi32, #tpu.memory_space<vmem>>
      %dma_wait3A_259 = tpu.memref_squeeze %dma_wait3A_258 : memref<1x100xi32, #tpu.memory_space<vmem>> -> memref<100xi32, #tpu.memory_space<vmem>>
      %dma_wait3A_260 = arith.constant 0 : i32
      %dma_wait3A_261 = arith.constant 0 : i32
      %dma_wait3A_262 = tpu.memref_slice %arg3[%dma_wait3A_260, %dma_wait3A_261] : memref<10000x128xf32, #tpu.memory_space<hbm>> -> memref<10000x128xf32, #tpu.memory_space<hbm>>
      tpu.wait_indirect_dma semaphore(%arg23 : memref<!tpu.dma_semaphore, #tpu.memory_space<semaphore_mem>>) src(%dma_wait3A_262 : memref<10000x128xf32, #tpu.memory_space<hbm>>) dst(%arg13 : memref<100x128xf32, #tpu.memory_space<vmem>>)
      %dma_start3A_263 = arith.constant 1 : i32
      %dma_start3A_264 = arith.constant 0 : i32
      %dma_start3A_265 = tpu.memref_slice %arg7[%dma_start3A_263, %dma_start3A_264] : memref<2x100xi32, #tpu.memory_space<vmem>> -> memref<1x100xi32, #tpu.memory_space<vmem>>
      %dma_start3A_266 = tpu.memref_squeeze %dma_start3A_265 : memref<1x100xi32, #tpu.memory_space<vmem>> -> memref<100xi32, #tpu.memory_space<vmem>>
      %dma_start3A_267 = arith.constant 0 : i32
      %dma_start3A_268 = arith.constant 0 : i32
      %dma_start3A_269 = tpu.memref_slice %arg6[%dma_start3A_267, %dma_start3A_268] : memref<10000x128xf32, #tpu.memory_space<vmem_shared>> -> memref<10000x128xf32, #tpu.memory_space<vmem_shared>>
      tpu.enqueue_indirect_dma source(%arg13 : memref<100x128xf32, #tpu.memory_space<vmem>>) target(%dma_start3A_269 : memref<10000x128xf32, #tpu.memory_space<vmem_shared>>) offsets(%dma_start3A_266 : memref<100xi32, #tpu.memory_space<vmem>>) semaphore(%arg26 : memref<!tpu.dma_semaphore, #tpu.memory_space<semaphore_mem>>) {add = true}
      %add3A_270 = arith.constant 3 : i32
      %add3A_271 = arith.addi %add3A_255, %add3A_270 : i32
      %lt3A_272 = arith.constant 100 : i32
      %lt3A_273 = arith.cmpi slt, %add3A_271, %lt3A_272 : i32
      %convert_element_type3A_274 = arith.extui %lt3A_273 : i1 to i32
      %cond3A_275 = arith.constant 0 : i32
      %cond3A_276 = arith.cmpi ne, %convert_element_type3A_274, %cond3A_275 : i32
      scf.if %cond3A_276 {
        %add3A_446 = arith.constant 3 : i32
        %add3A_447 = arith.addi %add3A_255, %add3A_446 : i32
        %dma_start3A_448 = arith.constant 0 : i32
        %dma_start3A_449 = arith.constant 0 : i32
        %dma_start3A_450 = tpu.memref_slice %arg2[%dma_start3A_448, %add3A, %add3A_447, %dma_start3A_449] : memref<2x32x100x100xi32, #tpu.memory_space<hbm>> -> memref<2x1x1x100xi32, #tpu.memory_space<hbm>>
        %dma_start3A_451 = tpu.memref_squeeze %dma_start3A_450 : memref<2x1x1x100xi32, #tpu.memory_space<hbm>> -> memref<2x100xi32, #tpu.memory_space<hbm>>
        %dma_start3A_452 = arith.constant 0 : i32
        %dma_start3A_453 = arith.constant 0 : i32
        %dma_start3A_454 = tpu.memref_slice %arg2[%dma_start3A_452, %add3A, %add3A_447, %dma_start3A_453] : memref<2x32x100x100xi32, #tpu.memory_space<hbm>> -> memref<2x1x1x100xi32, #tpu.memory_space<hbm>>
        %dma_start3A_455 = tpu.memref_squeeze %dma_start3A_454 : memref<2x1x1x100xi32, #tpu.memory_space<hbm>> -> memref<2x100xi32, #tpu.memory_space<hbm>>
        tpu.enqueue_dma source(%dma_start3A_455 : memref<2x100xi32, #tpu.memory_space<hbm>>) target(%arg10 : memref<2x100xi32, #tpu.memory_space<vmem>>) target_semaphore(%arg20 : memref<!tpu.dma_semaphore, #tpu.memory_space<semaphore_mem>>)
      } else {
      }
      %add3A_277 = arith.constant 3 : i32
      %add3A_278 = arith.addi %add3A_255, %add3A_277 : i32
      %sub3A_279 = arith.constant 1 : i32
      %sub3A_280 = arith.subi %add3A_278, %sub3A_279 : i32
      %lt3A_281 = arith.constant 100 : i32
      %lt3A_282 = arith.cmpi slt, %sub3A_280, %lt3A_281 : i32
      %convert_element_type3A_283 = arith.extui %lt3A_282 : i1 to i32
      %cond3A_284 = arith.constant 0 : i32
      %cond3A_285 = arith.cmpi ne, %convert_element_type3A_283, %cond3A_284 : i32
      scf.if %cond3A_285 {
        %ge3A = arith.constant 1 : i32
        %ge3A_446 = arith.cmpi sge, %add3A_255, %ge3A : i32
        %convert_element_type3A_447 = arith.extui %ge3A_446 : i1 to i32
        %cond3A_448 = arith.constant 0 : i32
        %cond3A_449 = arith.cmpi ne, %convert_element_type3A_447, %cond3A_448 : i32
        scf.if %cond3A_449 {
          %dma_wait3A_466 = arith.constant 1 : i32
          %dma_wait3A_467 = arith.constant 0 : i32
          %dma_wait3A_468 = tpu.memref_slice %arg7[%dma_wait3A_466, %dma_wait3A_467] : memref<2x100xi32, #tpu.memory_space<vmem>> -> memref<1x100xi32, #tpu.memory_space<vmem>>
          %dma_wait3A_469 = tpu.memref_squeeze %dma_wait3A_468 : memref<1x100xi32, #tpu.memory_space<vmem>> -> memref<100xi32, #tpu.memory_space<vmem>>
          %dma_wait3A_470 = arith.constant 0 : i32
          %dma_wait3A_471 = arith.constant 0 : i32
          %dma_wait3A_472 = tpu.memref_slice %arg6[%dma_wait3A_470, %dma_wait3A_471] : memref<10000x128xf32, #tpu.memory_space<vmem_shared>> -> memref<10000x128xf32, #tpu.memory_space<vmem_shared>>
          tpu.wait_indirect_dma semaphore(%arg28 : memref<!tpu.dma_semaphore, #tpu.memory_space<semaphore_mem>>) src(%arg15 : memref<100x128xf32, #tpu.memory_space<vmem>>) dst(%dma_wait3A_472 : memref<10000x128xf32, #tpu.memory_space<vmem_shared>>)
        } else {
        }
        %dma_wait3A_450 = arith.constant 0 : i32
        %dma_wait3A_451 = arith.constant 0 : i32
        %dma_wait3A_452 = arith.constant 0 : i32
        %dma_wait3A_453 = tpu.memref_slice %arg2[%dma_wait3A_451, %add3A, %dma_wait3A_450, %dma_wait3A_452] : memref<2x32x100x100xi32, #tpu.memory_space<hbm>> -> memref<2x1x1x100xi32, #tpu.memory_space<hbm>>
        %dma_wait3A_454 = tpu.memref_squeeze %dma_wait3A_453 : memref<2x1x1x100xi32, #tpu.memory_space<hbm>> -> memref<2x100xi32, #tpu.memory_space<hbm>>
        %dma_wait3A_455 = arith.constant 0 : i32
        %dma_wait3A_456 = arith.constant 0 : i32
        %dma_wait3A_457 = tpu.memref_slice %arg2[%dma_wait3A_455, %add3A, %dma_wait3A_450, %dma_wait3A_456] : memref<2x32x100x100xi32, #tpu.memory_space<hbm>> -> memref<2x1x1x100xi32, #tpu.memory_space<hbm>>
        %dma_wait3A_458 = tpu.memref_squeeze %dma_wait3A_457 : memref<2x1x1x100xi32, #tpu.memory_space<hbm>> -> memref<2x100xi32, #tpu.memory_space<hbm>>
        tpu.wait_dma2 semaphore(%arg19 : memref<!tpu.dma_semaphore, #tpu.memory_space<semaphore_mem>>) src(%dma_wait3A_458 : memref<2x100xi32, #tpu.memory_space<hbm>>) dst(%arg9 : memref<2x100xi32, #tpu.memory_space<vmem>>)
        %dma_start3A_459 = arith.constant 0 : i32
        %dma_start3A_460 = arith.constant 0 : i32
        %dma_start3A_461 = tpu.memref_slice %arg9[%dma_start3A_459, %dma_start3A_460] : memref<2x100xi32, #tpu.memory_space<vmem>> -> memref<1x100xi32, #tpu.memory_space<vmem>>
        %dma_start3A_462 = tpu.memref_squeeze %dma_start3A_461 : memref<1x100xi32, #tpu.memory_space<vmem>> -> memref<100xi32, #tpu.memory_space<vmem>>
        %dma_start3A_463 = arith.constant 0 : i32
        %dma_start3A_464 = arith.constant 0 : i32
        %dma_start3A_465 = tpu.memref_slice %arg3[%dma_start3A_463, %dma_start3A_464] : memref<10000x128xf32, #tpu.memory_space<hbm>> -> memref<10000x128xf32, #tpu.memory_space<hbm>>
        tpu.enqueue_indirect_dma source(%dma_start3A_465 : memref<10000x128xf32, #tpu.memory_space<hbm>>) target(%arg15 : memref<100x128xf32, #tpu.memory_space<vmem>>) offsets(%dma_start3A_462 : memref<100xi32, #tpu.memory_space<vmem>>) semaphore(%arg25 : memref<!tpu.dma_semaphore, #tpu.memory_space<semaphore_mem>>)
      } else {
      }
      %add3A_286 = arith.constant 1 : i32
      %add3A_287 = arith.addi %mul3A_253, %add3A_286 : i32
      %dma_wait3A_288 = arith.constant 0 : i32
      %dma_wait3A_289 = arith.constant 0 : i32
      %dma_wait3A_290 = tpu.memref_slice %arg8[%dma_wait3A_288, %dma_wait3A_289] : memref<2x100xi32, #tpu.memory_space<vmem>> -> memref<1x100xi32, #tpu.memory_space<vmem>>
      %dma_wait3A_291 = tpu.memref_squeeze %dma_wait3A_290 : memref<1x100xi32, #tpu.memory_space<vmem>> -> memref<100xi32, #tpu.memory_space<vmem>>
      %dma_wait3A_292 = arith.constant 0 : i32
      %dma_wait3A_293 = arith.constant 0 : i32
      %dma_wait3A_294 = tpu.memref_slice %arg3[%dma_wait3A_292, %dma_wait3A_293] : memref<10000x128xf32, #tpu.memory_space<hbm>> -> memref<10000x128xf32, #tpu.memory_space<hbm>>
      tpu.wait_indirect_dma semaphore(%arg24 : memref<!tpu.dma_semaphore, #tpu.memory_space<semaphore_mem>>) src(%dma_wait3A_294 : memref<10000x128xf32, #tpu.memory_space<hbm>>) dst(%arg14 : memref<100x128xf32, #tpu.memory_space<vmem>>)
      %dma_start3A_295 = arith.constant 1 : i32
      %dma_start3A_296 = arith.constant 0 : i32
      %dma_start3A_297 = tpu.memref_slice %arg8[%dma_start3A_295, %dma_start3A_296] : memref<2x100xi32, #tpu.memory_space<vmem>> -> memref<1x100xi32, #tpu.memory_space<vmem>>
      %dma_start3A_298 = tpu.memref_squeeze %dma_start3A_297 : memref<1x100xi32, #tpu.memory_space<vmem>> -> memref<100xi32, #tpu.memory_space<vmem>>
      %dma_start3A_299 = arith.constant 0 : i32
      %dma_start3A_300 = arith.constant 0 : i32
      %dma_start3A_301 = tpu.memref_slice %arg6[%dma_start3A_299, %dma_start3A_300] : memref<10000x128xf32, #tpu.memory_space<vmem_shared>> -> memref<10000x128xf32, #tpu.memory_space<vmem_shared>>
      tpu.enqueue_indirect_dma source(%arg14 : memref<100x128xf32, #tpu.memory_space<vmem>>) target(%dma_start3A_301 : memref<10000x128xf32, #tpu.memory_space<vmem_shared>>) offsets(%dma_start3A_298 : memref<100xi32, #tpu.memory_space<vmem>>) semaphore(%arg27 : memref<!tpu.dma_semaphore, #tpu.memory_space<semaphore_mem>>) {add = true}
      %add3A_302 = arith.constant 3 : i32
      %add3A_303 = arith.addi %add3A_287, %add3A_302 : i32
      %lt3A_304 = arith.constant 100 : i32
      %lt3A_305 = arith.cmpi slt, %add3A_303, %lt3A_304 : i32
      %convert_element_type3A_306 = arith.extui %lt3A_305 : i1 to i32
      %cond3A_307 = arith.constant 0 : i32
      %cond3A_308 = arith.cmpi ne, %convert_element_type3A_306, %cond3A_307 : i32
      scf.if %cond3A_308 {
        %add3A_446 = arith.constant 3 : i32
        %add3A_447 = arith.addi %add3A_287, %add3A_446 : i32
        %dma_start3A_448 = arith.constant 0 : i32
        %dma_start3A_449 = arith.constant 0 : i32
        %dma_start3A_450 = tpu.memref_slice %arg2[%dma_start3A_448, %add3A, %add3A_447, %dma_start3A_449] : memref<2x32x100x100xi32, #tpu.memory_space<hbm>> -> memref<2x1x1x100xi32, #tpu.memory_space<hbm>>
        %dma_start3A_451 = tpu.memref_squeeze %dma_start3A_450 : memref<2x1x1x100xi32, #tpu.memory_space<hbm>> -> memref<2x100xi32, #tpu.memory_space<hbm>>
        %dma_start3A_452 = arith.constant 0 : i32
        %dma_start3A_453 = arith.constant 0 : i32
        %dma_start3A_454 = tpu.memref_slice %arg2[%dma_start3A_452, %add3A, %add3A_447, %dma_start3A_453] : memref<2x32x100x100xi32, #tpu.memory_space<hbm>> -> memref<2x1x1x100xi32, #tpu.memory_space<hbm>>
        %dma_start3A_455 = tpu.memref_squeeze %dma_start3A_454 : memref<2x1x1x100xi32, #tpu.memory_space<hbm>> -> memref<2x100xi32, #tpu.memory_space<hbm>>
        tpu.enqueue_dma source(%dma_start3A_455 : memref<2x100xi32, #tpu.memory_space<hbm>>) target(%arg11 : memref<2x100xi32, #tpu.memory_space<vmem>>) target_semaphore(%arg21 : memref<!tpu.dma_semaphore, #tpu.memory_space<semaphore_mem>>)
      } else {
      }
      %add3A_309 = arith.constant 3 : i32
      %add3A_310 = arith.addi %add3A_287, %add3A_309 : i32
      %sub3A_311 = arith.constant 1 : i32
      %sub3A_312 = arith.subi %add3A_310, %sub3A_311 : i32
      %lt3A_313 = arith.constant 100 : i32
      %lt3A_314 = arith.cmpi slt, %sub3A_312, %lt3A_313 : i32
      %convert_element_type3A_315 = arith.extui %lt3A_314 : i1 to i32
      %cond3A_316 = arith.constant 0 : i32
      %cond3A_317 = arith.cmpi ne, %convert_element_type3A_315, %cond3A_316 : i32
      scf.if %cond3A_317 {
        %ge3A = arith.constant 1 : i32
        %ge3A_446 = arith.cmpi sge, %add3A_287, %ge3A : i32
        %convert_element_type3A_447 = arith.extui %ge3A_446 : i1 to i32
        %cond3A_448 = arith.constant 0 : i32
        %cond3A_449 = arith.cmpi ne, %convert_element_type3A_447, %cond3A_448 : i32
        scf.if %cond3A_449 {
          %dma_wait3A_466 = arith.constant 1 : i32
          %dma_wait3A_467 = arith.constant 0 : i32
          %dma_wait3A_468 = tpu.memref_slice %arg7[%dma_wait3A_466, %dma_wait3A_467] : memref<2x100xi32, #tpu.memory_space<vmem>> -> memref<1x100xi32, #tpu.memory_space<vmem>>
          %dma_wait3A_469 = tpu.memref_squeeze %dma_wait3A_468 : memref<1x100xi32, #tpu.memory_space<vmem>> -> memref<100xi32, #tpu.memory_space<vmem>>
          %dma_wait3A_470 = arith.constant 0 : i32
          %dma_wait3A_471 = arith.constant 0 : i32
          %dma_wait3A_472 = tpu.memref_slice %arg6[%dma_wait3A_470, %dma_wait3A_471] : memref<10000x128xf32, #tpu.memory_space<vmem_shared>> -> memref<10000x128xf32, #tpu.memory_space<vmem_shared>>
          tpu.wait_indirect_dma semaphore(%arg26 : memref<!tpu.dma_semaphore, #tpu.memory_space<semaphore_mem>>) src(%arg13 : memref<100x128xf32, #tpu.memory_space<vmem>>) dst(%dma_wait3A_472 : memref<10000x128xf32, #tpu.memory_space<vmem_shared>>)
        } else {
        }
        %dma_wait3A_450 = arith.constant 0 : i32
        %dma_wait3A_451 = arith.constant 0 : i32
        %dma_wait3A_452 = arith.constant 0 : i32
        %dma_wait3A_453 = tpu.memref_slice %arg2[%dma_wait3A_451, %add3A, %dma_wait3A_450, %dma_wait3A_452] : memref<2x32x100x100xi32, #tpu.memory_space<hbm>> -> memref<2x1x1x100xi32, #tpu.memory_space<hbm>>
        %dma_wait3A_454 = tpu.memref_squeeze %dma_wait3A_453 : memref<2x1x1x100xi32, #tpu.memory_space<hbm>> -> memref<2x100xi32, #tpu.memory_space<hbm>>
        %dma_wait3A_455 = arith.constant 0 : i32
        %dma_wait3A_456 = arith.constant 0 : i32
        %dma_wait3A_457 = tpu.memref_slice %arg2[%dma_wait3A_455, %add3A, %dma_wait3A_450, %dma_wait3A_456] : memref<2x32x100x100xi32, #tpu.memory_space<hbm>> -> memref<2x1x1x100xi32, #tpu.memory_space<hbm>>
        %dma_wait3A_458 = tpu.memref_squeeze %dma_wait3A_457 : memref<2x1x1x100xi32, #tpu.memory_space<hbm>> -> memref<2x100xi32, #tpu.memory_space<hbm>>
        tpu.wait_dma2 semaphore(%arg20 : memref<!tpu.dma_semaphore, #tpu.memory_space<semaphore_mem>>) src(%dma_wait3A_458 : memref<2x100xi32, #tpu.memory_space<hbm>>) dst(%arg10 : memref<2x100xi32, #tpu.memory_space<vmem>>)
        %dma_start3A_459 = arith.constant 0 : i32
        %dma_start3A_460 = arith.constant 0 : i32
        %dma_start3A_461 = tpu.memref_slice %arg10[%dma_start3A_459, %dma_start3A_460] : memref<2x100xi32, #tpu.memory_space<vmem>> -> memref<1x100xi32, #tpu.memory_space<vmem>>
        %dma_start3A_462 = tpu.memref_squeeze %dma_start3A_461 : memref<1x100xi32, #tpu.memory_space<vmem>> -> memref<100xi32, #tpu.memory_space<vmem>>
        %dma_start3A_463 = arith.constant 0 : i32
        %dma_start3A_464 = arith.constant 0 : i32
        %dma_start3A_465 = tpu.memref_slice %arg3[%dma_start3A_463, %dma_start3A_464] : memref<10000x128xf32, #tpu.memory_space<hbm>> -> memref<10000x128xf32, #tpu.memory_space<hbm>>
        tpu.enqueue_indirect_dma source(%dma_start3A_465 : memref<10000x128xf32, #tpu.memory_space<hbm>>) target(%arg13 : memref<100x128xf32, #tpu.memory_space<vmem>>) offsets(%dma_start3A_462 : memref<100xi32, #tpu.memory_space<vmem>>) semaphore(%arg23 : memref<!tpu.dma_semaphore, #tpu.memory_space<semaphore_mem>>)
      } else {
      }
      %add3A_318 = arith.constant 2 : i32
      %add3A_319 = arith.addi %mul3A_253, %add3A_318 : i32
      %dma_wait3A_320 = arith.constant 0 : i32
      %dma_wait3A_321 = arith.constant 0 : i32
      %dma_wait3A_322 = tpu.memref_slice %arg9[%dma_wait3A_320, %dma_wait3A_321] : memref<2x100xi32, #tpu.memory_space<vmem>> -> memref<1x100xi32, #tpu.memory_space<vmem>>
      %dma_wait3A_323 = tpu.memref_squeeze %dma_wait3A_322 : memref<1x100xi32, #tpu.memory_space<vmem>> -> memref<100xi32, #tpu.memory_space<vmem>>
      %dma_wait3A_324 = arith.constant 0 : i32
      %dma_wait3A_325 = arith.constant 0 : i32
      %dma_wait3A_326 = tpu.memref_slice %arg3[%dma_wait3A_324, %dma_wait3A_325] : memref<10000x128xf32, #tpu.memory_space<hbm>> -> memref<10000x128xf32, #tpu.memory_space<hbm>>
      tpu.wait_indirect_dma semaphore(%arg25 : memref<!tpu.dma_semaphore, #tpu.memory_space<semaphore_mem>>) src(%dma_wait3A_326 : memref<10000x128xf32, #tpu.memory_space<hbm>>) dst(%arg15 : memref<100x128xf32, #tpu.memory_space<vmem>>)
      %dma_start3A_327 = arith.constant 1 : i32
      %dma_start3A_328 = arith.constant 0 : i32
      %dma_start3A_329 = tpu.memref_slice %arg9[%dma_start3A_327, %dma_start3A_328] : memref<2x100xi32, #tpu.memory_space<vmem>> -> memref<1x100xi32, #tpu.memory_space<vmem>>
      %dma_start3A_330 = tpu.memref_squeeze %dma_start3A_329 : memref<1x100xi32, #tpu.memory_space<vmem>> -> memref<100xi32, #tpu.memory_space<vmem>>
      %dma_start3A_331 = arith.constant 0 : i32
      %dma_start3A_332 = arith.constant 0 : i32
      %dma_start3A_333 = tpu.memref_slice %arg6[%dma_start3A_331, %dma_start3A_332] : memref<10000x128xf32, #tpu.memory_space<vmem_shared>> -> memref<10000x128xf32, #tpu.memory_space<vmem_shared>>
      tpu.enqueue_indirect_dma source(%arg15 : memref<100x128xf32, #tpu.memory_space<vmem>>) target(%dma_start3A_333 : memref<10000x128xf32, #tpu.memory_space<vmem_shared>>) offsets(%dma_start3A_330 : memref<100xi32, #tpu.memory_space<vmem>>) semaphore(%arg28 : memref<!tpu.dma_semaphore, #tpu.memory_space<semaphore_mem>>) {add = true}
      %add3A_334 = arith.constant 3 : i32
      %add3A_335 = arith.addi %add3A_319, %add3A_334 : i32
      %lt3A_336 = arith.constant 100 : i32
      %lt3A_337 = arith.cmpi slt, %add3A_335, %lt3A_336 : i32
      %convert_element_type3A_338 = arith.extui %lt3A_337 : i1 to i32
      %cond3A_339 = arith.constant 0 : i32
      %cond3A_340 = arith.cmpi ne, %convert_element_type3A_338, %cond3A_339 : i32
      scf.if %cond3A_340 {
        %add3A_446 = arith.constant 3 : i32
        %add3A_447 = arith.addi %add3A_319, %add3A_446 : i32
        %dma_start3A_448 = arith.constant 0 : i32
        %dma_start3A_449 = arith.constant 0 : i32
        %dma_start3A_450 = tpu.memref_slice %arg2[%dma_start3A_448, %add3A, %add3A_447, %dma_start3A_449] : memref<2x32x100x100xi32, #tpu.memory_space<hbm>> -> memref<2x1x1x100xi32, #tpu.memory_space<hbm>>
        %dma_start3A_451 = tpu.memref_squeeze %dma_start3A_450 : memref<2x1x1x100xi32, #tpu.memory_space<hbm>> -> memref<2x100xi32, #tpu.memory_space<hbm>>
        %dma_start3A_452 = arith.constant 0 : i32
        %dma_start3A_453 = arith.constant 0 : i32
        %dma_start3A_454 = tpu.memref_slice %arg2[%dma_start3A_452, %add3A, %add3A_447, %dma_start3A_453] : memref<2x32x100x100xi32, #tpu.memory_space<hbm>> -> memref<2x1x1x100xi32, #tpu.memory_space<hbm>>
        %dma_start3A_455 = tpu.memref_squeeze %dma_start3A_454 : memref<2x1x1x100xi32, #tpu.memory_space<hbm>> -> memref<2x100xi32, #tpu.memory_space<hbm>>
        tpu.enqueue_dma source(%dma_start3A_455 : memref<2x100xi32, #tpu.memory_space<hbm>>) target(%arg12 : memref<2x100xi32, #tpu.memory_space<vmem>>) target_semaphore(%arg22 : memref<!tpu.dma_semaphore, #tpu.memory_space<semaphore_mem>>)
      } else {
      }
      %add3A_341 = arith.constant 3 : i32
      %add3A_342 = arith.addi %add3A_319, %add3A_341 : i32
      %sub3A_343 = arith.constant 1 : i32
      %sub3A_344 = arith.subi %add3A_342, %sub3A_343 : i32
      %lt3A_345 = arith.constant 100 : i32
      %lt3A_346 = arith.cmpi slt, %sub3A_344, %lt3A_345 : i32
      %convert_element_type3A_347 = arith.extui %lt3A_346 : i1 to i32
      %cond3A_348 = arith.constant 0 : i32
      %cond3A_349 = arith.cmpi ne, %convert_element_type3A_347, %cond3A_348 : i32
      scf.if %cond3A_349 {
        %ge3A = arith.constant 1 : i32
        %ge3A_446 = arith.cmpi sge, %add3A_319, %ge3A : i32
        %convert_element_type3A_447 = arith.extui %ge3A_446 : i1 to i32
        %cond3A_448 = arith.constant 0 : i32
        %cond3A_449 = arith.cmpi ne, %convert_element_type3A_447, %cond3A_448 : i32
        scf.if %cond3A_449 {
          %dma_wait3A_466 = arith.constant 1 : i32
          %dma_wait3A_467 = arith.constant 0 : i32
          %dma_wait3A_468 = tpu.memref_slice %arg7[%dma_wait3A_466, %dma_wait3A_467] : memref<2x100xi32, #tpu.memory_space<vmem>> -> memref<1x100xi32, #tpu.memory_space<vmem>>
          %dma_wait3A_469 = tpu.memref_squeeze %dma_wait3A_468 : memref<1x100xi32, #tpu.memory_space<vmem>> -> memref<100xi32, #tpu.memory_space<vmem>>
          %dma_wait3A_470 = arith.constant 0 : i32
          %dma_wait3A_471 = arith.constant 0 : i32
          %dma_wait3A_472 = tpu.memref_slice %arg6[%dma_wait3A_470, %dma_wait3A_471] : memref<10000x128xf32, #tpu.memory_space<vmem_shared>> -> memref<10000x128xf32, #tpu.memory_space<vmem_shared>>
          tpu.wait_indirect_dma semaphore(%arg27 : memref<!tpu.dma_semaphore, #tpu.memory_space<semaphore_mem>>) src(%arg14 : memref<100x128xf32, #tpu.memory_space<vmem>>) dst(%dma_wait3A_472 : memref<10000x128xf32, #tpu.memory_space<vmem_shared>>)
        } else {
        }
        %dma_wait3A_450 = arith.constant 0 : i32
        %dma_wait3A_451 = arith.constant 0 : i32
        %dma_wait3A_452 = arith.constant 0 : i32
        %dma_wait3A_453 = tpu.memref_slice %arg2[%dma_wait3A_451, %add3A, %dma_wait3A_450, %dma_wait3A_452] : memref<2x32x100x100xi32, #tpu.memory_space<hbm>> -> memref<2x1x1x100xi32, #tpu.memory_space<hbm>>
        %dma_wait3A_454 = tpu.memref_squeeze %dma_wait3A_453 : memref<2x1x1x100xi32, #tpu.memory_space<hbm>> -> memref<2x100xi32, #tpu.memory_space<hbm>>
        %dma_wait3A_455 = arith.constant 0 : i32
        %dma_wait3A_456 = arith.constant 0 : i32
        %dma_wait3A_457 = tpu.memref_slice %arg2[%dma_wait3A_455, %add3A, %dma_wait3A_450, %dma_wait3A_456] : memref<2x32x100x100xi32, #tpu.memory_space<hbm>> -> memref<2x1x1x100xi32, #tpu.memory_space<hbm>>
        %dma_wait3A_458 = tpu.memref_squeeze %dma_wait3A_457 : memref<2x1x1x100xi32, #tpu.memory_space<hbm>> -> memref<2x100xi32, #tpu.memory_space<hbm>>
        tpu.wait_dma2 semaphore(%arg21 : memref<!tpu.dma_semaphore, #tpu.memory_space<semaphore_mem>>) src(%dma_wait3A_458 : memref<2x100xi32, #tpu.memory_space<hbm>>) dst(%arg11 : memref<2x100xi32, #tpu.memory_space<vmem>>)
        %dma_start3A_459 = arith.constant 0 : i32
        %dma_start3A_460 = arith.constant 0 : i32
        %dma_start3A_461 = tpu.memref_slice %arg11[%dma_start3A_459, %dma_start3A_460] : memref<2x100xi32, #tpu.memory_space<vmem>> -> memref<1x100xi32, #tpu.memory_space<vmem>>
        %dma_start3A_462 = tpu.memref_squeeze %dma_start3A_461 : memref<1x100xi32, #tpu.memory_space<vmem>> -> memref<100xi32, #tpu.memory_space<vmem>>
        %dma_start3A_463 = arith.constant 0 : i32
        %dma_start3A_464 = arith.constant 0 : i32
        %dma_start3A_465 = tpu.memref_slice %arg3[%dma_start3A_463, %dma_start3A_464] : memref<10000x128xf32, #tpu.memory_space<hbm>> -> memref<10000x128xf32, #tpu.memory_space<hbm>>
        tpu.enqueue_indirect_dma source(%dma_start3A_465 : memref<10000x128xf32, #tpu.memory_space<hbm>>) target(%arg14 : memref<100x128xf32, #tpu.memory_space<vmem>>) offsets(%dma_start3A_462 : memref<100xi32, #tpu.memory_space<vmem>>) semaphore(%arg24 : memref<!tpu.dma_semaphore, #tpu.memory_space<semaphore_mem>>)
      } else {
      }
      %add3A_350 = arith.constant 3 : i32
      %add3A_351 = arith.addi %mul3A_253, %add3A_350 : i32
      %dma_wait3A_352 = arith.constant 0 : i32
      %dma_wait3A_353 = arith.constant 0 : i32
      %dma_wait3A_354 = tpu.memref_slice %arg10[%dma_wait3A_352, %dma_wait3A_353] : memref<2x100xi32, #tpu.memory_space<vmem>> -> memref<1x100xi32, #tpu.memory_space<vmem>>
      %dma_wait3A_355 = tpu.memref_squeeze %dma_wait3A_354 : memref<1x100xi32, #tpu.memory_space<vmem>> -> memref<100xi32, #tpu.memory_space<vmem>>
      %dma_wait3A_356 = arith.constant 0 : i32
      %dma_wait3A_357 = arith.constant 0 : i32
      %dma_wait3A_358 = tpu.memref_slice %arg3[%dma_wait3A_356, %dma_wait3A_357] : memref<10000x128xf32, #tpu.memory_space<hbm>> -> memref<10000x128xf32, #tpu.memory_space<hbm>>
      tpu.wait_indirect_dma semaphore(%arg23 : memref<!tpu.dma_semaphore, #tpu.memory_space<semaphore_mem>>) src(%dma_wait3A_358 : memref<10000x128xf32, #tpu.memory_space<hbm>>) dst(%arg13 : memref<100x128xf32, #tpu.memory_space<vmem>>)
      %dma_start3A_359 = arith.constant 1 : i32
      %dma_start3A_360 = arith.constant 0 : i32
      %dma_start3A_361 = tpu.memref_slice %arg10[%dma_start3A_359, %dma_start3A_360] : memref<2x100xi32, #tpu.memory_space<vmem>> -> memref<1x100xi32, #tpu.memory_space<vmem>>
      %dma_start3A_362 = tpu.memref_squeeze %dma_start3A_361 : memref<1x100xi32, #tpu.memory_space<vmem>> -> memref<100xi32, #tpu.memory_space<vmem>>
      %dma_start3A_363 = arith.constant 0 : i32
      %dma_start3A_364 = arith.constant 0 : i32
      %dma_start3A_365 = tpu.memref_slice %arg6[%dma_start3A_363, %dma_start3A_364] : memref<10000x128xf32, #tpu.memory_space<vmem_shared>> -> memref<10000x128xf32, #tpu.memory_space<vmem_shared>>
      tpu.enqueue_indirect_dma source(%arg13 : memref<100x128xf32, #tpu.memory_space<vmem>>) target(%dma_start3A_365 : memref<10000x128xf32, #tpu.memory_space<vmem_shared>>) offsets(%dma_start3A_362 : memref<100xi32, #tpu.memory_space<vmem>>) semaphore(%arg26 : memref<!tpu.dma_semaphore, #tpu.memory_space<semaphore_mem>>) {add = true}
      %add3A_366 = arith.constant 3 : i32
      %add3A_367 = arith.addi %add3A_351, %add3A_366 : i32
      %lt3A_368 = arith.constant 100 : i32
      %lt3A_369 = arith.cmpi slt, %add3A_367, %lt3A_368 : i32
      %convert_element_type3A_370 = arith.extui %lt3A_369 : i1 to i32
      %cond3A_371 = arith.constant 0 : i32
      %cond3A_372 = arith.cmpi ne, %convert_element_type3A_370, %cond3A_371 : i32
      scf.if %cond3A_372 {
        %add3A_446 = arith.constant 3 : i32
        %add3A_447 = arith.addi %add3A_351, %add3A_446 : i32
        %dma_start3A_448 = arith.constant 0 : i32
        %dma_start3A_449 = arith.constant 0 : i32
        %dma_start3A_450 = tpu.memref_slice %arg2[%dma_start3A_448, %add3A, %add3A_447, %dma_start3A_449] : memref<2x32x100x100xi32, #tpu.memory_space<hbm>> -> memref<2x1x1x100xi32, #tpu.memory_space<hbm>>
        %dma_start3A_451 = tpu.memref_squeeze %dma_start3A_450 : memref<2x1x1x100xi32, #tpu.memory_space<hbm>> -> memref<2x100xi32, #tpu.memory_space<hbm>>
        %dma_start3A_452 = arith.constant 0 : i32
        %dma_start3A_453 = arith.constant 0 : i32
        %dma_start3A_454 = tpu.memref_slice %arg2[%dma_start3A_452, %add3A, %add3A_447, %dma_start3A_453] : memref<2x32x100x100xi32, #tpu.memory_space<hbm>> -> memref<2x1x1x100xi32, #tpu.memory_space<hbm>>
        %dma_start3A_455 = tpu.memref_squeeze %dma_start3A_454 : memref<2x1x1x100xi32, #tpu.memory_space<hbm>> -> memref<2x100xi32, #tpu.memory_space<hbm>>
        tpu.enqueue_dma source(%dma_start3A_455 : memref<2x100xi32, #tpu.memory_space<hbm>>) target(%arg7 : memref<2x100xi32, #tpu.memory_space<vmem>>) target_semaphore(%arg17 : memref<!tpu.dma_semaphore, #tpu.memory_space<semaphore_mem>>)
      } else {
      }
      %add3A_373 = arith.constant 3 : i32
      %add3A_374 = arith.addi %add3A_351, %add3A_373 : i32
      %sub3A_375 = arith.constant 1 : i32
      %sub3A_376 = arith.subi %add3A_374, %sub3A_375 : i32
      %lt3A_377 = arith.constant 100 : i32
      %lt3A_378 = arith.cmpi slt, %sub3A_376, %lt3A_377 : i32
      %convert_element_type3A_379 = arith.extui %lt3A_378 : i1 to i32
      %cond3A_380 = arith.constant 0 : i32
      %cond3A_381 = arith.cmpi ne, %convert_element_type3A_379, %cond3A_380 : i32
      scf.if %cond3A_381 {
        %ge3A = arith.constant 1 : i32
        %ge3A_446 = arith.cmpi sge, %add3A_351, %ge3A : i32
        %convert_element_type3A_447 = arith.extui %ge3A_446 : i1 to i32
        %cond3A_448 = arith.constant 0 : i32
        %cond3A_449 = arith.cmpi ne, %convert_element_type3A_447, %cond3A_448 : i32
        scf.if %cond3A_449 {
          %dma_wait3A_466 = arith.constant 1 : i32
          %dma_wait3A_467 = arith.constant 0 : i32
          %dma_wait3A_468 = tpu.memref_slice %arg7[%dma_wait3A_466, %dma_wait3A_467] : memref<2x100xi32, #tpu.memory_space<vmem>> -> memref<1x100xi32, #tpu.memory_space<vmem>>
          %dma_wait3A_469 = tpu.memref_squeeze %dma_wait3A_468 : memref<1x100xi32, #tpu.memory_space<vmem>> -> memref<100xi32, #tpu.memory_space<vmem>>
          %dma_wait3A_470 = arith.constant 0 : i32
          %dma_wait3A_471 = arith.constant 0 : i32
          %dma_wait3A_472 = tpu.memref_slice %arg6[%dma_wait3A_470, %dma_wait3A_471] : memref<10000x128xf32, #tpu.memory_space<vmem_shared>> -> memref<10000x128xf32, #tpu.memory_space<vmem_shared>>
          tpu.wait_indirect_dma semaphore(%arg28 : memref<!tpu.dma_semaphore, #tpu.memory_space<semaphore_mem>>) src(%arg15 : memref<100x128xf32, #tpu.memory_space<vmem>>) dst(%dma_wait3A_472 : memref<10000x128xf32, #tpu.memory_space<vmem_shared>>)
        } else {
        }
        %dma_wait3A_450 = arith.constant 0 : i32
        %dma_wait3A_451 = arith.constant 0 : i32
        %dma_wait3A_452 = arith.constant 0 : i32
        %dma_wait3A_453 = tpu.memref_slice %arg2[%dma_wait3A_451, %add3A, %dma_wait3A_450, %dma_wait3A_452] : memref<2x32x100x100xi32, #tpu.memory_space<hbm>> -> memref<2x1x1x100xi32, #tpu.memory_space<hbm>>
        %dma_wait3A_454 = tpu.memref_squeeze %dma_wait3A_453 : memref<2x1x1x100xi32, #tpu.memory_space<hbm>> -> memref<2x100xi32, #tpu.memory_space<hbm>>
        %dma_wait3A_455 = arith.constant 0 : i32
        %dma_wait3A_456 = arith.constant 0 : i32
        %dma_wait3A_457 = tpu.memref_slice %arg2[%dma_wait3A_455, %add3A, %dma_wait3A_450, %dma_wait3A_456] : memref<2x32x100x100xi32, #tpu.memory_space<hbm>> -> memref<2x1x1x100xi32, #tpu.memory_space<hbm>>
        %dma_wait3A_458 = tpu.memref_squeeze %dma_wait3A_457 : memref<2x1x1x100xi32, #tpu.memory_space<hbm>> -> memref<2x100xi32, #tpu.memory_space<hbm>>
        tpu.wait_dma2 semaphore(%arg22 : memref<!tpu.dma_semaphore, #tpu.memory_space<semaphore_mem>>) src(%dma_wait3A_458 : memref<2x100xi32, #tpu.memory_space<hbm>>) dst(%arg12 : memref<2x100xi32, #tpu.memory_space<vmem>>)
        %dma_start3A_459 = arith.constant 0 : i32
        %dma_start3A_460 = arith.constant 0 : i32
        %dma_start3A_461 = tpu.memref_slice %arg12[%dma_start3A_459, %dma_start3A_460] : memref<2x100xi32, #tpu.memory_space<vmem>> -> memref<1x100xi32, #tpu.memory_space<vmem>>
        %dma_start3A_462 = tpu.memref_squeeze %dma_start3A_461 : memref<1x100xi32, #tpu.memory_space<vmem>> -> memref<100xi32, #tpu.memory_space<vmem>>
        %dma_start3A_463 = arith.constant 0 : i32
        %dma_start3A_464 = arith.constant 0 : i32
        %dma_start3A_465 = tpu.memref_slice %arg3[%dma_start3A_463, %dma_start3A_464] : memref<10000x128xf32, #tpu.memory_space<hbm>> -> memref<10000x128xf32, #tpu.memory_space<hbm>>
        tpu.enqueue_indirect_dma source(%dma_start3A_465 : memref<10000x128xf32, #tpu.memory_space<hbm>>) target(%arg15 : memref<100x128xf32, #tpu.memory_space<vmem>>) offsets(%dma_start3A_462 : memref<100xi32, #tpu.memory_space<vmem>>) semaphore(%arg25 : memref<!tpu.dma_semaphore, #tpu.memory_space<semaphore_mem>>)
      } else {
      }
      %add3A_382 = arith.constant 4 : i32
      %add3A_383 = arith.addi %mul3A_253, %add3A_382 : i32
      %dma_wait3A_384 = arith.constant 0 : i32
      %dma_wait3A_385 = arith.constant 0 : i32
      %dma_wait3A_386 = tpu.memref_slice %arg11[%dma_wait3A_384, %dma_wait3A_385] : memref<2x100xi32, #tpu.memory_space<vmem>> -> memref<1x100xi32, #tpu.memory_space<vmem>>
      %dma_wait3A_387 = tpu.memref_squeeze %dma_wait3A_386 : memref<1x100xi32, #tpu.memory_space<vmem>> -> memref<100xi32, #tpu.memory_space<vmem>>
      %dma_wait3A_388 = arith.constant 0 : i32
      %dma_wait3A_389 = arith.constant 0 : i32
      %dma_wait3A_390 = tpu.memref_slice %arg3[%dma_wait3A_388, %dma_wait3A_389] : memref<10000x128xf32, #tpu.memory_space<hbm>> -> memref<10000x128xf32, #tpu.memory_space<hbm>>
      tpu.wait_indirect_dma semaphore(%arg24 : memref<!tpu.dma_semaphore, #tpu.memory_space<semaphore_mem>>) src(%dma_wait3A_390 : memref<10000x128xf32, #tpu.memory_space<hbm>>) dst(%arg14 : memref<100x128xf32, #tpu.memory_space<vmem>>)
      %dma_start3A_391 = arith.constant 1 : i32
      %dma_start3A_392 = arith.constant 0 : i32
      %dma_start3A_393 = tpu.memref_slice %arg11[%dma_start3A_391, %dma_start3A_392] : memref<2x100xi32, #tpu.memory_space<vmem>> -> memref<1x100xi32, #tpu.memory_space<vmem>>
      %dma_start3A_394 = tpu.memref_squeeze %dma_start3A_393 : memref<1x100xi32, #tpu.memory_space<vmem>> -> memref<100xi32, #tpu.memory_space<vmem>>
      %dma_start3A_395 = arith.constant 0 : i32
      %dma_start3A_396 = arith.constant 0 : i32
      %dma_start3A_397 = tpu.memref_slice %arg6[%dma_start3A_395, %dma_start3A_396] : memref<10000x128xf32, #tpu.memory_space<vmem_shared>> -> memref<10000x128xf32, #tpu.memory_space<vmem_shared>>
      tpu.enqueue_indirect_dma source(%arg14 : memref<100x128xf32, #tpu.memory_space<vmem>>) target(%dma_start3A_397 : memref<10000x128xf32, #tpu.memory_space<vmem_shared>>) offsets(%dma_start3A_394 : memref<100xi32, #tpu.memory_space<vmem>>) semaphore(%arg27 : memref<!tpu.dma_semaphore, #tpu.memory_space<semaphore_mem>>) {add = true}
      %add3A_398 = arith.constant 3 : i32
      %add3A_399 = arith.addi %add3A_383, %add3A_398 : i32
      %lt3A_400 = arith.constant 100 : i32
      %lt3A_401 = arith.cmpi slt, %add3A_399, %lt3A_400 : i32
      %convert_element_type3A_402 = arith.extui %lt3A_401 : i1 to i32
      %cond3A_403 = arith.constant 0 : i32
      %cond3A_404 = arith.cmpi ne, %convert_element_type3A_402, %cond3A_403 : i32
      scf.if %cond3A_404 {
        %add3A_446 = arith.constant 3 : i32
        %add3A_447 = arith.addi %add3A_383, %add3A_446 : i32
        %dma_start3A_448 = arith.constant 0 : i32
        %dma_start3A_449 = arith.constant 0 : i32
        %dma_start3A_450 = tpu.memref_slice %arg2[%dma_start3A_448, %add3A, %add3A_447, %dma_start3A_449] : memref<2x32x100x100xi32, #tpu.memory_space<hbm>> -> memref<2x1x1x100xi32, #tpu.memory_space<hbm>>
        %dma_start3A_451 = tpu.memref_squeeze %dma_start3A_450 : memref<2x1x1x100xi32, #tpu.memory_space<hbm>> -> memref<2x100xi32, #tpu.memory_space<hbm>>
        %dma_start3A_452 = arith.constant 0 : i32
        %dma_start3A_453 = arith.constant 0 : i32
        %dma_start3A_454 = tpu.memref_slice %arg2[%dma_start3A_452, %add3A, %add3A_447, %dma_start3A_453] : memref<2x32x100x100xi32, #tpu.memory_space<hbm>> -> memref<2x1x1x100xi32, #tpu.memory_space<hbm>>
        %dma_start3A_455 = tpu.memref_squeeze %dma_start3A_454 : memref<2x1x1x100xi32, #tpu.memory_space<hbm>> -> memref<2x100xi32, #tpu.memory_space<hbm>>
        tpu.enqueue_dma source(%dma_start3A_455 : memref<2x100xi32, #tpu.memory_space<hbm>>) target(%arg8 : memref<2x100xi32, #tpu.memory_space<vmem>>) target_semaphore(%arg18 : memref<!tpu.dma_semaphore, #tpu.memory_space<semaphore_mem>>)
      } else {
      }
      %add3A_405 = arith.constant 3 : i32
      %add3A_406 = arith.addi %add3A_383, %add3A_405 : i32
      %sub3A_407 = arith.constant 1 : i32
      %sub3A_408 = arith.subi %add3A_406, %sub3A_407 : i32
      %lt3A_409 = arith.constant 100 : i32
      %lt3A_410 = arith.cmpi slt, %sub3A_408, %lt3A_409 : i32
      %convert_element_type3A_411 = arith.extui %lt3A_410 : i1 to i32
      %cond3A_412 = arith.constant 0 : i32
      %cond3A_413 = arith.cmpi ne, %convert_element_type3A_411, %cond3A_412 : i32
      scf.if %cond3A_413 {
        %ge3A = arith.constant 1 : i32
        %ge3A_446 = arith.cmpi sge, %add3A_383, %ge3A : i32
        %convert_element_type3A_447 = arith.extui %ge3A_446 : i1 to i32
        %cond3A_448 = arith.constant 0 : i32
        %cond3A_449 = arith.cmpi ne, %convert_element_type3A_447, %cond3A_448 : i32
        scf.if %cond3A_449 {
          %dma_wait3A_466 = arith.constant 1 : i32
          %dma_wait3A_467 = arith.constant 0 : i32
          %dma_wait3A_468 = tpu.memref_slice %arg7[%dma_wait3A_466, %dma_wait3A_467] : memref<2x100xi32, #tpu.memory_space<vmem>> -> memref<1x100xi32, #tpu.memory_space<vmem>>
          %dma_wait3A_469 = tpu.memref_squeeze %dma_wait3A_468 : memref<1x100xi32, #tpu.memory_space<vmem>> -> memref<100xi32, #tpu.memory_space<vmem>>
          %dma_wait3A_470 = arith.constant 0 : i32
          %dma_wait3A_471 = arith.constant 0 : i32
          %dma_wait3A_472 = tpu.memref_slice %arg6[%dma_wait3A_470, %dma_wait3A_471] : memref<10000x128xf32, #tpu.memory_space<vmem_shared>> -> memref<10000x128xf32, #tpu.memory_space<vmem_shared>>
          tpu.wait_indirect_dma semaphore(%arg26 : memref<!tpu.dma_semaphore, #tpu.memory_space<semaphore_mem>>) src(%arg13 : memref<100x128xf32, #tpu.memory_space<vmem>>) dst(%dma_wait3A_472 : memref<10000x128xf32, #tpu.memory_space<vmem_shared>>)
        } else {
        }
        %dma_wait3A_450 = arith.constant 0 : i32
        %dma_wait3A_451 = arith.constant 0 : i32
        %dma_wait3A_452 = arith.constant 0 : i32
        %dma_wait3A_453 = tpu.memref_slice %arg2[%dma_wait3A_451, %add3A, %dma_wait3A_450, %dma_wait3A_452] : memref<2x32x100x100xi32, #tpu.memory_space<hbm>> -> memref<2x1x1x100xi32, #tpu.memory_space<hbm>>
        %dma_wait3A_454 = tpu.memref_squeeze %dma_wait3A_453 : memref<2x1x1x100xi32, #tpu.memory_space<hbm>> -> memref<2x100xi32, #tpu.memory_space<hbm>>
        %dma_wait3A_455 = arith.constant 0 : i32
        %dma_wait3A_456 = arith.constant 0 : i32
        %dma_wait3A_457 = tpu.memref_slice %arg2[%dma_wait3A_455, %add3A, %dma_wait3A_450, %dma_wait3A_456] : memref<2x32x100x100xi32, #tpu.memory_space<hbm>> -> memref<2x1x1x100xi32, #tpu.memory_space<hbm>>
        %dma_wait3A_458 = tpu.memref_squeeze %dma_wait3A_457 : memref<2x1x1x100xi32, #tpu.memory_space<hbm>> -> memref<2x100xi32, #tpu.memory_space<hbm>>
        tpu.wait_dma2 semaphore(%arg17 : memref<!tpu.dma_semaphore, #tpu.memory_space<semaphore_mem>>) src(%dma_wait3A_458 : memref<2x100xi32, #tpu.memory_space<hbm>>) dst(%arg7 : memref<2x100xi32, #tpu.memory_space<vmem>>)
        %dma_start3A_459 = arith.constant 0 : i32
        %dma_start3A_460 = arith.constant 0 : i32
        %dma_start3A_461 = tpu.memref_slice %arg7[%dma_start3A_459, %dma_start3A_460] : memref<2x100xi32, #tpu.memory_space<vmem>> -> memref<1x100xi32, #tpu.memory_space<vmem>>
        %dma_start3A_462 = tpu.memref_squeeze %dma_start3A_461 : memref<1x100xi32, #tpu.memory_space<vmem>> -> memref<100xi32, #tpu.memory_space<vmem>>
        %dma_start3A_463 = arith.constant 0 : i32
        %dma_start3A_464 = arith.constant 0 : i32
        %dma_start3A_465 = tpu.memref_slice %arg3[%dma_start3A_463, %dma_start3A_464] : memref<10000x128xf32, #tpu.memory_space<hbm>> -> memref<10000x128xf32, #tpu.memory_space<hbm>>
        tpu.enqueue_indirect_dma source(%dma_start3A_465 : memref<10000x128xf32, #tpu.memory_space<hbm>>) target(%arg13 : memref<100x128xf32, #tpu.memory_space<vmem>>) offsets(%dma_start3A_462 : memref<100xi32, #tpu.memory_space<vmem>>) semaphore(%arg23 : memref<!tpu.dma_semaphore, #tpu.memory_space<semaphore_mem>>)
      } else {
      }
      %add3A_414 = arith.constant 5 : i32
      %add3A_415 = arith.addi %mul3A_253, %add3A_414 : i32
      %dma_wait3A_416 = arith.constant 0 : i32
      %dma_wait3A_417 = arith.constant 0 : i32
      %dma_wait3A_418 = tpu.memref_slice %arg12[%dma_wait3A_416, %dma_wait3A_417] : memref<2x100xi32, #tpu.memory_space<vmem>> -> memref<1x100xi32, #tpu.memory_space<vmem>>
      %dma_wait3A_419 = tpu.memref_squeeze %dma_wait3A_418 : memref<1x100xi32, #tpu.memory_space<vmem>> -> memref<100xi32, #tpu.memory_space<vmem>>
      %dma_wait3A_420 = arith.constant 0 : i32
      %dma_wait3A_421 = arith.constant 0 : i32
      %dma_wait3A_422 = tpu.memref_slice %arg3[%dma_wait3A_420, %dma_wait3A_421] : memref<10000x128xf32, #tpu.memory_space<hbm>> -> memref<10000x128xf32, #tpu.memory_space<hbm>>
      tpu.wait_indirect_dma semaphore(%arg25 : memref<!tpu.dma_semaphore, #tpu.memory_space<semaphore_mem>>) src(%dma_wait3A_422 : memref<10000x128xf32, #tpu.memory_space<hbm>>) dst(%arg15 : memref<100x128xf32, #tpu.memory_space<vmem>>)
      %dma_start3A_423 = arith.constant 1 : i32
      %dma_start3A_424 = arith.constant 0 : i32
      %dma_start3A_425 = tpu.memref_slice %arg12[%dma_start3A_423, %dma_start3A_424] : memref<2x100xi32, #tpu.memory_space<vmem>> -> memref<1x100xi32, #tpu.memory_space<vmem>>
      %dma_start3A_426 = tpu.memref_squeeze %dma_start3A_425 : memref<1x100xi32, #tpu.memory_space<vmem>> -> memref<100xi32, #tpu.memory_space<vmem>>
      %dma_start3A_427 = arith.constant 0 : i32
      %dma_start3A_428 = arith.constant 0 : i32
      %dma_start3A_429 = tpu.memref_slice %arg6[%dma_start3A_427, %dma_start3A_428] : memref<10000x128xf32, #tpu.memory_space<vmem_shared>> -> memref<10000x128xf32, #tpu.memory_space<vmem_shared>>
      tpu.enqueue_indirect_dma source(%arg15 : memref<100x128xf32, #tpu.memory_space<vmem>>) target(%dma_start3A_429 : memref<10000x128xf32, #tpu.memory_space<vmem_shared>>) offsets(%dma_start3A_426 : memref<100xi32, #tpu.memory_space<vmem>>) semaphore(%arg28 : memref<!tpu.dma_semaphore, #tpu.memory_space<semaphore_mem>>) {add = true}
      %add3A_430 = arith.constant 3 : i32
      %add3A_431 = arith.addi %add3A_415, %add3A_430 : i32
      %lt3A_432 = arith.constant 100 : i32
      %lt3A_433 = arith.cmpi slt, %add3A_431, %lt3A_432 : i32
      %convert_element_type3A_434 = arith.extui %lt3A_433 : i1 to i32
      %cond3A_435 = arith.constant 0 : i32
      %cond3A_436 = arith.cmpi ne, %convert_element_type3A_434, %cond3A_435 : i32
      scf.if %cond3A_436 {
        %add3A_446 = arith.constant 3 : i32
        %add3A_447 = arith.addi %add3A_415, %add3A_446 : i32
        %dma_start3A_448 = arith.constant 0 : i32
        %dma_start3A_449 = arith.constant 0 : i32
        %dma_start3A_450 = tpu.memref_slice %arg2[%dma_start3A_448, %add3A, %add3A_447, %dma_start3A_449] : memref<2x32x100x100xi32, #tpu.memory_space<hbm>> -> memref<2x1x1x100xi32, #tpu.memory_space<hbm>>
        %dma_start3A_451 = tpu.memref_squeeze %dma_start3A_450 : memref<2x1x1x100xi32, #tpu.memory_space<hbm>> -> memref<2x100xi32, #tpu.memory_space<hbm>>
        %dma_start3A_452 = arith.constant 0 : i32
        %dma_start3A_453 = arith.constant 0 : i32
        %dma_start3A_454 = tpu.memref_slice %arg2[%dma_start3A_452, %add3A, %add3A_447, %dma_start3A_453] : memref<2x32x100x100xi32, #tpu.memory_space<hbm>> -> memref<2x1x1x100xi32, #tpu.memory_space<hbm>>
        %dma_start3A_455 = tpu.memref_squeeze %dma_start3A_454 : memref<2x1x1x100xi32, #tpu.memory_space<hbm>> -> memref<2x100xi32, #tpu.memory_space<hbm>>
        tpu.enqueue_dma source(%dma_start3A_455 : memref<2x100xi32, #tpu.memory_space<hbm>>) target(%arg9 : memref<2x100xi32, #tpu.memory_space<vmem>>) target_semaphore(%arg19 : memref<!tpu.dma_semaphore, #tpu.memory_space<semaphore_mem>>)
      } else {
      }
      %add3A_437 = arith.constant 3 : i32
      %add3A_438 = arith.addi %add3A_415, %add3A_437 : i32
      %sub3A_439 = arith.constant 1 : i32
      %sub3A_440 = arith.subi %add3A_438, %sub3A_439 : i32
      %lt3A_441 = arith.constant 100 : i32
      %lt3A_442 = arith.cmpi slt, %sub3A_440, %lt3A_441 : i32
      %convert_element_type3A_443 = arith.extui %lt3A_442 : i1 to i32
      %cond3A_444 = arith.constant 0 : i32
      %cond3A_445 = arith.cmpi ne, %convert_element_type3A_443, %cond3A_444 : i32
      scf.if %cond3A_445 {
        %ge3A = arith.constant 1 : i32
        %ge3A_446 = arith.cmpi sge, %add3A_415, %ge3A : i32
        %convert_element_type3A_447 = arith.extui %ge3A_446 : i1 to i32
        %cond3A_448 = arith.constant 0 : i32
        %cond3A_449 = arith.cmpi ne, %convert_element_type3A_447, %cond3A_448 : i32
        scf.if %cond3A_449 {
          %dma_wait3A_466 = arith.constant 1 : i32
          %dma_wait3A_467 = arith.constant 0 : i32
          %dma_wait3A_468 = tpu.memref_slice %arg7[%dma_wait3A_466, %dma_wait3A_467] : memref<2x100xi32, #tpu.memory_space<vmem>> -> memref<1x100xi32, #tpu.memory_space<vmem>>
          %dma_wait3A_469 = tpu.memref_squeeze %dma_wait3A_468 : memref<1x100xi32, #tpu.memory_space<vmem>> -> memref<100xi32, #tpu.memory_space<vmem>>
          %dma_wait3A_470 = arith.constant 0 : i32
          %dma_wait3A_471 = arith.constant 0 : i32
          %dma_wait3A_472 = tpu.memref_slice %arg6[%dma_wait3A_470, %dma_wait3A_471] : memref<10000x128xf32, #tpu.memory_space<vmem_shared>> -> memref<10000x128xf32, #tpu.memory_space<vmem_shared>>
          tpu.wait_indirect_dma semaphore(%arg27 : memref<!tpu.dma_semaphore, #tpu.memory_space<semaphore_mem>>) src(%arg14 : memref<100x128xf32, #tpu.memory_space<vmem>>) dst(%dma_wait3A_472 : memref<10000x128xf32, #tpu.memory_space<vmem_shared>>)
        } else {
        }
        %dma_wait3A_450 = arith.constant 0 : i32
        %dma_wait3A_451 = arith.constant 0 : i32
        %dma_wait3A_452 = arith.constant 0 : i32
        %dma_wait3A_453 = tpu.memref_slice %arg2[%dma_wait3A_451, %add3A, %dma_wait3A_450, %dma_wait3A_452] : memref<2x32x100x100xi32, #tpu.memory_space<hbm>> -> memref<2x1x1x100xi32, #tpu.memory_space<hbm>>
        %dma_wait3A_454 = tpu.memref_squeeze %dma_wait3A_453 : memref<2x1x1x100xi32, #tpu.memory_space<hbm>> -> memref<2x100xi32, #tpu.memory_space<hbm>>
        %dma_wait3A_455 = arith.constant 0 : i32
        %dma_wait3A_456 = arith.constant 0 : i32
        %dma_wait3A_457 = tpu.memref_slice %arg2[%dma_wait3A_455, %add3A, %dma_wait3A_450, %dma_wait3A_456] : memref<2x32x100x100xi32, #tpu.memory_space<hbm>> -> memref<2x1x1x100xi32, #tpu.memory_space<hbm>>
        %dma_wait3A_458 = tpu.memref_squeeze %dma_wait3A_457 : memref<2x1x1x100xi32, #tpu.memory_space<hbm>> -> memref<2x100xi32, #tpu.memory_space<hbm>>
        tpu.wait_dma2 semaphore(%arg18 : memref<!tpu.dma_semaphore, #tpu.memory_space<semaphore_mem>>) src(%dma_wait3A_458 : memref<2x100xi32, #tpu.memory_space<hbm>>) dst(%arg8 : memref<2x100xi32, #tpu.memory_space<vmem>>)
        %dma_start3A_459 = arith.constant 0 : i32
        %dma_start3A_460 = arith.constant 0 : i32
        %dma_start3A_461 = tpu.memref_slice %arg8[%dma_start3A_459, %dma_start3A_460] : memref<2x100xi32, #tpu.memory_space<vmem>> -> memref<1x100xi32, #tpu.memory_space<vmem>>
        %dma_start3A_462 = tpu.memref_squeeze %dma_start3A_461 : memref<1x100xi32, #tpu.memory_space<vmem>> -> memref<100xi32, #tpu.memory_space<vmem>>
        %dma_start3A_463 = arith.constant 0 : i32
        %dma_start3A_464 = arith.constant 0 : i32
        %dma_start3A_465 = tpu.memref_slice %arg3[%dma_start3A_463, %dma_start3A_464] : memref<10000x128xf32, #tpu.memory_space<hbm>> -> memref<10000x128xf32, #tpu.memory_space<hbm>>
        tpu.enqueue_indirect_dma source(%dma_start3A_465 : memref<10000x128xf32, #tpu.memory_space<hbm>>) target(%arg14 : memref<100x128xf32, #tpu.memory_space<vmem>>) offsets(%dma_start3A_462 : memref<100xi32, #tpu.memory_space<vmem>>) semaphore(%arg24 : memref<!tpu.dma_semaphore, #tpu.memory_space<semaphore_mem>>)
      } else {
      }
    }
    %scan3A_79 = arith.constant 16 : i32
    %dma_wait3A_80 = arith.constant 0 : i32
    %dma_wait3A_81 = arith.constant 0 : i32
    %dma_wait3A_82 = tpu.memref_slice %arg7[%dma_wait3A_80, %dma_wait3A_81] : memref<2x100xi32, #tpu.memory_space<vmem>> -> memref<1x100xi32, #tpu.memory_space<vmem>>
    %dma_wait3A_83 = tpu.memref_squeeze %dma_wait3A_82 : memref<1x100xi32, #tpu.memory_space<vmem>> -> memref<100xi32, #tpu.memory_space<vmem>>
    %dma_wait3A_84 = arith.constant 0 : i32
    %dma_wait3A_85 = arith.constant 0 : i32
    %dma_wait3A_86 = tpu.memref_slice %arg3[%dma_wait3A_84, %dma_wait3A_85] : memref<10000x128xf32, #tpu.memory_space<hbm>> -> memref<10000x128xf32, #tpu.memory_space<hbm>>
    tpu.wait_indirect_dma semaphore(%arg23 : memref<!tpu.dma_semaphore, #tpu.memory_space<semaphore_mem>>) src(%dma_wait3A_86 : memref<10000x128xf32, #tpu.memory_space<hbm>>) dst(%arg13 : memref<100x128xf32, #tpu.memory_space<vmem>>)
    %dma_start3A_87 = arith.constant 1 : i32
    %dma_start3A_88 = arith.constant 0 : i32
    %dma_start3A_89 = tpu.memref_slice %arg7[%dma_start3A_87, %dma_start3A_88] : memref<2x100xi32, #tpu.memory_space<vmem>> -> memref<1x100xi32, #tpu.memory_space<vmem>>
    %dma_start3A_90 = tpu.memref_squeeze %dma_start3A_89 : memref<1x100xi32, #tpu.memory_space<vmem>> -> memref<100xi32, #tpu.memory_space<vmem>>
    %dma_start3A_91 = arith.constant 0 : i32
    %dma_start3A_92 = arith.constant 0 : i32
    %dma_start3A_93 = tpu.memref_slice %arg6[%dma_start3A_91, %dma_start3A_92] : memref<10000x128xf32, #tpu.memory_space<vmem_shared>> -> memref<10000x128xf32, #tpu.memory_space<vmem_shared>>
    tpu.enqueue_indirect_dma source(%arg13 : memref<100x128xf32, #tpu.memory_space<vmem>>) target(%dma_start3A_93 : memref<10000x128xf32, #tpu.memory_space<vmem_shared>>) offsets(%dma_start3A_90 : memref<100xi32, #tpu.memory_space<vmem>>) semaphore(%arg26 : memref<!tpu.dma_semaphore, #tpu.memory_space<semaphore_mem>>) {add = true}
    %add3A_94 = arith.constant 96 : i32
    %add3A_95 = arith.constant 3 : i32
    %add3A_96 = arith.addi %add3A_94, %add3A_95 : i32
    %lt3A_97 = arith.constant 100 : i32
    %lt3A_98 = arith.cmpi slt, %add3A_96, %lt3A_97 : i32
    %convert_element_type3A_99 = arith.extui %lt3A_98 : i1 to i32
    %cond3A_100 = arith.constant 96 : i32
    %cond3A_101 = arith.constant 0 : i32
    %cond3A_102 = arith.cmpi ne, %convert_element_type3A_99, %cond3A_101 : i32
    scf.if %cond3A_102 {
      %add3A_247 = arith.constant 3 : i32
      %add3A_248 = arith.addi %cond3A_100, %add3A_247 : i32
      %dma_start3A_249 = arith.constant 0 : i32
      %dma_start3A_250 = arith.constant 0 : i32
      %dma_start3A_251 = tpu.memref_slice %arg2[%dma_start3A_249, %add3A, %add3A_248, %dma_start3A_250] : memref<2x32x100x100xi32, #tpu.memory_space<hbm>> -> memref<2x1x1x100xi32, #tpu.memory_space<hbm>>
      %dma_start3A_252 = tpu.memref_squeeze %dma_start3A_251 : memref<2x1x1x100xi32, #tpu.memory_space<hbm>> -> memref<2x100xi32, #tpu.memory_space<hbm>>
      %dma_start3A_253 = arith.constant 0 : i32
      %dma_start3A_254 = arith.constant 0 : i32
      %dma_start3A_255 = tpu.memref_slice %arg2[%dma_start3A_253, %add3A, %add3A_248, %dma_start3A_254] : memref<2x32x100x100xi32, #tpu.memory_space<hbm>> -> memref<2x1x1x100xi32, #tpu.memory_space<hbm>>
      %dma_start3A_256 = tpu.memref_squeeze %dma_start3A_255 : memref<2x1x1x100xi32, #tpu.memory_space<hbm>> -> memref<2x100xi32, #tpu.memory_space<hbm>>
      tpu.enqueue_dma source(%dma_start3A_256 : memref<2x100xi32, #tpu.memory_space<hbm>>) target(%arg10 : memref<2x100xi32, #tpu.memory_space<vmem>>) target_semaphore(%arg20 : memref<!tpu.dma_semaphore, #tpu.memory_space<semaphore_mem>>)
    } else {
    }
    %add3A_103 = arith.constant 96 : i32
    %add3A_104 = arith.constant 3 : i32
    %add3A_105 = arith.addi %add3A_103, %add3A_104 : i32
    %sub3A = arith.constant 1 : i32
    %sub3A_106 = arith.subi %add3A_105, %sub3A : i32
    %lt3A_107 = arith.constant 100 : i32
    %lt3A_108 = arith.cmpi slt, %sub3A_106, %lt3A_107 : i32
    %convert_element_type3A_109 = arith.extui %lt3A_108 : i1 to i32
    %cond3A_110 = arith.constant 96 : i32
    %cond3A_111 = arith.constant 0 : i32
    %cond3A_112 = arith.cmpi ne, %convert_element_type3A_109, %cond3A_111 : i32
    scf.if %cond3A_112 {
      %ge3A = arith.constant 1 : i32
      %ge3A_247 = arith.cmpi sge, %cond3A_110, %ge3A : i32
      %convert_element_type3A_248 = arith.extui %ge3A_247 : i1 to i32
      %cond3A_249 = arith.constant 0 : i32
      %cond3A_250 = arith.cmpi ne, %convert_element_type3A_248, %cond3A_249 : i32
      scf.if %cond3A_250 {
        %dma_wait3A_267 = arith.constant 1 : i32
        %dma_wait3A_268 = arith.constant 0 : i32
        %dma_wait3A_269 = tpu.memref_slice %arg7[%dma_wait3A_267, %dma_wait3A_268] : memref<2x100xi32, #tpu.memory_space<vmem>> -> memref<1x100xi32, #tpu.memory_space<vmem>>
        %dma_wait3A_270 = tpu.memref_squeeze %dma_wait3A_269 : memref<1x100xi32, #tpu.memory_space<vmem>> -> memref<100xi32, #tpu.memory_space<vmem>>
        %dma_wait3A_271 = arith.constant 0 : i32
        %dma_wait3A_272 = arith.constant 0 : i32
        %dma_wait3A_273 = tpu.memref_slice %arg6[%dma_wait3A_271, %dma_wait3A_272] : memref<10000x128xf32, #tpu.memory_space<vmem_shared>> -> memref<10000x128xf32, #tpu.memory_space<vmem_shared>>
        tpu.wait_indirect_dma semaphore(%arg28 : memref<!tpu.dma_semaphore, #tpu.memory_space<semaphore_mem>>) src(%arg15 : memref<100x128xf32, #tpu.memory_space<vmem>>) dst(%dma_wait3A_273 : memref<10000x128xf32, #tpu.memory_space<vmem_shared>>)
      } else {
      }
      %dma_wait3A_251 = arith.constant 0 : i32
      %dma_wait3A_252 = arith.constant 0 : i32
      %dma_wait3A_253 = arith.constant 0 : i32
      %dma_wait3A_254 = tpu.memref_slice %arg2[%dma_wait3A_252, %add3A, %dma_wait3A_251, %dma_wait3A_253] : memref<2x32x100x100xi32, #tpu.memory_space<hbm>> -> memref<2x1x1x100xi32, #tpu.memory_space<hbm>>
      %dma_wait3A_255 = tpu.memref_squeeze %dma_wait3A_254 : memref<2x1x1x100xi32, #tpu.memory_space<hbm>> -> memref<2x100xi32, #tpu.memory_space<hbm>>
      %dma_wait3A_256 = arith.constant 0 : i32
      %dma_wait3A_257 = arith.constant 0 : i32
      %dma_wait3A_258 = tpu.memref_slice %arg2[%dma_wait3A_256, %add3A, %dma_wait3A_251, %dma_wait3A_257] : memref<2x32x100x100xi32, #tpu.memory_space<hbm>> -> memref<2x1x1x100xi32, #tpu.memory_space<hbm>>
      %dma_wait3A_259 = tpu.memref_squeeze %dma_wait3A_258 : memref<2x1x1x100xi32, #tpu.memory_space<hbm>> -> memref<2x100xi32, #tpu.memory_space<hbm>>
      tpu.wait_dma2 semaphore(%arg19 : memref<!tpu.dma_semaphore, #tpu.memory_space<semaphore_mem>>) src(%dma_wait3A_259 : memref<2x100xi32, #tpu.memory_space<hbm>>) dst(%arg9 : memref<2x100xi32, #tpu.memory_space<vmem>>)
      %dma_start3A_260 = arith.constant 0 : i32
      %dma_start3A_261 = arith.constant 0 : i32
      %dma_start3A_262 = tpu.memref_slice %arg9[%dma_start3A_260, %dma_start3A_261] : memref<2x100xi32, #tpu.memory_space<vmem>> -> memref<1x100xi32, #tpu.memory_space<vmem>>
      %dma_start3A_263 = tpu.memref_squeeze %dma_start3A_262 : memref<1x100xi32, #tpu.memory_space<vmem>> -> memref<100xi32, #tpu.memory_space<vmem>>
      %dma_start3A_264 = arith.constant 0 : i32
      %dma_start3A_265 = arith.constant 0 : i32
      %dma_start3A_266 = tpu.memref_slice %arg3[%dma_start3A_264, %dma_start3A_265] : memref<10000x128xf32, #tpu.memory_space<hbm>> -> memref<10000x128xf32, #tpu.memory_space<hbm>>
      tpu.enqueue_indirect_dma source(%dma_start3A_266 : memref<10000x128xf32, #tpu.memory_space<hbm>>) target(%arg15 : memref<100x128xf32, #tpu.memory_space<vmem>>) offsets(%dma_start3A_263 : memref<100xi32, #tpu.memory_space<vmem>>) semaphore(%arg25 : memref<!tpu.dma_semaphore, #tpu.memory_space<semaphore_mem>>)
    } else {
    }
    %dma_wait3A_113 = arith.constant 0 : i32
    %dma_wait3A_114 = arith.constant 0 : i32
    %dma_wait3A_115 = tpu.memref_slice %arg8[%dma_wait3A_113, %dma_wait3A_114] : memref<2x100xi32, #tpu.memory_space<vmem>> -> memref<1x100xi32, #tpu.memory_space<vmem>>
    %dma_wait3A_116 = tpu.memref_squeeze %dma_wait3A_115 : memref<1x100xi32, #tpu.memory_space<vmem>> -> memref<100xi32, #tpu.memory_space<vmem>>
    %dma_wait3A_117 = arith.constant 0 : i32
    %dma_wait3A_118 = arith.constant 0 : i32
    %dma_wait3A_119 = tpu.memref_slice %arg3[%dma_wait3A_117, %dma_wait3A_118] : memref<10000x128xf32, #tpu.memory_space<hbm>> -> memref<10000x128xf32, #tpu.memory_space<hbm>>
    tpu.wait_indirect_dma semaphore(%arg24 : memref<!tpu.dma_semaphore, #tpu.memory_space<semaphore_mem>>) src(%dma_wait3A_119 : memref<10000x128xf32, #tpu.memory_space<hbm>>) dst(%arg14 : memref<100x128xf32, #tpu.memory_space<vmem>>)
    %dma_start3A_120 = arith.constant 1 : i32
    %dma_start3A_121 = arith.constant 0 : i32
    %dma_start3A_122 = tpu.memref_slice %arg8[%dma_start3A_120, %dma_start3A_121] : memref<2x100xi32, #tpu.memory_space<vmem>> -> memref<1x100xi32, #tpu.memory_space<vmem>>
    %dma_start3A_123 = tpu.memref_squeeze %dma_start3A_122 : memref<1x100xi32, #tpu.memory_space<vmem>> -> memref<100xi32, #tpu.memory_space<vmem>>
    %dma_start3A_124 = arith.constant 0 : i32
    %dma_start3A_125 = arith.constant 0 : i32
    %dma_start3A_126 = tpu.memref_slice %arg6[%dma_start3A_124, %dma_start3A_125] : memref<10000x128xf32, #tpu.memory_space<vmem_shared>> -> memref<10000x128xf32, #tpu.memory_space<vmem_shared>>
    tpu.enqueue_indirect_dma source(%arg14 : memref<100x128xf32, #tpu.memory_space<vmem>>) target(%dma_start3A_126 : memref<10000x128xf32, #tpu.memory_space<vmem_shared>>) offsets(%dma_start3A_123 : memref<100xi32, #tpu.memory_space<vmem>>) semaphore(%arg27 : memref<!tpu.dma_semaphore, #tpu.memory_space<semaphore_mem>>) {add = true}
    %add3A_127 = arith.constant 97 : i32
    %add3A_128 = arith.constant 3 : i32
    %add3A_129 = arith.addi %add3A_127, %add3A_128 : i32
    %lt3A_130 = arith.constant 100 : i32
    %lt3A_131 = arith.cmpi slt, %add3A_129, %lt3A_130 : i32
    %convert_element_type3A_132 = arith.extui %lt3A_131 : i1 to i32
    %cond3A_133 = arith.constant 97 : i32
    %cond3A_134 = arith.constant 0 : i32
    %cond3A_135 = arith.cmpi ne, %convert_element_type3A_132, %cond3A_134 : i32
    scf.if %cond3A_135 {
      %add3A_247 = arith.constant 3 : i32
      %add3A_248 = arith.addi %cond3A_133, %add3A_247 : i32
      %dma_start3A_249 = arith.constant 0 : i32
      %dma_start3A_250 = arith.constant 0 : i32
      %dma_start3A_251 = tpu.memref_slice %arg2[%dma_start3A_249, %add3A, %add3A_248, %dma_start3A_250] : memref<2x32x100x100xi32, #tpu.memory_space<hbm>> -> memref<2x1x1x100xi32, #tpu.memory_space<hbm>>
      %dma_start3A_252 = tpu.memref_squeeze %dma_start3A_251 : memref<2x1x1x100xi32, #tpu.memory_space<hbm>> -> memref<2x100xi32, #tpu.memory_space<hbm>>
      %dma_start3A_253 = arith.constant 0 : i32
      %dma_start3A_254 = arith.constant 0 : i32
      %dma_start3A_255 = tpu.memref_slice %arg2[%dma_start3A_253, %add3A, %add3A_248, %dma_start3A_254] : memref<2x32x100x100xi32, #tpu.memory_space<hbm>> -> memref<2x1x1x100xi32, #tpu.memory_space<hbm>>
      %dma_start3A_256 = tpu.memref_squeeze %dma_start3A_255 : memref<2x1x1x100xi32, #tpu.memory_space<hbm>> -> memref<2x100xi32, #tpu.memory_space<hbm>>
      tpu.enqueue_dma source(%dma_start3A_256 : memref<2x100xi32, #tpu.memory_space<hbm>>) target(%arg11 : memref<2x100xi32, #tpu.memory_space<vmem>>) target_semaphore(%arg21 : memref<!tpu.dma_semaphore, #tpu.memory_space<semaphore_mem>>)
    } else {
    }
    %add3A_136 = arith.constant 97 : i32
    %add3A_137 = arith.constant 3 : i32
    %add3A_138 = arith.addi %add3A_136, %add3A_137 : i32
    %sub3A_139 = arith.constant 1 : i32
    %sub3A_140 = arith.subi %add3A_138, %sub3A_139 : i32
    %lt3A_141 = arith.constant 100 : i32
    %lt3A_142 = arith.cmpi slt, %sub3A_140, %lt3A_141 : i32
    %convert_element_type3A_143 = arith.extui %lt3A_142 : i1 to i32
    %cond3A_144 = arith.constant 97 : i32
    %cond3A_145 = arith.constant 0 : i32
    %cond3A_146 = arith.cmpi ne, %convert_element_type3A_143, %cond3A_145 : i32
    scf.if %cond3A_146 {
      %ge3A = arith.constant 1 : i32
      %ge3A_247 = arith.cmpi sge, %cond3A_144, %ge3A : i32
      %convert_element_type3A_248 = arith.extui %ge3A_247 : i1 to i32
      %cond3A_249 = arith.constant 0 : i32
      %cond3A_250 = arith.cmpi ne, %convert_element_type3A_248, %cond3A_249 : i32
      scf.if %cond3A_250 {
        %dma_wait3A_267 = arith.constant 1 : i32
        %dma_wait3A_268 = arith.constant 0 : i32
        %dma_wait3A_269 = tpu.memref_slice %arg7[%dma_wait3A_267, %dma_wait3A_268] : memref<2x100xi32, #tpu.memory_space<vmem>> -> memref<1x100xi32, #tpu.memory_space<vmem>>
        %dma_wait3A_270 = tpu.memref_squeeze %dma_wait3A_269 : memref<1x100xi32, #tpu.memory_space<vmem>> -> memref<100xi32, #tpu.memory_space<vmem>>
        %dma_wait3A_271 = arith.constant 0 : i32
        %dma_wait3A_272 = arith.constant 0 : i32
        %dma_wait3A_273 = tpu.memref_slice %arg6[%dma_wait3A_271, %dma_wait3A_272] : memref<10000x128xf32, #tpu.memory_space<vmem_shared>> -> memref<10000x128xf32, #tpu.memory_space<vmem_shared>>
        tpu.wait_indirect_dma semaphore(%arg26 : memref<!tpu.dma_semaphore, #tpu.memory_space<semaphore_mem>>) src(%arg13 : memref<100x128xf32, #tpu.memory_space<vmem>>) dst(%dma_wait3A_273 : memref<10000x128xf32, #tpu.memory_space<vmem_shared>>)
      } else {
      }
      %dma_wait3A_251 = arith.constant 0 : i32
      %dma_wait3A_252 = arith.constant 0 : i32
      %dma_wait3A_253 = arith.constant 0 : i32
      %dma_wait3A_254 = tpu.memref_slice %arg2[%dma_wait3A_252, %add3A, %dma_wait3A_251, %dma_wait3A_253] : memref<2x32x100x100xi32, #tpu.memory_space<hbm>> -> memref<2x1x1x100xi32, #tpu.memory_space<hbm>>
      %dma_wait3A_255 = tpu.memref_squeeze %dma_wait3A_254 : memref<2x1x1x100xi32, #tpu.memory_space<hbm>> -> memref<2x100xi32, #tpu.memory_space<hbm>>
      %dma_wait3A_256 = arith.constant 0 : i32
      %dma_wait3A_257 = arith.constant 0 : i32
      %dma_wait3A_258 = tpu.memref_slice %arg2[%dma_wait3A_256, %add3A, %dma_wait3A_251, %dma_wait3A_257] : memref<2x32x100x100xi32, #tpu.memory_space<hbm>> -> memref<2x1x1x100xi32, #tpu.memory_space<hbm>>
      %dma_wait3A_259 = tpu.memref_squeeze %dma_wait3A_258 : memref<2x1x1x100xi32, #tpu.memory_space<hbm>> -> memref<2x100xi32, #tpu.memory_space<hbm>>
      tpu.wait_dma2 semaphore(%arg20 : memref<!tpu.dma_semaphore, #tpu.memory_space<semaphore_mem>>) src(%dma_wait3A_259 : memref<2x100xi32, #tpu.memory_space<hbm>>) dst(%arg10 : memref<2x100xi32, #tpu.memory_space<vmem>>)
      %dma_start3A_260 = arith.constant 0 : i32
      %dma_start3A_261 = arith.constant 0 : i32
      %dma_start3A_262 = tpu.memref_slice %arg10[%dma_start3A_260, %dma_start3A_261] : memref<2x100xi32, #tpu.memory_space<vmem>> -> memref<1x100xi32, #tpu.memory_space<vmem>>
      %dma_start3A_263 = tpu.memref_squeeze %dma_start3A_262 : memref<1x100xi32, #tpu.memory_space<vmem>> -> memref<100xi32, #tpu.memory_space<vmem>>
      %dma_start3A_264 = arith.constant 0 : i32
      %dma_start3A_265 = arith.constant 0 : i32
      %dma_start3A_266 = tpu.memref_slice %arg3[%dma_start3A_264, %dma_start3A_265] : memref<10000x128xf32, #tpu.memory_space<hbm>> -> memref<10000x128xf32, #tpu.memory_space<hbm>>
      tpu.enqueue_indirect_dma source(%dma_start3A_266 : memref<10000x128xf32, #tpu.memory_space<hbm>>) target(%arg13 : memref<100x128xf32, #tpu.memory_space<vmem>>) offsets(%dma_start3A_263 : memref<100xi32, #tpu.memory_space<vmem>>) semaphore(%arg23 : memref<!tpu.dma_semaphore, #tpu.memory_space<semaphore_mem>>)
    } else {
    }
    %dma_wait3A_147 = arith.constant 0 : i32
    %dma_wait3A_148 = arith.constant 0 : i32
    %dma_wait3A_149 = tpu.memref_slice %arg9[%dma_wait3A_147, %dma_wait3A_148] : memref<2x100xi32, #tpu.memory_space<vmem>> -> memref<1x100xi32, #tpu.memory_space<vmem>>
    %dma_wait3A_150 = tpu.memref_squeeze %dma_wait3A_149 : memref<1x100xi32, #tpu.memory_space<vmem>> -> memref<100xi32, #tpu.memory_space<vmem>>
    %dma_wait3A_151 = arith.constant 0 : i32
    %dma_wait3A_152 = arith.constant 0 : i32
    %dma_wait3A_153 = tpu.memref_slice %arg3[%dma_wait3A_151, %dma_wait3A_152] : memref<10000x128xf32, #tpu.memory_space<hbm>> -> memref<10000x128xf32, #tpu.memory_space<hbm>>
    tpu.wait_indirect_dma semaphore(%arg25 : memref<!tpu.dma_semaphore, #tpu.memory_space<semaphore_mem>>) src(%dma_wait3A_153 : memref<10000x128xf32, #tpu.memory_space<hbm>>) dst(%arg15 : memref<100x128xf32, #tpu.memory_space<vmem>>)
    %dma_start3A_154 = arith.constant 1 : i32
    %dma_start3A_155 = arith.constant 0 : i32
    %dma_start3A_156 = tpu.memref_slice %arg9[%dma_start3A_154, %dma_start3A_155] : memref<2x100xi32, #tpu.memory_space<vmem>> -> memref<1x100xi32, #tpu.memory_space<vmem>>
    %dma_start3A_157 = tpu.memref_squeeze %dma_start3A_156 : memref<1x100xi32, #tpu.memory_space<vmem>> -> memref<100xi32, #tpu.memory_space<vmem>>
    %dma_start3A_158 = arith.constant 0 : i32
    %dma_start3A_159 = arith.constant 0 : i32
    %dma_start3A_160 = tpu.memref_slice %arg6[%dma_start3A_158, %dma_start3A_159] : memref<10000x128xf32, #tpu.memory_space<vmem_shared>> -> memref<10000x128xf32, #tpu.memory_space<vmem_shared>>
    tpu.enqueue_indirect_dma source(%arg15 : memref<100x128xf32, #tpu.memory_space<vmem>>) target(%dma_start3A_160 : memref<10000x128xf32, #tpu.memory_space<vmem_shared>>) offsets(%dma_start3A_157 : memref<100xi32, #tpu.memory_space<vmem>>) semaphore(%arg28 : memref<!tpu.dma_semaphore, #tpu.memory_space<semaphore_mem>>) {add = true}
    %add3A_161 = arith.constant 98 : i32
    %add3A_162 = arith.constant 3 : i32
    %add3A_163 = arith.addi %add3A_161, %add3A_162 : i32
    %lt3A_164 = arith.constant 100 : i32
    %lt3A_165 = arith.cmpi slt, %add3A_163, %lt3A_164 : i32
    %convert_element_type3A_166 = arith.extui %lt3A_165 : i1 to i32
    %cond3A_167 = arith.constant 98 : i32
    %cond3A_168 = arith.constant 0 : i32
    %cond3A_169 = arith.cmpi ne, %convert_element_type3A_166, %cond3A_168 : i32
    scf.if %cond3A_169 {
      %add3A_247 = arith.constant 3 : i32
      %add3A_248 = arith.addi %cond3A_167, %add3A_247 : i32
      %dma_start3A_249 = arith.constant 0 : i32
      %dma_start3A_250 = arith.constant 0 : i32
      %dma_start3A_251 = tpu.memref_slice %arg2[%dma_start3A_249, %add3A, %add3A_248, %dma_start3A_250] : memref<2x32x100x100xi32, #tpu.memory_space<hbm>> -> memref<2x1x1x100xi32, #tpu.memory_space<hbm>>
      %dma_start3A_252 = tpu.memref_squeeze %dma_start3A_251 : memref<2x1x1x100xi32, #tpu.memory_space<hbm>> -> memref<2x100xi32, #tpu.memory_space<hbm>>
      %dma_start3A_253 = arith.constant 0 : i32
      %dma_start3A_254 = arith.constant 0 : i32
      %dma_start3A_255 = tpu.memref_slice %arg2[%dma_start3A_253, %add3A, %add3A_248, %dma_start3A_254] : memref<2x32x100x100xi32, #tpu.memory_space<hbm>> -> memref<2x1x1x100xi32, #tpu.memory_space<hbm>>
      %dma_start3A_256 = tpu.memref_squeeze %dma_start3A_255 : memref<2x1x1x100xi32, #tpu.memory_space<hbm>> -> memref<2x100xi32, #tpu.memory_space<hbm>>
      tpu.enqueue_dma source(%dma_start3A_256 : memref<2x100xi32, #tpu.memory_space<hbm>>) target(%arg12 : memref<2x100xi32, #tpu.memory_space<vmem>>) target_semaphore(%arg22 : memref<!tpu.dma_semaphore, #tpu.memory_space<semaphore_mem>>)
    } else {
    }
    %add3A_170 = arith.constant 98 : i32
    %add3A_171 = arith.constant 3 : i32
    %add3A_172 = arith.addi %add3A_170, %add3A_171 : i32
    %sub3A_173 = arith.constant 1 : i32
    %sub3A_174 = arith.subi %add3A_172, %sub3A_173 : i32
    %lt3A_175 = arith.constant 100 : i32
    %lt3A_176 = arith.cmpi slt, %sub3A_174, %lt3A_175 : i32
    %convert_element_type3A_177 = arith.extui %lt3A_176 : i1 to i32
    %cond3A_178 = arith.constant 98 : i32
    %cond3A_179 = arith.constant 0 : i32
    %cond3A_180 = arith.cmpi ne, %convert_element_type3A_177, %cond3A_179 : i32
    scf.if %cond3A_180 {
      %ge3A = arith.constant 1 : i32
      %ge3A_247 = arith.cmpi sge, %cond3A_178, %ge3A : i32
      %convert_element_type3A_248 = arith.extui %ge3A_247 : i1 to i32
      %cond3A_249 = arith.constant 0 : i32
      %cond3A_250 = arith.cmpi ne, %convert_element_type3A_248, %cond3A_249 : i32
      scf.if %cond3A_250 {
        %dma_wait3A_267 = arith.constant 1 : i32
        %dma_wait3A_268 = arith.constant 0 : i32
        %dma_wait3A_269 = tpu.memref_slice %arg7[%dma_wait3A_267, %dma_wait3A_268] : memref<2x100xi32, #tpu.memory_space<vmem>> -> memref<1x100xi32, #tpu.memory_space<vmem>>
        %dma_wait3A_270 = tpu.memref_squeeze %dma_wait3A_269 : memref<1x100xi32, #tpu.memory_space<vmem>> -> memref<100xi32, #tpu.memory_space<vmem>>
        %dma_wait3A_271 = arith.constant 0 : i32
        %dma_wait3A_272 = arith.constant 0 : i32
        %dma_wait3A_273 = tpu.memref_slice %arg6[%dma_wait3A_271, %dma_wait3A_272] : memref<10000x128xf32, #tpu.memory_space<vmem_shared>> -> memref<10000x128xf32, #tpu.memory_space<vmem_shared>>
        tpu.wait_indirect_dma semaphore(%arg27 : memref<!tpu.dma_semaphore, #tpu.memory_space<semaphore_mem>>) src(%arg14 : memref<100x128xf32, #tpu.memory_space<vmem>>) dst(%dma_wait3A_273 : memref<10000x128xf32, #tpu.memory_space<vmem_shared>>)
      } else {
      }
      %dma_wait3A_251 = arith.constant 0 : i32
      %dma_wait3A_252 = arith.constant 0 : i32
      %dma_wait3A_253 = arith.constant 0 : i32
      %dma_wait3A_254 = tpu.memref_slice %arg2[%dma_wait3A_252, %add3A, %dma_wait3A_251, %dma_wait3A_253] : memref<2x32x100x100xi32, #tpu.memory_space<hbm>> -> memref<2x1x1x100xi32, #tpu.memory_space<hbm>>
      %dma_wait3A_255 = tpu.memref_squeeze %dma_wait3A_254 : memref<2x1x1x100xi32, #tpu.memory_space<hbm>> -> memref<2x100xi32, #tpu.memory_space<hbm>>
      %dma_wait3A_256 = arith.constant 0 : i32
      %dma_wait3A_257 = arith.constant 0 : i32
      %dma_wait3A_258 = tpu.memref_slice %arg2[%dma_wait3A_256, %add3A, %dma_wait3A_251, %dma_wait3A_257] : memref<2x32x100x100xi32, #tpu.memory_space<hbm>> -> memref<2x1x1x100xi32, #tpu.memory_space<hbm>>
      %dma_wait3A_259 = tpu.memref_squeeze %dma_wait3A_258 : memref<2x1x1x100xi32, #tpu.memory_space<hbm>> -> memref<2x100xi32, #tpu.memory_space<hbm>>
      tpu.wait_dma2 semaphore(%arg21 : memref<!tpu.dma_semaphore, #tpu.memory_space<semaphore_mem>>) src(%dma_wait3A_259 : memref<2x100xi32, #tpu.memory_space<hbm>>) dst(%arg11 : memref<2x100xi32, #tpu.memory_space<vmem>>)
      %dma_start3A_260 = arith.constant 0 : i32
      %dma_start3A_261 = arith.constant 0 : i32
      %dma_start3A_262 = tpu.memref_slice %arg11[%dma_start3A_260, %dma_start3A_261] : memref<2x100xi32, #tpu.memory_space<vmem>> -> memref<1x100xi32, #tpu.memory_space<vmem>>
      %dma_start3A_263 = tpu.memref_squeeze %dma_start3A_262 : memref<1x100xi32, #tpu.memory_space<vmem>> -> memref<100xi32, #tpu.memory_space<vmem>>
      %dma_start3A_264 = arith.constant 0 : i32
      %dma_start3A_265 = arith.constant 0 : i32
      %dma_start3A_266 = tpu.memref_slice %arg3[%dma_start3A_264, %dma_start3A_265] : memref<10000x128xf32, #tpu.memory_space<hbm>> -> memref<10000x128xf32, #tpu.memory_space<hbm>>
      tpu.enqueue_indirect_dma source(%dma_start3A_266 : memref<10000x128xf32, #tpu.memory_space<hbm>>) target(%arg14 : memref<100x128xf32, #tpu.memory_space<vmem>>) offsets(%dma_start3A_263 : memref<100xi32, #tpu.memory_space<vmem>>) semaphore(%arg24 : memref<!tpu.dma_semaphore, #tpu.memory_space<semaphore_mem>>)
    } else {
    }
    %dma_wait3A_181 = arith.constant 0 : i32
    %dma_wait3A_182 = arith.constant 0 : i32
    %dma_wait3A_183 = tpu.memref_slice %arg10[%dma_wait3A_181, %dma_wait3A_182] : memref<2x100xi32, #tpu.memory_space<vmem>> -> memref<1x100xi32, #tpu.memory_space<vmem>>
    %dma_wait3A_184 = tpu.memref_squeeze %dma_wait3A_183 : memref<1x100xi32, #tpu.memory_space<vmem>> -> memref<100xi32, #tpu.memory_space<vmem>>
    %dma_wait3A_185 = arith.constant 0 : i32
    %dma_wait3A_186 = arith.constant 0 : i32
    %dma_wait3A_187 = tpu.memref_slice %arg3[%dma_wait3A_185, %dma_wait3A_186] : memref<10000x128xf32, #tpu.memory_space<hbm>> -> memref<10000x128xf32, #tpu.memory_space<hbm>>
    tpu.wait_indirect_dma semaphore(%arg23 : memref<!tpu.dma_semaphore, #tpu.memory_space<semaphore_mem>>) src(%dma_wait3A_187 : memref<10000x128xf32, #tpu.memory_space<hbm>>) dst(%arg13 : memref<100x128xf32, #tpu.memory_space<vmem>>)
    %dma_start3A_188 = arith.constant 1 : i32
    %dma_start3A_189 = arith.constant 0 : i32
    %dma_start3A_190 = tpu.memref_slice %arg10[%dma_start3A_188, %dma_start3A_189] : memref<2x100xi32, #tpu.memory_space<vmem>> -> memref<1x100xi32, #tpu.memory_space<vmem>>
    %dma_start3A_191 = tpu.memref_squeeze %dma_start3A_190 : memref<1x100xi32, #tpu.memory_space<vmem>> -> memref<100xi32, #tpu.memory_space<vmem>>
    %dma_start3A_192 = arith.constant 0 : i32
    %dma_start3A_193 = arith.constant 0 : i32
    %dma_start3A_194 = tpu.memref_slice %arg6[%dma_start3A_192, %dma_start3A_193] : memref<10000x128xf32, #tpu.memory_space<vmem_shared>> -> memref<10000x128xf32, #tpu.memory_space<vmem_shared>>
    tpu.enqueue_indirect_dma source(%arg13 : memref<100x128xf32, #tpu.memory_space<vmem>>) target(%dma_start3A_194 : memref<10000x128xf32, #tpu.memory_space<vmem_shared>>) offsets(%dma_start3A_191 : memref<100xi32, #tpu.memory_space<vmem>>) semaphore(%arg26 : memref<!tpu.dma_semaphore, #tpu.memory_space<semaphore_mem>>) {add = true}
    %add3A_195 = arith.constant 99 : i32
    %add3A_196 = arith.constant 3 : i32
    %add3A_197 = arith.addi %add3A_195, %add3A_196 : i32
    %lt3A_198 = arith.constant 100 : i32
    %lt3A_199 = arith.cmpi slt, %add3A_197, %lt3A_198 : i32
    %convert_element_type3A_200 = arith.extui %lt3A_199 : i1 to i32
    %cond3A_201 = arith.constant 99 : i32
    %cond3A_202 = arith.constant 0 : i32
    %cond3A_203 = arith.cmpi ne, %convert_element_type3A_200, %cond3A_202 : i32
    scf.if %cond3A_203 {
      %add3A_247 = arith.constant 3 : i32
      %add3A_248 = arith.addi %cond3A_201, %add3A_247 : i32
      %dma_start3A_249 = arith.constant 0 : i32
      %dma_start3A_250 = arith.constant 0 : i32
      %dma_start3A_251 = tpu.memref_slice %arg2[%dma_start3A_249, %add3A, %add3A_248, %dma_start3A_250] : memref<2x32x100x100xi32, #tpu.memory_space<hbm>> -> memref<2x1x1x100xi32, #tpu.memory_space<hbm>>
      %dma_start3A_252 = tpu.memref_squeeze %dma_start3A_251 : memref<2x1x1x100xi32, #tpu.memory_space<hbm>> -> memref<2x100xi32, #tpu.memory_space<hbm>>
      %dma_start3A_253 = arith.constant 0 : i32
      %dma_start3A_254 = arith.constant 0 : i32
      %dma_start3A_255 = tpu.memref_slice %arg2[%dma_start3A_253, %add3A, %add3A_248, %dma_start3A_254] : memref<2x32x100x100xi32, #tpu.memory_space<hbm>> -> memref<2x1x1x100xi32, #tpu.memory_space<hbm>>
      %dma_start3A_256 = tpu.memref_squeeze %dma_start3A_255 : memref<2x1x1x100xi32, #tpu.memory_space<hbm>> -> memref<2x100xi32, #tpu.memory_space<hbm>>
      tpu.enqueue_dma source(%dma_start3A_256 : memref<2x100xi32, #tpu.memory_space<hbm>>) target(%arg7 : memref<2x100xi32, #tpu.memory_space<vmem>>) target_semaphore(%arg17 : memref<!tpu.dma_semaphore, #tpu.memory_space<semaphore_mem>>)
    } else {
    }
    %add3A_204 = arith.constant 99 : i32
    %add3A_205 = arith.constant 3 : i32
    %add3A_206 = arith.addi %add3A_204, %add3A_205 : i32
    %sub3A_207 = arith.constant 1 : i32
    %sub3A_208 = arith.subi %add3A_206, %sub3A_207 : i32
    %lt3A_209 = arith.constant 100 : i32
    %lt3A_210 = arith.cmpi slt, %sub3A_208, %lt3A_209 : i32
    %convert_element_type3A_211 = arith.extui %lt3A_210 : i1 to i32
    %cond3A_212 = arith.constant 99 : i32
    %cond3A_213 = arith.constant 0 : i32
    %cond3A_214 = arith.cmpi ne, %convert_element_type3A_211, %cond3A_213 : i32
    scf.if %cond3A_214 {
      %ge3A = arith.constant 1 : i32
      %ge3A_247 = arith.cmpi sge, %cond3A_212, %ge3A : i32
      %convert_element_type3A_248 = arith.extui %ge3A_247 : i1 to i32
      %cond3A_249 = arith.constant 0 : i32
      %cond3A_250 = arith.cmpi ne, %convert_element_type3A_248, %cond3A_249 : i32
      scf.if %cond3A_250 {
        %dma_wait3A_267 = arith.constant 1 : i32
        %dma_wait3A_268 = arith.constant 0 : i32
        %dma_wait3A_269 = tpu.memref_slice %arg7[%dma_wait3A_267, %dma_wait3A_268] : memref<2x100xi32, #tpu.memory_space<vmem>> -> memref<1x100xi32, #tpu.memory_space<vmem>>
        %dma_wait3A_270 = tpu.memref_squeeze %dma_wait3A_269 : memref<1x100xi32, #tpu.memory_space<vmem>> -> memref<100xi32, #tpu.memory_space<vmem>>
        %dma_wait3A_271 = arith.constant 0 : i32
        %dma_wait3A_272 = arith.constant 0 : i32
        %dma_wait3A_273 = tpu.memref_slice %arg6[%dma_wait3A_271, %dma_wait3A_272] : memref<10000x128xf32, #tpu.memory_space<vmem_shared>> -> memref<10000x128xf32, #tpu.memory_space<vmem_shared>>
        tpu.wait_indirect_dma semaphore(%arg28 : memref<!tpu.dma_semaphore, #tpu.memory_space<semaphore_mem>>) src(%arg15 : memref<100x128xf32, #tpu.memory_space<vmem>>) dst(%dma_wait3A_273 : memref<10000x128xf32, #tpu.memory_space<vmem_shared>>)
      } else {
      }
      %dma_wait3A_251 = arith.constant 0 : i32
      %dma_wait3A_252 = arith.constant 0 : i32
      %dma_wait3A_253 = arith.constant 0 : i32
      %dma_wait3A_254 = tpu.memref_slice %arg2[%dma_wait3A_252, %add3A, %dma_wait3A_251, %dma_wait3A_253] : memref<2x32x100x100xi32, #tpu.memory_space<hbm>> -> memref<2x1x1x100xi32, #tpu.memory_space<hbm>>
      %dma_wait3A_255 = tpu.memref_squeeze %dma_wait3A_254 : memref<2x1x1x100xi32, #tpu.memory_space<hbm>> -> memref<2x100xi32, #tpu.memory_space<hbm>>
      %dma_wait3A_256 = arith.constant 0 : i32
      %dma_wait3A_257 = arith.constant 0 : i32
      %dma_wait3A_258 = tpu.memref_slice %arg2[%dma_wait3A_256, %add3A, %dma_wait3A_251, %dma_wait3A_257] : memref<2x32x100x100xi32, #tpu.memory_space<hbm>> -> memref<2x1x1x100xi32, #tpu.memory_space<hbm>>
      %dma_wait3A_259 = tpu.memref_squeeze %dma_wait3A_258 : memref<2x1x1x100xi32, #tpu.memory_space<hbm>> -> memref<2x100xi32, #tpu.memory_space<hbm>>
      tpu.wait_dma2 semaphore(%arg22 : memref<!tpu.dma_semaphore, #tpu.memory_space<semaphore_mem>>) src(%dma_wait3A_259 : memref<2x100xi32, #tpu.memory_space<hbm>>) dst(%arg12 : memref<2x100xi32, #tpu.memory_space<vmem>>)
      %dma_start3A_260 = arith.constant 0 : i32
      %dma_start3A_261 = arith.constant 0 : i32
      %dma_start3A_262 = tpu.memref_slice %arg12[%dma_start3A_260, %dma_start3A_261] : memref<2x100xi32, #tpu.memory_space<vmem>> -> memref<1x100xi32, #tpu.memory_space<vmem>>
      %dma_start3A_263 = tpu.memref_squeeze %dma_start3A_262 : memref<1x100xi32, #tpu.memory_space<vmem>> -> memref<100xi32, #tpu.memory_space<vmem>>
      %dma_start3A_264 = arith.constant 0 : i32
      %dma_start3A_265 = arith.constant 0 : i32
      %dma_start3A_266 = tpu.memref_slice %arg3[%dma_start3A_264, %dma_start3A_265] : memref<10000x128xf32, #tpu.memory_space<hbm>> -> memref<10000x128xf32, #tpu.memory_space<hbm>>
      tpu.enqueue_indirect_dma source(%dma_start3A_266 : memref<10000x128xf32, #tpu.memory_space<hbm>>) target(%arg15 : memref<100x128xf32, #tpu.memory_space<vmem>>) offsets(%dma_start3A_263 : memref<100xi32, #tpu.memory_space<vmem>>) semaphore(%arg25 : memref<!tpu.dma_semaphore, #tpu.memory_space<semaphore_mem>>)
    } else {
    }
    %dma_wait3A_215 = arith.constant 1 : i32
    %dma_wait3A_216 = arith.constant 0 : i32
    %dma_wait3A_217 = tpu.memref_slice %arg7[%dma_wait3A_215, %dma_wait3A_216] : memref<2x100xi32, #tpu.memory_space<vmem>> -> memref<1x100xi32, #tpu.memory_space<vmem>>
    %dma_wait3A_218 = tpu.memref_squeeze %dma_wait3A_217 : memref<1x100xi32, #tpu.memory_space<vmem>> -> memref<100xi32, #tpu.memory_space<vmem>>
    %dma_wait3A_219 = arith.constant 0 : i32
    %dma_wait3A_220 = arith.constant 0 : i32
    %dma_wait3A_221 = tpu.memref_slice %arg6[%dma_wait3A_219, %dma_wait3A_220] : memref<10000x128xf32, #tpu.memory_space<vmem_shared>> -> memref<10000x128xf32, #tpu.memory_space<vmem_shared>>
    tpu.wait_indirect_dma semaphore(%arg26 : memref<!tpu.dma_semaphore, #tpu.memory_space<semaphore_mem>>) src(%arg13 : memref<100x128xf32, #tpu.memory_space<vmem>>) dst(%dma_wait3A_221 : memref<10000x128xf32, #tpu.memory_space<vmem_shared>>)
    %dma_wait3A_222 = arith.constant 1 : i32
    %dma_wait3A_223 = arith.constant 0 : i32
    %dma_wait3A_224 = tpu.memref_slice %arg7[%dma_wait3A_222, %dma_wait3A_223] : memref<2x100xi32, #tpu.memory_space<vmem>> -> memref<1x100xi32, #tpu.memory_space<vmem>>
    %dma_wait3A_225 = tpu.memref_squeeze %dma_wait3A_224 : memref<1x100xi32, #tpu.memory_space<vmem>> -> memref<100xi32, #tpu.memory_space<vmem>>
    %dma_wait3A_226 = arith.constant 0 : i32
    %dma_wait3A_227 = arith.constant 0 : i32
    %dma_wait3A_228 = tpu.memref_slice %arg6[%dma_wait3A_226, %dma_wait3A_227] : memref<10000x128xf32, #tpu.memory_space<vmem_shared>> -> memref<10000x128xf32, #tpu.memory_space<vmem_shared>>
    tpu.wait_indirect_dma semaphore(%arg27 : memref<!tpu.dma_semaphore, #tpu.memory_space<semaphore_mem>>) src(%arg14 : memref<100x128xf32, #tpu.memory_space<vmem>>) dst(%dma_wait3A_228 : memref<10000x128xf32, #tpu.memory_space<vmem_shared>>)
    %dma_wait3A_229 = arith.constant 1 : i32
    %dma_wait3A_230 = arith.constant 0 : i32
    %dma_wait3A_231 = tpu.memref_slice %arg7[%dma_wait3A_229, %dma_wait3A_230] : memref<2x100xi32, #tpu.memory_space<vmem>> -> memref<1x100xi32, #tpu.memory_space<vmem>>
    %dma_wait3A_232 = tpu.memref_squeeze %dma_wait3A_231 : memref<1x100xi32, #tpu.memory_space<vmem>> -> memref<100xi32, #tpu.memory_space<vmem>>
    %dma_wait3A_233 = arith.constant 0 : i32
    %dma_wait3A_234 = arith.constant 0 : i32
    %dma_wait3A_235 = tpu.memref_slice %arg6[%dma_wait3A_233, %dma_wait3A_234] : memref<10000x128xf32, #tpu.memory_space<vmem_shared>> -> memref<10000x128xf32, #tpu.memory_space<vmem_shared>>
    tpu.wait_indirect_dma semaphore(%arg28 : memref<!tpu.dma_semaphore, #tpu.memory_space<semaphore_mem>>) src(%arg15 : memref<100x128xf32, #tpu.memory_space<vmem>>) dst(%dma_wait3A_235 : memref<10000x128xf32, #tpu.memory_space<vmem_shared>>)
    %barrier3A_236 = arith.constant 0 : index
    tpu.barrier barrier_id(%barrier3A_236)
    %lt3A_237 = arith.constant 15 : i32
    %lt3A_238 = arith.cmpi slt, %arg1, %lt3A_237 : i32
    %convert_element_type3A_239 = arith.extui %lt3A_238 : i1 to i32
    %cond3A_240 = arith.constant 0 : i32
    %cond3A_241 = arith.cmpi ne, %convert_element_type3A_239, %cond3A_240 : i32
    scf.if %cond3A_241 {
      "tpu.region"() ({
        %run_scoped3A = tpu.sem_alloc : memref<!tpu.dma_semaphore, #tpu.memory_space<semaphore_mem>>
        %dma_start3A_247 = arith.constant 0 : i32
        %dma_start3A_248 = tpu.memref_slice %arg5[%arg0, %mul3A_2, %dma_start3A_247] : memref<2x10000x128xf32, #tpu.memory_space<hbm>> -> memref<1x624x128xf32, #tpu.memory_space<hbm>>
        %dma_start3A_249 = tpu.memref_squeeze %dma_start3A_248 : memref<1x624x128xf32, #tpu.memory_space<hbm>> -> memref<624x128xf32, #tpu.memory_space<hbm>>
        %dma_start3A_250 = arith.constant 0 : i32
        %dma_start3A_251 = tpu.memref_slice %arg6[%mul3A_2, %dma_start3A_250] : memref<10000x128xf32, #tpu.memory_space<vmem_shared>> -> memref<624x128xf32, #tpu.memory_space<vmem_shared>>
        tpu.enqueue_dma source(%dma_start3A_251 : memref<624x128xf32, #tpu.memory_space<vmem_shared>>) target(%dma_start3A_249 : memref<624x128xf32, #tpu.memory_space<hbm>>) target_semaphore(%run_scoped3A : memref<!tpu.dma_semaphore, #tpu.memory_space<semaphore_mem>>)
        %dma_wait3A_252 = arith.constant 0 : i32
        %dma_wait3A_253 = tpu.memref_slice %arg5[%arg0, %mul3A_2, %dma_wait3A_252] : memref<2x10000x128xf32, #tpu.memory_space<hbm>> -> memref<1x624x128xf32, #tpu.memory_space<hbm>>
        %dma_wait3A_254 = tpu.memref_squeeze %dma_wait3A_253 : memref<1x624x128xf32, #tpu.memory_space<hbm>> -> memref<624x128xf32, #tpu.memory_space<hbm>>
        %dma_wait3A_255 = arith.constant 0 : i32
        %dma_wait3A_256 = tpu.memref_slice %arg6[%mul3A_2, %dma_wait3A_255] : memref<10000x128xf32, #tpu.memory_space<vmem_shared>> -> memref<624x128xf32, #tpu.memory_space<vmem_shared>>
        tpu.wait_dma2 semaphore(%run_scoped3A : memref<!tpu.dma_semaphore, #tpu.memory_space<semaphore_mem>>) src(%dma_wait3A_256 : memref<624x128xf32, #tpu.memory_space<vmem_shared>>) dst(%dma_wait3A_254 : memref<624x128xf32, #tpu.memory_space<hbm>>)
        tpu.yield
      }) : () -> ()
    } else {
    }
    %eq3A_242 = arith.constant 15 : i32
    %eq3A_243 = arith.cmpi eq, %arg1, %eq3A_242 : i32
    %convert_element_type3A_244 = arith.extui %eq3A_243 : i1 to i32
    %cond3A_245 = arith.constant 0 : i32
    %cond3A_246 = arith.cmpi ne, %convert_element_type3A_244, %cond3A_245 : i32
    scf.if %cond3A_246 {
      "tpu.region"() ({
        %run_scoped3A = tpu.sem_alloc : memref<!tpu.dma_semaphore, #tpu.memory_space<semaphore_mem>>
        %dma_start3A_247 = arith.constant 0 : i32
        %dma_start3A_248 = tpu.memref_slice %arg5[%arg0, %mul3A_2, %dma_start3A_247] : memref<2x10000x128xf32, #tpu.memory_space<hbm>> -> memref<1x640x128xf32, #tpu.memory_space<hbm>>
        %dma_start3A_249 = tpu.memref_squeeze %dma_start3A_248 : memref<1x640x128xf32, #tpu.memory_space<hbm>> -> memref<640x128xf32, #tpu.memory_space<hbm>>
        %dma_start3A_250 = arith.constant 0 : i32
        %dma_start3A_251 = tpu.memref_slice %arg6[%mul3A_2, %dma_start3A_250] : memref<10000x128xf32, #tpu.memory_space<vmem_shared>> -> memref<640x128xf32, #tpu.memory_space<vmem_shared>>
        tpu.enqueue_dma source(%dma_start3A_251 : memref<640x128xf32, #tpu.memory_space<vmem_shared>>) target(%dma_start3A_249 : memref<640x128xf32, #tpu.memory_space<hbm>>) target_semaphore(%run_scoped3A : memref<!tpu.dma_semaphore, #tpu.memory_space<semaphore_mem>>)
        %dma_wait3A_252 = arith.constant 0 : i32
        %dma_wait3A_253 = tpu.memref_slice %arg5[%arg0, %mul3A_2, %dma_wait3A_252] : memref<2x10000x128xf32, #tpu.memory_space<hbm>> -> memref<1x640x128xf32, #tpu.memory_space<hbm>>
        %dma_wait3A_254 = tpu.memref_squeeze %dma_wait3A_253 : memref<1x640x128xf32, #tpu.memory_space<hbm>> -> memref<640x128xf32, #tpu.memory_space<hbm>>
        %dma_wait3A_255 = arith.constant 0 : i32
        %dma_wait3A_256 = tpu.memref_slice %arg6[%mul3A_2, %dma_wait3A_255] : memref<10000x128xf32, #tpu.memory_space<vmem_shared>> -> memref<640x128xf32, #tpu.memory_space<vmem_shared>>
        tpu.wait_dma2 semaphore(%run_scoped3A : memref<!tpu.dma_semaphore, #tpu.memory_space<semaphore_mem>>) src(%dma_wait3A_256 : memref<640x128xf32, #tpu.memory_space<vmem_shared>>) dst(%dma_wait3A_254 : memref<640x128xf32, #tpu.memory_space<hbm>>)
        tpu.yield
      }) : () -> ()
    } else {
    }
    return
  }
}

module attributes {stable_mosaic.version = 14 : i64} {
  func.func @_layer1_body(%arg0: i32, %arg1: memref<1000x128xf32, #tpu.memory_space<vmem>>, %arg2: memref<1000x128xf32, #tpu.memory_space<vmem>>, %arg3: memref<1000x128xf32, #tpu.memory_space<vmem>>, %arg4: memref<128x128xf32, #tpu.memory_space<vmem>>, %arg5: memref<1x128xf32, #tpu.memory_space<vmem>>, %arg6: memref<128x128xf32, #tpu.memory_space<vmem>>, %arg7: memref<1000x128xf32, #tpu.memory_space<vmem>>) attributes {dimension_semantics = [#tpu.dimension_semantics<arbitrary>], iteration_bounds = array<i64: 10>, scalar_prefetch = 0 : i64, scratch_operands = 0 : i64, tpu.core_type = #tpu.core_type<tc>, window_params = [{transform_indices = @transform_0, window_bounds = array<i64: 1000, 128>}, {transform_indices = @transform_1, window_bounds = array<i64: 1000, 128>}, {transform_indices = @transform_2, window_bounds = array<i64: 1000, 128>}, {pipeline_mode = #tpu.pipeline_mode<synchronous>, transform_indices = @transform_3, window_bounds = array<i64: 128, 128>}, {pipeline_mode = #tpu.pipeline_mode<synchronous>, transform_indices = @transform_4, window_bounds = array<i64: 1, 128>}, {pipeline_mode = #tpu.pipeline_mode<synchronous>, transform_indices = @transform_5, window_bounds = array<i64: 128, 128>}, {transform_indices = @transform_6, window_bounds = array<i64: 1000, 128>}]} {
    %get3A = arith.constant 0 : index
    %get3A_0 = arith.constant 0 : index
    %get3A_1 = vector.load %arg1[%get3A, %get3A_0] : memref<1000x128xf32, #tpu.memory_space<vmem>>, vector<1000x128xf32>
    %get3A_2 = arith.constant 0 : index
    %get3A_3 = arith.constant 0 : index
    %get3A_4 = vector.load %arg2[%get3A_2, %get3A_3] : memref<1000x128xf32, #tpu.memory_space<vmem>>, vector<1000x128xf32>
    %add3A = arith.addf %get3A_1, %get3A_4 : vector<1000x128xf32>
    %get3A_5 = arith.constant 0 : index
    %get3A_6 = arith.constant 0 : index
    %get3A_7 = vector.load %arg4[%get3A_5, %get3A_6] : memref<128x128xf32, #tpu.memory_space<vmem>>, vector<128x128xf32>
    %dot_general3A = arith.constant dense<0.000000e+00> : vector<1000x128xf32>
    %dot_general3A_8 = tpu.matmul %add3A, %get3A_7, %dot_general3A {dimension_numbers = #tpu.dot_dimension_numbers<[1], [0], [0], [1], [0, 0, 1, 1], [], []>, transpose_lhs_hint = false} : vector<1000x128xf32>, vector<128x128xf32>, vector<1000x128xf32> -> vector<1000x128xf32>
    %get3A_9 = arith.constant 0 : index
    %get3A_10 = arith.constant 0 : index
    %get3A_11 = vector.load %arg3[%get3A_9, %get3A_10] : memref<1000x128xf32, #tpu.memory_space<vmem>>, vector<1000x128xf32>
    %get3A_12 = arith.constant 0 : index
    %get3A_13 = arith.constant 0 : index
    %get3A_14 = vector.load %arg6[%get3A_12, %get3A_13] : memref<128x128xf32, #tpu.memory_space<vmem>>, vector<128x128xf32>
    %dot_general3A_15 = arith.constant dense<0.000000e+00> : vector<1000x128xf32>
    %dot_general3A_16 = tpu.matmul %get3A_11, %get3A_14, %dot_general3A_15 {dimension_numbers = #tpu.dot_dimension_numbers<[1], [0], [0], [1], [0, 0, 1, 1], [], []>, transpose_lhs_hint = false} : vector<1000x128xf32>, vector<128x128xf32>, vector<1000x128xf32> -> vector<1000x128xf32>
    %add3A_17 = arith.addf %dot_general3A_8, %dot_general3A_16 : vector<1000x128xf32>
    %get3A_18 = arith.constant 0 : index
    %get3A_19 = arith.constant 0 : index
    %get3A_20 = vector.load %arg5[%get3A_18, %get3A_19] : memref<1x128xf32, #tpu.memory_space<vmem>>, vector<1x128xf32>
    %add3A_21 = vector.broadcast %get3A_20 : vector<1x128xf32> to vector<1000x128xf32>
    %add3A_22 = arith.addf %add3A_17, %add3A_21 : vector<1000x128xf32>
    %max3A = arith.constant 0.000000e+00 : f32
    %max3A_23 = vector.broadcast %max3A : f32 to vector<1000x128xf32>
    %max3A_24 = arith.maximumf %add3A_22, %max3A_23 : vector<1000x128xf32>
    %swap3A = arith.constant 0 : index
    %swap3A_25 = arith.constant 0 : index
    %swap3A_26 = vector.load %arg7[%swap3A, %swap3A_25] : memref<1000x128xf32, #tpu.memory_space<vmem>>, vector<1000x128xf32>
    tpu.vector_store %arg7[%swap3A, %swap3A_25], %max3A_24 {strides = array<i32>} : memref<1000x128xf32, #tpu.memory_space<vmem>>, vector<1000x128xf32>,
    return
  }
  func.func @transform_0(%arg0: i32) -> (i32, i32) {
    %c0_i32 = arith.constant 0 : i32
    %c0_i32_0 = arith.constant 0 : i32
    return %arg0, %c0_i32 : i32, i32
  }
  func.func @transform_1(%arg0: i32) -> (i32, i32) {
    %c0_i32 = arith.constant 0 : i32
    %c0_i32_0 = arith.constant 0 : i32
    return %arg0, %c0_i32 : i32, i32
  }
  func.func @transform_2(%arg0: i32) -> (i32, i32) {
    %c0_i32 = arith.constant 0 : i32
    %c0_i32_0 = arith.constant 0 : i32
    return %arg0, %c0_i32 : i32, i32
  }
  func.func @transform_3(%arg0: i32) -> (i32, i32) {
    %c0_i32 = arith.constant 0 : i32
    %c0_i32_0 = arith.constant 0 : i32
    %c0_i32_1 = arith.constant 0 : i32
    return %c0_i32, %c0_i32_0 : i32, i32
  }
  func.func @transform_4(%arg0: i32) -> (i32, i32) {
    %c0_i32 = arith.constant 0 : i32
    %c0_i32_0 = arith.constant 0 : i32
    %c0_i32_1 = arith.constant 0 : i32
    return %c0_i32, %c0_i32_0 : i32, i32
  }
  func.func @transform_5(%arg0: i32) -> (i32, i32) {
    %c0_i32 = arith.constant 0 : i32
    %c0_i32_0 = arith.constant 0 : i32
    %c0_i32_1 = arith.constant 0 : i32
    return %c0_i32, %c0_i32_0 : i32, i32
  }
  func.func @transform_6(%arg0: i32) -> (i32, i32) {
    %c0_i32 = arith.constant 0 : i32
    %c0_i32_0 = arith.constant 0 : i32
    return %arg0, %c0_i32 : i32, i32
  }
}

module attributes {stable_mosaic.version = 14 : i64} {
  func.func @_layer2_body(%arg0: i32, %arg1: memref<1000x128xf32, #tpu.memory_space<vmem>>, %arg2: memref<1000x128xf32, #tpu.memory_space<vmem>>, %arg3: memref<1000x128xf32, #tpu.memory_space<vmem>>, %arg4: memref<128x128xf32, #tpu.memory_space<vmem>>, %arg5: memref<1x128xf32, #tpu.memory_space<vmem>>, %arg6: memref<128x128xf32, #tpu.memory_space<vmem>>, %arg7: memref<128x1xf32, #tpu.memory_space<vmem>>, %arg8: memref<1x1xf32, #tpu.memory_space<vmem>>, %arg9: memref<128x5xf32, #tpu.memory_space<vmem>>, %arg10: memref<1x5xf32, #tpu.memory_space<vmem>>, %arg11: memref<1x1xf32, #tpu.memory_space<vmem>>, %arg12: memref<3x5xf32, #tpu.memory_space<vmem>>, %arg13: memref<1x128xf32, #tpu.memory_space<vmem>>) attributes {dimension_semantics = [#tpu.dimension_semantics<arbitrary>], iteration_bounds = array<i64: 10>, scalar_prefetch = 0 : i64, scratch_operands = 1 : i64, tpu.core_type = #tpu.core_type<tc>, window_params = [{transform_indices = @transform_0, window_bounds = array<i64: 1000, 128>}, {transform_indices = @transform_1, window_bounds = array<i64: 1000, 128>}, {transform_indices = @transform_2, window_bounds = array<i64: 1000, 128>}, {pipeline_mode = #tpu.pipeline_mode<synchronous>, transform_indices = @transform_3, window_bounds = array<i64: 128, 128>}, {pipeline_mode = #tpu.pipeline_mode<synchronous>, transform_indices = @transform_4, window_bounds = array<i64: 1, 128>}, {pipeline_mode = #tpu.pipeline_mode<synchronous>, transform_indices = @transform_5, window_bounds = array<i64: 128, 128>}, {pipeline_mode = #tpu.pipeline_mode<synchronous>, transform_indices = @transform_6, window_bounds = array<i64: 128, 1>}, {pipeline_mode = #tpu.pipeline_mode<synchronous>, transform_indices = @transform_7, window_bounds = array<i64: 1, 1>}, {pipeline_mode = #tpu.pipeline_mode<synchronous>, transform_indices = @transform_8, window_bounds = array<i64: 128, 5>}, {pipeline_mode = #tpu.pipeline_mode<synchronous>, transform_indices = @transform_9, window_bounds = array<i64: 1, 5>}, {pipeline_mode = #tpu.pipeline_mode<synchronous>, transform_indices = @transform_10, window_bounds = array<i64: 1, 1>}, {pipeline_mode = #tpu.pipeline_mode<synchronous>, transform_indices = @transform_11, window_bounds = array<i64: 3, 5>}]} {
    %get3A = arith.constant 0 : index
    %get3A_0 = arith.constant 0 : index
    %get3A_1 = vector.load %arg1[%get3A, %get3A_0] : memref<1000x128xf32, #tpu.memory_space<vmem>>, vector<1000x128xf32>
    %get3A_2 = arith.constant 0 : index
    %get3A_3 = arith.constant 0 : index
    %get3A_4 = vector.load %arg2[%get3A_2, %get3A_3] : memref<1000x128xf32, #tpu.memory_space<vmem>>, vector<1000x128xf32>
    %add3A = arith.addf %get3A_1, %get3A_4 : vector<1000x128xf32>
    %get3A_5 = arith.constant 0 : index
    %get3A_6 = arith.constant 0 : index
    %get3A_7 = vector.load %arg4[%get3A_5, %get3A_6] : memref<128x128xf32, #tpu.memory_space<vmem>>, vector<128x128xf32>
    %dot_general3A = arith.constant dense<0.000000e+00> : vector<1000x128xf32>
    %dot_general3A_8 = tpu.matmul %add3A, %get3A_7, %dot_general3A {dimension_numbers = #tpu.dot_dimension_numbers<[1], [0], [0], [1], [0, 0, 1, 1], [], []>, transpose_lhs_hint = false} : vector<1000x128xf32>, vector<128x128xf32>, vector<1000x128xf32> -> vector<1000x128xf32>
    %get3A_9 = arith.constant 0 : index
    %get3A_10 = arith.constant 0 : index
    %get3A_11 = vector.load %arg3[%get3A_9, %get3A_10] : memref<1000x128xf32, #tpu.memory_space<vmem>>, vector<1000x128xf32>
    %get3A_12 = arith.constant 0 : index
    %get3A_13 = arith.constant 0 : index
    %get3A_14 = vector.load %arg6[%get3A_12, %get3A_13] : memref<128x128xf32, #tpu.memory_space<vmem>>, vector<128x128xf32>
    %dot_general3A_15 = arith.constant dense<0.000000e+00> : vector<1000x128xf32>
    %dot_general3A_16 = tpu.matmul %get3A_11, %get3A_14, %dot_general3A_15 {dimension_numbers = #tpu.dot_dimension_numbers<[1], [0], [0], [1], [0, 0, 1, 1], [], []>, transpose_lhs_hint = false} : vector<1000x128xf32>, vector<128x128xf32>, vector<1000x128xf32> -> vector<1000x128xf32>
    %add3A_17 = arith.addf %dot_general3A_8, %dot_general3A_16 : vector<1000x128xf32>
    %get3A_18 = arith.constant 0 : index
    %get3A_19 = arith.constant 0 : index
    %get3A_20 = vector.load %arg5[%get3A_18, %get3A_19] : memref<1x128xf32, #tpu.memory_space<vmem>>, vector<1x128xf32>
    %add3A_21 = vector.broadcast %get3A_20 : vector<1x128xf32> to vector<1000x128xf32>
    %add3A_22 = arith.addf %add3A_17, %add3A_21 : vector<1000x128xf32>
    %max3A = arith.constant 0.000000e+00 : f32
    %max3A_23 = vector.broadcast %max3A : f32 to vector<1000x128xf32>
    %max3A_24 = arith.maximumf %add3A_22, %max3A_23 : vector<1000x128xf32>
    %reduce_sum3A = arith.constant dense<0.000000e+00> : vector<128xf32>
    %reduce_sum3A_25 = vector.multi_reduction <add>, %max3A_24, %reduce_sum3A [0] : vector<1000x128xf32> to vector<128xf32>
    %broadcast_in_dim3A = vector.shape_cast %reduce_sum3A_25 : vector<128xf32> to vector<1x128xf32>
    %eq3A = arith.constant 0 : i32
    %eq3A_26 = arith.cmpi eq, %arg0, %eq3A : i32
    %convert_element_type3A = arith.extui %eq3A_26 : i1 to i32
    %cond3A = arith.constant 0 : i32
    %cond3A_27 = arith.cmpi ne, %convert_element_type3A, %cond3A : i32
    scf.if %cond3A_27 {
      %broadcast_in_dim3A_39 = arith.constant 0.000000e+00 : f32
      %broadcast_in_dim3A_40 = vector.broadcast %broadcast_in_dim3A_39 : f32 to vector<1x128xf32>
      %swap3A_41 = arith.constant 0 : index
      %swap3A_42 = arith.constant 0 : index
      %swap3A_43 = vector.load %arg13[%swap3A_41, %swap3A_42] : memref<1x128xf32, #tpu.memory_space<vmem>>, vector<1x128xf32>
      tpu.vector_store %arg13[%swap3A_41, %swap3A_42], %broadcast_in_dim3A_40 {strides = array<i32>} : memref<1x128xf32, #tpu.memory_space<vmem>>, vector<1x128xf32>,
    } else {
    }
    %get3A_28 = arith.constant 0 : index
    %get3A_29 = arith.constant 0 : index
    %get3A_30 = vector.load %arg13[%get3A_28, %get3A_29] : memref<1x128xf32, #tpu.memory_space<vmem>>, vector<1x128xf32>
    %add3A_31 = arith.addf %get3A_30, %broadcast_in_dim3A : vector<1x128xf32>
    %swap3A = arith.constant 0 : index
    %swap3A_32 = arith.constant 0 : index
    %swap3A_33 = vector.load %arg13[%swap3A, %swap3A_32] : memref<1x128xf32, #tpu.memory_space<vmem>>, vector<1x128xf32>
    tpu.vector_store %arg13[%swap3A, %swap3A_32], %add3A_31 {strides = array<i32>} : memref<1x128xf32, #tpu.memory_space<vmem>>, vector<1x128xf32>,
    %eq3A_34 = arith.constant 9 : i32
    %eq3A_35 = arith.cmpi eq, %arg0, %eq3A_34 : i32
    %convert_element_type3A_36 = arith.extui %eq3A_35 : i1 to i32
    %cond3A_37 = arith.constant 0 : i32
    %cond3A_38 = arith.cmpi ne, %convert_element_type3A_36, %cond3A_37 : i32
    scf.if %cond3A_38 {
      %get3A_39 = arith.constant 0 : index
      %get3A_40 = arith.constant 0 : index
      %get3A_41 = vector.load %arg13[%get3A_39, %get3A_40] : memref<1x128xf32, #tpu.memory_space<vmem>>, vector<1x128xf32>
      %div3A = arith.constant 1.000000e+04 : f32
      %div3A_42 = vector.broadcast %div3A : f32 to vector<1x128xf32>
      %div3A_43 = arith.divf %get3A_41, %div3A_42 : vector<1x128xf32>
      %get3A_44 = arith.constant 0 : index
      %get3A_45 = arith.constant 0 : index
      %get3A_46 = vector.load %arg7[%get3A_44, %get3A_45] : memref<128x1xf32, #tpu.memory_space<vmem>>, vector<128x1xf32>
      %dot_general3A_47 = arith.constant dense<0.000000e+00> : vector<1x1xf32>
      %dot_general3A_48 = tpu.matmul %div3A_43, %get3A_46, %dot_general3A_47 {dimension_numbers = #tpu.dot_dimension_numbers<[1], [0], [0], [1], [0, 0, 1, 1], [], []>, transpose_lhs_hint = false} : vector<1x128xf32>, vector<128x1xf32>, vector<1x1xf32> -> vector<1x1xf32>
      %get3A_49 = arith.constant 0 : index
      %get3A_50 = arith.constant 0 : index
      %get3A_51 = vector.load %arg8[%get3A_49, %get3A_50] : memref<1x1xf32, #tpu.memory_space<vmem>>, vector<1x1xf32>
      %add3A_52 = arith.addf %dot_general3A_48, %get3A_51 : vector<1x1xf32>
      %jit3A = arith.constant 0.000000e+00 : f32
      %jit3A_53 = arith.constant 2.000000e+01 : f32
      %max3A_54 = vector.broadcast %jit3A : f32 to vector<1x1xf32>
      %max3A_55 = arith.maximumf %max3A_54, %add3A_52 : vector<1x1xf32>
      %min3A = vector.broadcast %jit3A_53 : f32 to vector<1x1xf32>
      %min3A_56 = arith.minimumf %min3A, %max3A_55 : vector<1x1xf32>
      %round3A = math.roundeven %min3A_56 : vector<1x1xf32>
      %swap3A_57 = arith.constant 0 : index
      %swap3A_58 = arith.constant 0 : index
      %swap3A_59 = vector.load %arg11[%swap3A_57, %swap3A_58] : memref<1x1xf32, #tpu.memory_space<vmem>>, vector<1x1xf32>
      tpu.vector_store %arg11[%swap3A_57, %swap3A_58], %round3A {strides = array<i32>} : memref<1x1xf32, #tpu.memory_space<vmem>>, vector<1x1xf32>,
      %get3A_60 = arith.constant 0 : index
      %get3A_61 = arith.constant 0 : index
      %get3A_62 = vector.load %arg9[%get3A_60, %get3A_61] : memref<128x5xf32, #tpu.memory_space<vmem>>, vector<128x5xf32>
      %dot_general3A_63 = arith.constant dense<0.000000e+00> : vector<1x5xf32>
      %dot_general3A_64 = tpu.matmul %div3A_43, %get3A_62, %dot_general3A_63 {dimension_numbers = #tpu.dot_dimension_numbers<[1], [0], [0], [1], [0, 0, 1, 1], [], []>, transpose_lhs_hint = false} : vector<1x128xf32>, vector<128x5xf32>, vector<1x5xf32> -> vector<1x5xf32>
      %get3A_65 = arith.constant 0 : index
      %get3A_66 = arith.constant 0 : index
      %get3A_67 = vector.load %arg10[%get3A_65, %get3A_66] : memref<1x5xf32, #tpu.memory_space<vmem>>, vector<1x5xf32>
      %add3A_68 = arith.addf %dot_general3A_64, %get3A_67 : vector<1x5xf32>
      %broadcast_in_dim3A_69 = vector.shape_cast %add3A_68 : vector<1x5xf32> to vector<1x5xf32>
      %broadcast_in_dim3A_70 = vector.broadcast %broadcast_in_dim3A_69 : vector<1x5xf32> to vector<3x5xf32>
      %swap3A_71 = arith.constant 0 : index
      %swap3A_72 = arith.constant 0 : index
      %swap3A_73 = vector.load %arg12[%swap3A_71, %swap3A_72] : memref<3x5xf32, #tpu.memory_space<vmem>>, vector<3x5xf32>
      tpu.vector_store %arg12[%swap3A_71, %swap3A_72], %broadcast_in_dim3A_70 {strides = array<i32>} : memref<3x5xf32, #tpu.memory_space<vmem>>, vector<3x5xf32>,
    } else {
    }
    return
  }
  func.func @transform_0(%arg0: i32) -> (i32, i32) {
    %c0_i32 = arith.constant 0 : i32
    %c0_i32_0 = arith.constant 0 : i32
    return %arg0, %c0_i32 : i32, i32
  }
  func.func @transform_1(%arg0: i32) -> (i32, i32) {
    %c0_i32 = arith.constant 0 : i32
    %c0_i32_0 = arith.constant 0 : i32
    return %arg0, %c0_i32 : i32, i32
  }
  func.func @transform_2(%arg0: i32) -> (i32, i32) {
    %c0_i32 = arith.constant 0 : i32
    %c0_i32_0 = arith.constant 0 : i32
    return %arg0, %c0_i32 : i32, i32
  }
  func.func @transform_3(%arg0: i32) -> (i32, i32) {
    %c0_i32 = arith.constant 0 : i32
    %c0_i32_0 = arith.constant 0 : i32
    %c0_i32_1 = arith.constant 0 : i32
    return %c0_i32, %c0_i32_0 : i32, i32
  }
  func.func @transform_4(%arg0: i32) -> (i32, i32) {
    %c0_i32 = arith.constant 0 : i32
    %c0_i32_0 = arith.constant 0 : i32
    %c0_i32_1 = arith.constant 0 : i32
    return %c0_i32, %c0_i32_0 : i32, i32
  }
  func.func @transform_5(%arg0: i32) -> (i32, i32) {
    %c0_i32 = arith.constant 0 : i32
    %c0_i32_0 = arith.constant 0 : i32
    %c0_i32_1 = arith.constant 0 : i32
    return %c0_i32, %c0_i32_0 : i32, i32
  }
  func.func @transform_6(%arg0: i32) -> (i32, i32) {
    %c0_i32 = arith.constant 0 : i32
    %c0_i32_0 = arith.constant 0 : i32
    %c0_i32_1 = arith.constant 0 : i32
    return %c0_i32, %c0_i32_0 : i32, i32
  }
  func.func @transform_7(%arg0: i32) -> (i32, i32) {
    %c0_i32 = arith.constant 0 : i32
    %c0_i32_0 = arith.constant 0 : i32
    %c0_i32_1 = arith.constant 0 : i32
    return %c0_i32, %c0_i32_0 : i32, i32
  }
  func.func @transform_8(%arg0: i32) -> (i32, i32) {
    %c0_i32 = arith.constant 0 : i32
    %c0_i32_0 = arith.constant 0 : i32
    %c0_i32_1 = arith.constant 0 : i32
    return %c0_i32, %c0_i32_0 : i32, i32
  }
  func.func @transform_9(%arg0: i32) -> (i32, i32) {
    %c0_i32 = arith.constant 0 : i32
    %c0_i32_0 = arith.constant 0 : i32
    %c0_i32_1 = arith.constant 0 : i32
    return %c0_i32, %c0_i32_0 : i32, i32
  }
  func.func @transform_10(%arg0: i32) -> (i32, i32) {
    %c0_i32 = arith.constant 0 : i32
    %c0_i32_0 = arith.constant 0 : i32
    %c0_i32_1 = arith.constant 0 : i32
    return %c0_i32, %c0_i32_0 : i32, i32
  }
  func.func @transform_11(%arg0: i32) -> (i32, i32) {
    %c0_i32 = arith.constant 0 : i32
    %c0_i32_0 = arith.constant 0 : i32
    %c0_i32_1 = arith.constant 0 : i32
    return %c0_i32, %c0_i32_0 : i32, i32
  }
}

</mosaic_0001>

<sc_bundles>
// kernel: kernel.6.cloned.1.call-start
scs
__scs_entry_jumppad:
0x0: {  	(pc) =	sbr.rel $0x88, $3  }
0x1: {  	(tag) =	ssettag $0x0;
	lr =	simm.s32 $0x1  }
0x2: {  	[smem:$0x3F95] =	sst lr;
	_ =	strace $0xD0000000  }
0x3: {  	_ = 	snop  }
0x4: {  	_ = 	snop  }
0x5: {  	_ = 	snop  }
0x6: {  	_ = 	snop  }
0x7: {  	_ = 	snop  }
__scs_overlays_trampoline_lowered:
0x8: {  	[smem:$0x3FA4] =	sst s0  }
0x9: {  	[smem:$0x3FA5] =	sst s1  }
0xa: {  	[smem:$0x3FA6] =	sst s2  }
0xb: {  	[smem:$0x3FA7] =	sst s3  }
0xc: {  	[smem:$0x3FA8] =	sst s4  }
0xd: {  	[smem:$0x3FA9] =	sst s5  }
0xe: {  	[smem:$0x3FAA] =	sst s6  }
0xf: {  	[smem:$0x3FAB] =	sst s7  }
0x10: {  	[smem:$0x3FAC] =	sst s8  }
0x11: {  	[smem:$0x3FAD] =	sst s9;
	s0 =	simm.s32 @!p0 $0x0  }
0x12: {  	s1 =	sld [smem:$0x3F93];
	s0 =	simm.s32 @p0 $0x1  }
0x13: {  	[smem:$0x3FAE] =	sst s0;
	s0 =	simm.s32 @!p1 $0x0  }
0x14: {  	s2 =	sld [smem:$0x3F92];
	s0 =	simm.s32 @p1 $0x1  }
0x15: {  	[smem:$0x3FAF] =	sst s0;
	s0 =	simm.s32 @!p2 $0x0  }
0x16: {  	s3 =	sld [smem:$0x3FDB];
	s0 =	simm.s32 @p2 $0x1  }
0x17: {  	s4 =	simm.s32 $0x1BF5;
	[smem:$0x3FB1] =	sst s0  }
0x18: {  	s0 =	sld [smem:$0x3F94];
	_ =	swait.ge [sflag:s4], $0x0  }
0x19: {  	s7 =	sld [smem:$0x3F95]  }
0x1a: {  	s8 =	sadd.s32 $0xFFFFE003, lr  }
0x1b: {  	s9 =	sadd.s32 $0xFFFFFEF7, lr;
	s5 =	simm.s32 $0xFFFFFFFF;
	p2 =	slt.u32 s8, $0xFFFFF086  }
0x1c: {  	p1 =	slt.u32 s9, $0xF7A;
	s5 =	simm.s32 @!p2 $0x0  }
0x1d: {  	s5 =	simm.s32 @p1 $0x1;
	p0 =	seq.s32 s7, s2  }
0x1e: {  	s7 =	smul.u32 @!p0 $0xF7A, s2;
	p2 =	seq.s32 @!p0 s5, $0x0  }
0x1f: {  	s9 =	smul.u32 $0xF7A, s1;
	s8 =	simm.s32 @!p0 $0x1BF5;
	p2 =	por !p2, p0  }
0x20: {  	[sflag:s8] =	ssyncset.s32 @!p0 $0xFFFFF086;
	s6 =	sadd.s32 @!p0 s3, s7;
	s7 =	simm.s32 @!p0 $0x108  }
0x21: {  	s3 =	sadd.s32 s3, s9;
	s6 =	sadd.s32 @!p0 $0x88, s6;
	s7 =	simm.s32 @p2 $0x1082  }
0x22: {  	[simem:s7], [sflag:s8] =	dma.local @!p0 [hbm:s6], $0xF7A  }
0x23: {  	s9 =	sor.u32 $0xD0000000, s2;
	s6 =	simm.s32 $0x108;
	_ =	swait.ge @!p0 [sflag:s8], $0x0  }
0x24: {  	s3 =	sadd.s32 $0x88, s3;
	s6 =	simm.s32 @!p1 $0x1082;
	[sflag:s4] =	ssyncset.s32 $0xFFFFF086  }
0x25: {  	[simem:s6], [sflag:s4] =	dma.local [hbm:s3], $0xF7A  }
0x26: {  	[smem:$0x3F95] =	sst s1;
	(tag) =	ssettag s2;
	_ =	strace s9  }
0x27: {  	s1 =	sld [smem:$0x3FA5]  }
0x28: {  	s2 =	sld [smem:$0x3FA6]  }
0x29: {  	s4 =	sld [smem:$0x3FA8]  }
0x2a: {  	p0 =	seq.s32 s5, $0x0;
	s5 =	sld [smem:$0x3FA9]  }
0x2b: {  	s6 =	sld [smem:$0x3FAA]  }
0x2c: {  	s7 =	sld [smem:$0x3FAB]  }
0x2d: {  	s3 =	simm.s32 $0x108;
	s8 =	sld [smem:$0x3FAC]  }
0x2e: {  	s3 =	simm.s32 @!p0 $0x1082;
	s9 =	sld [smem:$0x3FAD]  }
0x2f: {  	lr =	sadd.s32 s0, s3;
	s0 =	sld [smem:$0x3FA4]  }
0x30: {  	s3 =	sld [smem:$0x3FA7]  }
0x31: {  	[smem:$0x3FB0] =	sst s10  }
0x32: {  	s10 =	sld [smem:$0x3FAE];
	_ =	sdelay $0x3  }
0x33: {  	p0 =	seq.s32 s10, $0x1;
	s10 =	sld [smem:$0x3FB0];
	_ =	sdelay $0x3  }
0x34: {  	[smem:$0x3FB0] =	sst s10  }
0x35: {  	s10 =	sld [smem:$0x3FAF];
	_ =	sdelay $0x3  }
0x36: {  	p1 =	seq.s32 s10, $0x1;
	s10 =	sld [smem:$0x3FB0];
	_ =	sdelay $0x3  }
0x37: {  	[smem:$0x3FB0] =	sst s10  }
0x38: {  	s10 =	sld [smem:$0x3FB1]  }
0x39: {  	_ = 	snop;
	(pc) =	sbr.ind lr, $3  }
0x3a: {  	_ = 	snop  }
0x3b: {  	_ = 	snop  }
0x3c: {  	p2 =	seq.s32 s10, $0x1;
	s10 =	sld [smem:$0x3FB0]  }
0x3d: {  	_ =	shalt  }
0x3e: {  	_ =	shalt  }
0x3f: {  	_ =	shalt  }
0x40: {  	_ =	shalt  }
0x41: {  	_ =	shalt  }
0x42: {  	_ =	shalt  }
0x43: {  	_ =	shalt  }
0x44: {  	_ =	shalt  }
0x45: {  	_ =	shalt  }
0x46: {  	_ =	shalt  }
0x47: {  	_ =	shalt  }
0x48: {  	_ =	shalt  }
0x49: {  	_ =	shalt  }
0x4a: {  	_ =	shalt  }
0x4b: {  	_ =	shalt  }
0x4c: {  	_ =	shalt  }
0x4d: {  	_ =	shalt  }
0x4e: {  	_ =	shalt  }
0x4f: {  	_ =	shalt  }
0x50: {  	_ =	shalt  }
0x51: {  	_ =	shalt  }
0x52: {  	_ =	shalt  }
0x53: {  	_ =	shalt  }
0x54: {  	_ =	shalt  }
0x55: {  	_ =	shalt  }
0x56: {  	_ =	shalt  }
0x57: {  	_ =	shalt  }
0x58: {  	_ =	shalt  }
0x59: {  	_ =	shalt  }
0x5a: {  	_ =	shalt  }
0x5b: {  	_ =	shalt  }
0x5c: {  	_ =	shalt  }
0x5d: {  	_ =	shalt  }
0x5e: {  	_ =	shalt  }
0x5f: {  	_ =	shalt  }
0x60: {  	_ =	shalt  }
0x61: {  	_ =	shalt  }
0x62: {  	_ =	shalt  }
0x63: {  	_ =	shalt  }
0x64: {  	_ =	shalt  }
0x65: {  	_ =	shalt  }
0x66: {  	_ =	shalt  }
0x67: {  	_ =	shalt  }
0x68: {  	_ =	shalt  }
0x69: {  	_ =	shalt  }
0x6a: {  	_ =	shalt  }
0x6b: {  	_ =	shalt  }
0x6c: {  	_ =	shalt  }
0x6d: {  	_ =	shalt  }
0x6e: {  	_ =	shalt  }
0x6f: {  	_ =	shalt  }
0x70: {  	_ =	shalt  }
0x71: {  	_ =	shalt  }
0x72: {  	_ =	shalt  }
0x73: {  	_ =	shalt  }
0x74: {  	_ =	shalt  }
0x75: {  	_ =	shalt  }
0x76: {  	_ =	shalt  }
0x77: {  	_ =	shalt  }
0x78: {  	_ =	shalt  }
0x79: {  	_ =	shalt  }
0x7a: {  	_ =	shalt  }
0x7b: {  	_ =	shalt  }
0x7c: {  	_ =	shalt  }
0x7d: {  	_ =	shalt  }
0x7e: {  	_ =	shalt  }
0x7f: {  	_ =	shalt  }
0x80: {  	_ =	shalt  }
0x81: {  	_ =	shalt  }
0x82: {  	_ =	shalt  }
0x83: {  	_ =	shalt  }
0x84: {  	_ =	shalt  }
0x85: {  	_ =	shalt  }
0x86: {  	_ =	shalt  }
0x87: {  	_ =	shalt  }
.Lfunc_end0:
.L_simem_size_0:
called_computation_lowered:
.L_overlay_start_0:
0x88: {  	s2 =	sld [smem:$0x3FD9]  }
0x89: {  	s3 =	sld [smem:$0x3FFE];
	_ =	sdelay $0x1  }
0x8a: {  	s1 =	srdreg.scid  }
0x8b: {  	s0 =	sand.u32 $0x1, s1  }
0x8c: {  	s17 =	sshll.u32 s0, $0xA;
	s2 =	sadd.s32 s3, s2  }
0x8d: {  	s2 =	sadd.s32 s2, s17  }
0x8e: {  	[smem:$0x3FBC] =	sst s2  }
0x8f: {  	_ = 	snop  }
0x90: {  	s2 =	sld [smem:$0x3FC9];
	(tm) =	ssettm $0x1  }
0x91: {  	s18 =	sld [smem:$0x3FFB];
	_ =	sdelay $0x3  }
0x92: {  	_ =	strace s18  }
0x93: {  	s3 =	sld [smem:$0x3FFC];
	_ =	sdelay $0x3  }
0x94: {  	_ =	strace s3  }
0x95: {  	s3 =	sld [smem:$0x3FFD];
	_ =	sdelay $0x3  }
0x96: {  	_ =	strace s3  }
0x97: {  	_ =	strace $0x8FFFFFFF  }
0x98: {  	s19 =	sld [smem:$0x3FDB];
	_ =	sdelay $0x1  }
0x99: {  	s4 =	simm.s32 $_scs_section_size  }
0x9a: {  	s5 =	simm.s32 $_size__tile_overlayer_lowered;
	s6 =	simm.s32 $_tile_overlayer_lowered  }
0x9b: {  	s22 =	simm.s32 $0x1BFF;
	s21 =	sshll.u32 s6, $0x1;
	s3 =	sadd.s32 s4, s19  }
0x9c: {  	s7 =	simm.s32 $0x0;
	s20 =	sshll.u32 s5, $0x1;
	s5 =	sadd.s32 s21, s3  }
0x9d: {  	[timem:s7], [sflag:s22] =	dma.local [hbm:s5], s20  }
0x9e: {  	_ =	swait.ge [sflag:s22], s20  }
0x9f: {  	s4 =	ssub.s32 $0x0, s20;
	[sflag:s22] =	ssyncset.done $0x0  }
0xa0: {  	[sflag:s22] =	ssyncadd.s32 s4;
	_ =	sdelay $0x1  }
0xa1: {  	s23 =	simm.s32 $0x1B8B  }
0xa2: {  	_ =	swait.ge [sflag:s23], $0x1  }
0xa3: {  	[sflag:s23] =	ssyncset.done $0x0  }
0xa4: {  	s25 =	simm.s32 $0x1B8E;
	s24 =	sld [smem:$0x3FFE];
	[sflag:s23] =	ssyncadd.s32 $0xFFFFFFFF  }
0xa5: {  	s26 =	simm.s32 $execute0_lowered;
	[smem:$0x3FD2] =	sst s25  }
0xa6: {  	s5 =	sshll.u32 s26, $0x1;
	_ =	strace $0x80000046;
	[dreg:$0x1] =	wrdreg $0xFFFFFFFF  }
0xa7: {  	s28 =	simm.s32 $_size_execute0_lowered;
	s3 =	sadd.s32 s3, s5;
	[dreg:$0x0] =	wrdreg $0x0  }
0xa8: {  	s5 =	sshll.u32 s28, $0x1;
	[dreg:$0x2] =	wrdreg s3  }
0xa9: {  	[dreg:$0x3] =	wrdreg s5  }
0xaa: {  	[dreg:$0x4] =	wrdreg $0xC0  }
0xab: {  	_ =	task [dreg:s7], $0x5FFFF  }
0xac: {  	[dreg:$0x1] =	wrdreg $0xFFFFFFFF  }
0xad: {  	[dreg:$0x0] =	wrdreg $0x60  }
0xae: {  	[dreg:$0x2] =	wrdreg s24  }
0xaf: {  	[dreg:$0x3] =	wrdreg s2  }
0xb0: {  	[dreg:$0x4] =	wrdreg $0x0  }
0xb1: {  	[dreg:$0x5] =	wrdreg $0x9  }
0xb2: {  	_ =	task.clear_ibuf [dreg:s7], $0x6FFFF;
	_ =	strace $0x90000046  }
0xb3: {  	s29 =	simm.s32 $0x9;
	_ =	strace $0x80000048  }
0xb4: {  	_ =	swait.ge [sflag:s29], $0x1  }
0xb5: {  	[sflag:s29] =	ssyncadd.s32 $0xFFFFFFFF  }
0xb6: {  	_ =	strace $0x90000048  }
0xb7: {  	_ =	sfence  }
0xb8: {  	s30 =	sld [smem:$0x0];
	_ =	sdelay $0x2  }
0xb9: {  	s31 =	sshll.u32 s1, $0xD;
	s1 =	sshrl.u32 s1, $0x2  }
0xba: {  	s3 =	sand.u32 $0x4000, s31;
	s1 =	sadd.s32 s1, s30  }
0xbb: {  	s0 =	sor.u32 s3, s0;
	s1 =	sshll.u32 s1, $0x11  }
0xbc: {  	s0 =	sor.u32 s1, s0  }
0xbd: {  	s0 =	sadd.s32 $0x8F2B, s0  }
0xbe: {  	[sflag:s0] =	ssyncadd.remote.s32 $0x1  }
0xbf: {  	_ =	sfence.sel $0xFFFF  }
0xc0: {  	[dreg:$0x0] =	wrdreg $0xFFFFFFFF;
	(pc) =	sbr.abs _section_cstart, $3  }
0xc1: {  	[dreg:$0x1] =	wrdreg $0xFFFFFFFF  }
0xc2: {  	_ =	task.clear_ibuf [dreg:s7], $0x2FFFF;
	_ =	strace $0x9FFFFFFF  }
0xc3: {  	(tm) =	ssettm $0x7FFFFFFF  }
tec
execute0_lowered:
.L_overlay_start_1:
0x0: {  	(tag) =	ssettag $0x1  }
0x1: {  	s0 =	rddreg [dreg:$0x0]  }
0x2: {  	s1 =	rddreg [dreg:$0x1]  }
0x3: {  	s2 =	rddreg [dreg:$0x2];
	s14 =	simm.s32 $0x0  }
0x4: {  	s3 =	srdreg.scid;
	s10 =	stileid.u32;
	s25 =	simm.s32 $0x13D00  }
0x5: {  	s26 =	simm.s32 $0x13E00;
	s29 =	simm.s32 $0x17280;
	s30 =	simm.s32 $0x8  }
0x6: {  	s13 =	simm.s32 $0xB;
	s15 =	simm.s32 $0x5;
	s16 =	simm.s32 $0x6  }
0x7: {  	s31 =	simm.s32 $0x7;
	s28 =	simm.s32 $0x13D80;
	[smem:$0x7FF] =	sst s14  }
0x8: {  	s3 =	sand.u32 $0x1, s3;
	s8 =	smul.u32 $0x4E000, s10;
	s5 =	sadd.s32 $0x3000, s0  }
0x9: {  	s17 =	sadd.s32 $0x1D000, s0;
	s0 =	sadd.s32 $0x1F800, s0;
	s21 =	smul.u32 $0x13800, s10  }
0xa: {  	p0 =	seq.s32 s10, $0xF;
	_ =	strace $0x80000047;
	[dreg:$0x7] =	wrdreg s17  }
0xb: {  	s4 =	sshll.u32 s3, $0x4;
	s7 =	ssub.s32 $0x2, s3;
	[dreg:$0x4] =	wrdreg s25  }
0xc: {  	s3 =	smul.u32 $0x138800, s3;
	[dreg:$0x5] =	wrdreg s26;
	s25 =	simm.s32 $0x64  }
0xd: {  	s26 =	simm.s32 $0x13E80;
	s17 =	simm.s32 $0xA;
	s4 =	sor.u32 s10, s4  }
0xe: {  	s9 =	sshrl.u32 s7, $0x1;
	s19 =	sshrl.u32 s8, $0x2;
	s6 =	smul.u32 $0x3400, s4  }
0xf: {  	s18 =	ssub.s32 s7, s9;
	s7 =	sadd.s32 s19, s2;
	s9 =	sadd.s32 $0x124800, s2  }
0x10: {  	s8 =	sadd.s32 s21, s3;
	s3 =	sshrl.u32 s3, $0x3;
	s24 =	smax.u32 s18, $0x1  }
0x11: {  	s8 =	sshrl.u32 s8, $0x3;
	s21 =	sshrl.u32 @p0 s9, $0x3;
	[dreg:$0xf] =	wrdreg s24  }
0x12: {  	s3 =	sadd.s32 s0, s3;
	s0 =	sadd.s32 s0, s8;
	[dreg:$0x10] =	wrdreg s21  }
0x13: {  	s20 =	sshrl.u32 s6, $0x3;
	s23 =	sadd.s32 $0x24900, s3;
	[dreg:$0xc] =	wrdreg s0  }
0x14: {  	s19 =	simm.s32 $0x80;
	s11 =	sadd.s32 s5, s20;
	[dreg:$0xd] =	wrdreg s23  }
0x15: {  	s9 =	simm.s32 $0x1A680;
	s0 =	sshll.u32 @!p0 s10, $0x6;
	[dreg:$0x8] =	wrdreg s11  }
0x16: {  	s18 =	simm.s32 $0x13C80;
	s12 =	sadd.s32 $0x10, s11;
	[dreg:$0xe] =	wrdreg s0  }
0x17: {  	s3 =	simm.s32 $0xD;
	s22 =	sadd.s32 $0x20, s11;
	[dreg:$0x9] =	wrdreg s12  }
0x18: {  	s24 =	simm.s32 $0x13C80;
	s11 =	sadd.s32 $0x630, s11;
	[dreg:$0xa] =	wrdreg s22  }
0x19: {  	s20 =	simm.s32 $0x68000;
	s0 =	sor.u32 @!p0 $0x1C01, s0;
	[dreg:$0xb] =	wrdreg s11  }
0x1a: {  	s10 =	simm.s32 $0x9;
	[dreg:$0x11] =	wrdreg s0;
	s22 =	sshrl.u32 @!p0 s7, $0x3  }
0x1b: {  	s23 =	simm.s32 $0x13D80;
	s7 =	simm.s32 $0xC;
	[dreg:$0x12] =	wrdreg s22  }
.LBB2_1:
0x1c: {  	[dreg:$0x6] =	wrdreg s14  }
0x1d: {  	s11 =	simm.s32 @p0 $0x1FC1;
	s14 =	rddreg [dreg:$0x7]  }
0x1e: {  	[spmem:s21], [sflag:s11] =	dma.local @p0 [hbm:s14], $0x2800  }
0x1f: {  	s11 =	rddreg [dreg:$0x11]  }
0x20: {  	[spmem:s22], [sflag:s11] =	dma.local @!p0 [hbm:s14], $0x2700  }
0x21: {  	s0 =	simm.s32 $0x13880;
	s11 =	rddreg [dreg:$0x8]  }
0x22: {  	[tilespmem:s0], [sflag:$0x2] =	stream.strided.gather [hbm4b:s11+s19], $0x100, s20, s19, $0x38;
	[tilespmem:$0x1DA80] =	vst v63  }
0x23: {  	s4 =	simm.s32 $0x13980;
	s22 =	rddreg [dreg:$0x9]  }
0x24: {  	[tilespmem:s4], [sflag:$0x3] =	stream.strided.gather [hbm4b:s22+s19], $0x100, s20, s19, $0x38;
	[tilespmem:$0x1DA80] =	vst v63  }
0x25: {  	s12 =	simm.s32 $0x13A80;
	s21 =	rddreg [dreg:$0xa];
	s11 =	simm.s32 @p0 $0x1  }
0x26: {  	[tilespmem:s12], [sflag:$0x4] =	stream.strided.gather [hbm4b:s21+s19], $0x100, s20, s19, $0x38;
	[tilespmem:$0x1DA80] =	vst v63  }
0x27: {  	_ =	swait.ge @p0 [sflag:s11], $0x2800  }
0x28: {  	[sflag:s11] =	ssyncset.done @p0 $0x0  }
0x29: {  	[sflag:s11] =	ssyncadd.s32 @p0 $0xFFFFD800;
	s11 =	simm.s32 @!p0 $0x1  }
0x2a: {  	_ =	swait.ge @!p0 [sflag:s11], $0x2700  }
0x2b: {  	[sflag:s11] =	ssyncset.done @!p0 $0x0  }
0x2c: {  	s8 =	simm.s32 $0x2;
	[sflag:s11] =	ssyncadd.s32 @!p0 $0xFFFFD900  }
0x2d: {  	_ =	swait.ge [sflag:s8], $0x100  }
0x2e: {  	[sflag:s8] =	ssyncset.done $0x0  }
0x2f: {  	s22 =	simm.s32 $0x3;
	[sflag:s8] =	ssyncadd.s32 $0xFFFFFF00  }
0x30: {  	[tilespmem:s26], [sflag:$0x8] =	stream.indirect.gather [hbm4b:s1+s25], $0x80, s0, s25, $0xb8;
	[tilespmem:$0x1DA80] =	vst v63  }
0x31: {  	_ =	swait.ge [sflag:s22], $0x100  }
0x32: {  	[sflag:s22] =	ssyncset.done $0x0  }
0x33: {  	[sflag:s22] =	ssyncadd.s32 $0xFFFFFF00  }
0x34: {  	[tilespmem:s29], [sflag:$0x9] =	stream.indirect.gather [hbm4b:s1+s25], $0x80, s4, s25, $0xb8;
	[tilespmem:$0x1DA80] =	vst v63  }
0x35: {  	s4 =	simm.s32 $0x180  }
0x36: {  	[bflag:$0x0] =	sbarrier.arrive $0xFFFF;
	s8 =	sand.u32 $0x7C00, s4  }
0x37: {  	s11 =	sand.u32 $0x380, s4;
	s14 =	sadd.s32 s6, s8;
	_ =	swait.ge [sflag:s30], $0x3200  }
0x38: {  	p1 =	por $0x1, $0x1;
	s11 =	sor.u32 s11, s14;
	[sflag:s30] =	ssyncset.done $0x0  }
0x39: {  	s14 =	simm.s32 $0x13900;
	s11 =	sshrl.u32 s11, $0x3;
	[sflag:s30] =	ssyncadd.s32 $0xFFFFCE00  }
0x3a: {  	[spmem:s2] =	stream.indirect.scatter.add.f32 [tilespmem:s26], [sflag:$0xB], $0x80, s14, s25, $0xb8;
	[tilespmem:$0x1DA80] =	vst v63  }
0x3b: {  	s8 =	simm.s32 $0x13B80;
	s14 =	simm.s32 @!p1 $0xD;
	s11 =	sadd.s32 s5, s11  }
0x3c: {  	[tilespmem:s8], [sflag:$0x5] =	stream.strided.gather [hbm4b:s11+s19], $0x100, s20, s19, $0x38;
	[tilespmem:$0x1DA80] =	vst v63  }
0x3d: {  	_ =	swait.ge @!p1 [sflag:s14], $0x3200  }
0x3e: {  	[sflag:s14] =	ssyncset.done @!p1 $0x0  }
0x3f: {  	s4 =	simm.s32 $0x4;
	[sflag:s14] =	ssyncadd.s32 @!p1 $0xFFFFCE00  }
0x40: {  	_ =	swait.ge [sflag:s4], $0x100  }
0x41: {  	s21 =	simm.s32 $0x200;
	[sflag:s4] =	ssyncset.done $0x0  }
0x42: {  	s22 =	sand.u32 $0x7C00, s21;
	[sflag:s4] =	ssyncadd.s32 $0xFFFFFF00  }
0x43: {  	[tilespmem:s9], [sflag:$0xA] =	stream.indirect.gather [hbm4b:s1+s25], $0x80, s12, s25, $0xb8;
	[tilespmem:$0x1DA80] =	vst v63  }
0x44: {  	s11 =	sand.u32 $0x300, s21;
	s14 =	sadd.s32 s6, s22;
	_ =	swait.ge [sflag:s10], $0x3200  }
0x45: {  	s11 =	sor.u32 s11, s14;
	[sflag:s10] =	ssyncset.done $0x0  }
0x46: {  	s14 =	simm.s32 $0x13A00;
	s11 =	sshrl.u32 s11, $0x3;
	[sflag:s10] =	ssyncadd.s32 $0xFFFFCE00  }
0x47: {  	[spmem:s2] =	stream.indirect.scatter.add.f32 [tilespmem:s29], [sflag:$0xC], $0x80, s14, s25, $0xb8;
	[tilespmem:$0x1DA80] =	vst v63  }
0x48: {  	s11 =	sadd.s32 s5, s11  }
0x49: {  	[tilespmem:s18], [sflag:$0x6] =	stream.strided.gather [hbm4b:s11+s19], $0x100, s20, s19, $0x38;
	[tilespmem:$0x1DA80] =	vst v63  }
0x4a: {  	_ =	swait.ge [sflag:s13], $0x3200  }
0x4b: {  	[sflag:s13] =	ssyncset.done $0x0  }
0x4c: {  	[sflag:s13] =	ssyncadd.s32 $0xFFFFCE00  }
0x4d: {  	_ =	swait.ge [sflag:s15], $0x100  }
0x4e: {  	s21 =	simm.s32 $0x280;
	[sflag:s15] =	ssyncset.done $0x0  }
0x4f: {  	s22 =	sand.u32 $0x7C00, s21;
	[sflag:s15] =	ssyncadd.s32 $0xFFFFFF00  }
0x50: {  	[tilespmem:s26], [sflag:$0x8] =	stream.indirect.gather [hbm4b:s1+s25], $0x80, s8, s25, $0xb8;
	[tilespmem:$0x1DA80] =	vst v63  }
0x51: {  	s14 =	sadd.s32 s6, s22;
	s11 =	sand.u32 $0x380, s21;
	_ =	swait.ge [sflag:s17], $0x3200  }
0x52: {  	s11 =	sor.u32 s11, s14;
	[sflag:s17] =	ssyncset.done $0x0  }
0x53: {  	s4 =	simm.s32 $0x13B00;
	s11 =	sshrl.u32 s11, $0x3;
	[sflag:s17] =	ssyncadd.s32 $0xFFFFCE00  }
0x54: {  	[spmem:s2] =	stream.indirect.scatter.add.f32 [tilespmem:s9], [sflag:$0xD], $0x80, s4, s25, $0xb8;
	[tilespmem:$0x1DA80] =	vst v63  }
0x55: {  	s11 =	sadd.s32 s5, s11  }
0x56: {  	[tilespmem:s23], [sflag:$0x7] =	stream.strided.gather [hbm4b:s11+s19], $0x100, s20, s19, $0x38;
	[tilespmem:$0x1DA80] =	vst v63  }
0x57: {  	_ =	swait.ge [sflag:s7], $0x3200  }
0x58: {  	[sflag:s7] =	ssyncset.done $0x0  }
0x59: {  	[sflag:s7] =	ssyncadd.s32 $0xFFFFCE00  }
0x5a: {  	_ =	swait.ge [sflag:s16], $0x100  }
0x5b: {  	s12 =	simm.s32 $0x300;
	[sflag:s16] =	ssyncset.done $0x0  }
0x5c: {  	s21 =	sand.u32 $0x7C00, s12;
	[sflag:s16] =	ssyncadd.s32 $0xFFFFFF00  }
0x5d: {  	[tilespmem:s29], [sflag:$0x9] =	stream.indirect.gather [hbm4b:s1+s25], $0x80, s18, s25, $0xb8;
	[tilespmem:$0x1DA80] =	vst v63  }
0x5e: {  	s14 =	sadd.s32 s6, s21;
	s11 =	sand.u32 $0x300, s12;
	_ =	swait.ge [sflag:s30], $0x3200  }
0x5f: {  	s11 =	sor.u32 s11, s14;
	[sflag:s30] =	ssyncset.done $0x0  }
0x60: {  	s22 =	simm.s32 $0x13C00;
	s11 =	sshrl.u32 s11, $0x3;
	[sflag:s30] =	ssyncadd.s32 $0xFFFFCE00  }
0x61: {  	[spmem:s2] =	stream.indirect.scatter.add.f32 [tilespmem:s26], [sflag:$0xB], $0x80, s22, s25, $0xb8;
	[tilespmem:$0x1DA80] =	vst v63  }
0x62: {  	s11 =	sadd.s32 s5, s11  }
0x63: {  	[tilespmem:s0], [sflag:$0x2] =	stream.strided.gather [hbm4b:s11+s19], $0x100, s20, s19, $0x38;
	[tilespmem:$0x1DA80] =	vst v63  }
0x64: {  	_ =	swait.ge [sflag:s3], $0x3200  }
0x65: {  	[sflag:s3] =	ssyncset.done $0x0  }
0x66: {  	s12 =	simm.s32 $0x380;
	[sflag:s3] =	ssyncadd.s32 $0xFFFFCE00  }
0x67: {  	s21 =	sand.u32 $0x7C00, s12;
	_ =	swait.ge [sflag:s31], $0x100  }
0x68: {  	s14 =	sand.u32 $0x380, s12;
	s18 =	sadd.s32 s6, s21;
	[sflag:s31] =	ssyncset.done $0x0  }
0x69: {  	s14 =	sor.u32 s14, s18;
	s22 =	simm.s32 $0x400;
	[sflag:s31] =	ssyncadd.s32 $0xFFFFFF00  }
0x6a: {  	[tilespmem:s9], [sflag:$0xA] =	stream.indirect.gather [hbm4b:s1+s25], $0x80, s23, s25, $0xb8;
	[tilespmem:$0x1DA80] =	vst v63  }
0x6b: {  	s14 =	sshrl.u32 s14, $0x3;
	s11 =	sand.u32 $0x7C00, s22;
	s23 =	simm.s32 $0x0  }
0x6c: {  	s11 =	sadd.s32 s6, s11;
	_ =	swait.ge [sflag:s10], $0x3200;
	s18 =	sand.u32 $0x300, s23  }
0x6d: {  	s8 =	rddreg [dreg:$0x4];
	[sflag:s10] =	ssyncset.done $0x0;
	s21 =	sor.u32 s18, s11  }
0x6e: {  	s11 =	simm.s32 $0x700;
	s18 =	sadd.s32 s5, s14;
	[sflag:s10] =	ssyncadd.s32 $0xFFFFCE00  }
0x6f: {  	[spmem:s2] =	stream.indirect.scatter.add.f32 [tilespmem:s29], [sflag:$0xC], $0x80, s8, s25, $0xb8;
	[tilespmem:$0x1DA80] =	vst v63  }
.LBB2_2:
0x70: {  	s12 =	simm.s32 $0x13980  }
0x71: {  	[tilespmem:s12], [sflag:$0x3] =	stream.strided.gather [hbm4b:s18+s19], $0x100, s20, s19, $0x38;
	[tilespmem:$0x1DA80] =	vst v63  }
0x72: {  	_ =	swait.ge [sflag:s13], $0x3200  }
0x73: {  	[sflag:s13] =	ssyncset.done $0x0  }
0x74: {  	s0 =	simm.s32 $0x2;
	[sflag:s13] =	ssyncadd.s32 $0xFFFFCE00  }
0x75: {  	_ =	swait.ge [sflag:s0], $0x100  }
0x76: {  	[sflag:s0] =	ssyncset.done $0x0  }
0x77: {  	[sflag:s0] =	ssyncadd.s32 $0xFFFFFF00;
	s0 =	simm.s32 $0x13880  }
0x78: {  	[tilespmem:s26], [sflag:$0x8] =	stream.indirect.gather [hbm4b:s1+s25], $0x80, s0, s25, $0xb8;
	[tilespmem:$0x1DA80] =	vst v63  }
0x79: {  	s14 =	smov.u32 s11;
	_ =	swait.ge [sflag:s17], $0x3200  }
0x7a: {  	s4 =	sshrl.u32 s21, $0x3;
	s8 =	sadd.s32 $0xFFFFFD80, s14;
	[sflag:s17] =	ssyncset.done $0x0  }
0x7b: {  	s18 =	sadd.s32 s5, s4;
	s23 =	rddreg [dreg:$0x5];
	[sflag:s17] =	ssyncadd.s32 $0xFFFFCE00  }
0x7c: {  	[spmem:s2] =	stream.indirect.scatter.add.f32 [tilespmem:s9], [sflag:$0xD], $0x80, s23, s25, $0xb8;
	[tilespmem:$0x1DA80] =	vst v63  }
0x7d: {  	s22 =	sand.u32 $0x7C00, s8;
	s21 =	sand.u32 $0x380, s8;
	s8 =	simm.s32 $0x13A80  }
0x7e: {  	[tilespmem:s8], [sflag:$0x4] =	stream.strided.gather [hbm4b:s18+s19], $0x100, s20, s19, $0x38;
	[tilespmem:$0x1DA80] =	vst v63  }
0x7f: {  	_ =	swait.ge [sflag:s7], $0x3200  }
0x80: {  	[sflag:s7] =	ssyncset.done $0x0  }
0x81: {  	s4 =	simm.s32 $0x3;
	[sflag:s7] =	ssyncadd.s32 $0xFFFFCE00  }
0x82: {  	_ =	swait.ge [sflag:s4], $0x100  }
0x83: {  	[sflag:s4] =	ssyncset.done $0x0  }
0x84: {  	[sflag:s4] =	ssyncadd.s32 $0xFFFFFF00  }
0x85: {  	[tilespmem:s29], [sflag:$0x9] =	stream.indirect.gather [hbm4b:s1+s25], $0x80, s12, s25, $0xb8;
	[tilespmem:$0x1DA80] =	vst v63  }
0x86: {  	s22 =	sadd.s32 s6, s22;
	_ =	swait.ge [sflag:s30], $0x3200  }
0x87: {  	p2 =	seq.s32 s14, $0x400;
	s21 =	sor.u32 s21, s22;
	[sflag:s30] =	ssyncset.done $0x0  }
0x88: {  	s21 =	sshrl.u32 s21, $0x3;
	s4 =	simm.s32 $0x13900;
	[sflag:s30] =	ssyncadd.s32 $0xFFFFCE00  }
0x89: {  	[spmem:s2] =	stream.indirect.scatter.add.f32 [tilespmem:s26], [sflag:$0xB], $0x80, s4, s25, $0xb8;
	[tilespmem:$0x1DA80] =	vst v63  }
0x8a: {  	s22 =	simm.s32 @!p2 $0xD;
	s21 =	sadd.s32 s5, s21;
	s12 =	simm.s32 $0x13B80  }
0x8b: {  	[tilespmem:s12], [sflag:$0x5] =	stream.strided.gather [hbm4b:s21+s19], $0x100, s20, s19, $0x38;
	[tilespmem:$0x1DA80] =	vst v63  }
0x8c: {  	_ =	swait.ge @!p2 [sflag:s22], $0x3200  }
0x8d: {  	[sflag:s22] =	ssyncset.done @!p2 $0x0  }
0x8e: {  	[sflag:s22] =	ssyncadd.s32 @!p2 $0xFFFFCE00;
	s22 =	simm.s32 $0x4  }
0x8f: {  	_ =	swait.ge [sflag:s22], $0x100  }
0x90: {  	s18 =	sadd.s32 $0xFFFFFE00, s14;
	[sflag:s22] =	ssyncset.done $0x0  }
0x91: {  	s23 =	sand.u32 $0x7C00, s18;
	[sflag:s22] =	ssyncadd.s32 $0xFFFFFF00  }
0x92: {  	[tilespmem:s9], [sflag:$0xA] =	stream.indirect.gather [hbm4b:s1+s25], $0x80, s8, s25, $0xb8;
	[tilespmem:$0x1DA80] =	vst v63  }
0x93: {  	s18 =	sand.u32 $0x300, s18;
	s23 =	sadd.s32 s6, s23;
	_ =	swait.ge [sflag:s10], $0x3200  }
0x94: {  	s18 =	sor.u32 s18, s23;
	[sflag:s10] =	ssyncset.done $0x0  }
0x95: {  	s18 =	sshrl.u32 s18, $0x3;
	s4 =	simm.s32 $0x13A00;
	[sflag:s10] =	ssyncadd.s32 $0xFFFFCE00  }
0x96: {  	[spmem:s2] =	stream.indirect.scatter.add.f32 [tilespmem:s29], [sflag:$0xC], $0x80, s4, s25, $0xb8;
	[tilespmem:$0x1DA80] =	vst v63  }
0x97: {  	s18 =	sadd.s32 s5, s18  }
0x98: {  	[tilespmem:s24], [sflag:$0x6] =	stream.strided.gather [hbm4b:s18+s19], $0x100, s20, s19, $0x38;
	[tilespmem:$0x1DA80] =	vst v63  }
0x99: {  	_ =	swait.ge [sflag:s13], $0x3200  }
0x9a: {  	[sflag:s13] =	ssyncset.done $0x0  }
0x9b: {  	[sflag:s13] =	ssyncadd.s32 $0xFFFFCE00  }
0x9c: {  	_ =	swait.ge [sflag:s15], $0x100  }
0x9d: {  	s21 =	sadd.s32 $0xFFFFFE80, s14;
	[sflag:s15] =	ssyncset.done $0x0  }
0x9e: {  	s23 =	sand.u32 $0x7C00, s21;
	[sflag:s15] =	ssyncadd.s32 $0xFFFFFF00  }
0x9f: {  	[tilespmem:s26], [sflag:$0x8] =	stream.indirect.gather [hbm4b:s1+s25], $0x80, s12, s25, $0xb8;
	[tilespmem:$0x1DA80] =	vst v63  }
0xa0: {  	s21 =	sand.u32 $0x380, s21;
	s22 =	sadd.s32 s6, s23;
	_ =	swait.ge [sflag:s17], $0x3200  }
0xa1: {  	s21 =	sor.u32 s21, s22;
	[sflag:s17] =	ssyncset.done $0x0  }
0xa2: {  	s21 =	sshrl.u32 s21, $0x3;
	s4 =	simm.s32 $0x13B00;
	[sflag:s17] =	ssyncadd.s32 $0xFFFFCE00  }
0xa3: {  	[spmem:s2] =	stream.indirect.scatter.add.f32 [tilespmem:s9], [sflag:$0xD], $0x80, s4, s25, $0xb8;
	[tilespmem:$0x1DA80] =	vst v63  }
0xa4: {  	s21 =	sadd.s32 s5, s21  }
0xa5: {  	[tilespmem:s28], [sflag:$0x7] =	stream.strided.gather [hbm4b:s21+s19], $0x100, s20, s19, $0x38;
	[tilespmem:$0x1DA80] =	vst v63  }
0xa6: {  	_ =	swait.ge [sflag:s7], $0x3200  }
0xa7: {  	[sflag:s7] =	ssyncset.done $0x0  }
0xa8: {  	[sflag:s7] =	ssyncadd.s32 $0xFFFFCE00  }
0xa9: {  	_ =	swait.ge [sflag:s16], $0x100  }
0xaa: {  	s8 =	sadd.s32 $0xFFFFFF00, s14;
	[sflag:s16] =	ssyncset.done $0x0  }
0xab: {  	s23 =	sand.u32 $0x7C00, s8;
	[sflag:s16] =	ssyncadd.s32 $0xFFFFFF00  }
0xac: {  	[tilespmem:s29], [sflag:$0x9] =	stream.indirect.gather [hbm4b:s1+s25], $0x80, s24, s25, $0xb8;
	[tilespmem:$0x1DA80] =	vst v63  }
0xad: {  	s22 =	sadd.s32 s6, s23;
	s18 =	sand.u32 $0x300, s8;
	_ =	swait.ge [sflag:s30], $0x3200  }
0xae: {  	s18 =	sor.u32 s18, s22;
	[sflag:s30] =	ssyncset.done $0x0  }
0xaf: {  	s23 =	simm.s32 $0x13C00;
	s18 =	sshrl.u32 s18, $0x3;
	[sflag:s30] =	ssyncadd.s32 $0xFFFFCE00  }
0xb0: {  	[spmem:s2] =	stream.indirect.scatter.add.f32 [tilespmem:s26], [sflag:$0xB], $0x80, s23, s25, $0xb8;
	[tilespmem:$0x1DA80] =	vst v63  }
0xb1: {  	s18 =	sadd.s32 s5, s18  }
0xb2: {  	[tilespmem:s0], [sflag:$0x2] =	stream.strided.gather [hbm4b:s18+s19], $0x100, s20, s19, $0x38;
	[tilespmem:$0x1DA80] =	vst v63  }
0xb3: {  	_ =	swait.ge [sflag:s3], $0x3200  }
0xb4: {  	[sflag:s3] =	ssyncset.done $0x0  }
0xb5: {  	s11 =	sadd.s32 $0x300, s11;
	s8 =	sadd.s32 $0xFFFFFF80, s14;
	[sflag:s3] =	ssyncadd.s32 $0xFFFFCE00  }
0xb6: {  	p1 =	sne.s32 s11, $0x3400;
	s12 =	sand.u32 $0x7C00, s8;
	_ =	swait.ge [sflag:s31], $0x100  }
0xb7: {  	s22 =	sadd.s32 s6, s12;
	s12 =	sadd.s32 $0xFFFFFC00, s14;
	[sflag:s31] =	ssyncset.done $0x0  }
0xb8: {  	s14 =	sand.u32 $0x7C00, s14;
	s21 =	sand.u32 $0x380, s8;
	[sflag:s31] =	ssyncadd.s32 $0xFFFFFF00  }
0xb9: {  	[tilespmem:s9], [sflag:$0xA] =	stream.indirect.gather [hbm4b:s1+s25], $0x80, s28, s25, $0xb8;
	[tilespmem:$0x1DA80] =	vst v63  }
.Ltmp0:
0xba: {  	s14 =	sadd.s32 s6, s14;
	s21 =	sor.u32 s21, s22;
	(pc) =	sbr.rel @p1 .LBB2_2-.Ltmp0, $4  }
0xbb: {  	s22 =	sand.u32 $0x300, s12;
	s4 =	sshrl.u32 s21, $0x3;
	_ =	swait.ge [sflag:s10], $0x3200  }
0xbc: {  	s21 =	sor.u32 s22, s14;
	s23 =	simm.s32 $0x13880;
	[sflag:s10] =	ssyncset.done $0x0  }
0xbd: {  	s18 =	sadd.s32 s5, s4;
	s8 =	rddreg [dreg:$0x4];
	[sflag:s10] =	ssyncadd.s32 $0xFFFFCE00  }
0xbe: {  	[spmem:s2] =	stream.indirect.scatter.add.f32 [tilespmem:s29], [sflag:$0xC], $0x80, s8, s25, $0xb8;
	[tilespmem:$0x1DA80] =	vst v63  }
0xbf: {  	s0 =	simm.s32 $0x13980  }
0xc0: {  	[tilespmem:s0], [sflag:$0x3] =	stream.strided.gather [hbm4b:s18+s19], $0x100, s20, s19, $0x38;
	[tilespmem:$0x1DA80] =	vst v63  }
0xc1: {  	_ =	swait.ge [sflag:s13], $0x3200  }
0xc2: {  	[sflag:s13] =	ssyncset.done $0x0  }
0xc3: {  	s8 =	simm.s32 $0x2;
	[sflag:s13] =	ssyncadd.s32 $0xFFFFCE00  }
0xc4: {  	_ =	swait.ge [sflag:s8], $0x100  }
0xc5: {  	[sflag:s8] =	ssyncset.done $0x0  }
0xc6: {  	[sflag:s8] =	ssyncadd.s32 $0xFFFFFF00  }
0xc7: {  	[tilespmem:s26], [sflag:$0x8] =	stream.indirect.gather [hbm4b:s1+s25], $0x80, s23, s25, $0xb8;
	[tilespmem:$0x1DA80] =	vst v63  }
0xc8: {  	_ =	swait.ge [sflag:s17], $0x3200  }
0xc9: {  	[sflag:s17] =	ssyncset.done $0x0  }
0xca: {  	s12 =	sshrl.u32 s21, $0x3;
	s11 =	rddreg [dreg:$0x5];
	[sflag:s17] =	ssyncadd.s32 $0xFFFFCE00  }
0xcb: {  	[spmem:s2] =	stream.indirect.scatter.add.f32 [tilespmem:s9], [sflag:$0xD], $0x80, s11, s25, $0xb8;
	[tilespmem:$0x1DA80] =	vst v63  }
0xcc: {  	s14 =	simm.s32 $0x13A80;
	s11 =	sadd.s32 s5, s12  }
0xcd: {  	[tilespmem:s14], [sflag:$0x4] =	stream.strided.gather [hbm4b:s11+s19], $0x100, s20, s19, $0x38;
	[tilespmem:$0x1DA80] =	vst v63  }
0xce: {  	_ =	swait.ge [sflag:s7], $0x3200  }
0xcf: {  	[sflag:s7] =	ssyncset.done $0x0  }
0xd0: {  	s4 =	simm.s32 $0x3;
	[sflag:s7] =	ssyncadd.s32 $0xFFFFCE00  }
0xd1: {  	_ =	swait.ge [sflag:s4], $0x100  }
0xd2: {  	[sflag:s4] =	ssyncset.done $0x0  }
0xd3: {  	[sflag:s4] =	ssyncadd.s32 $0xFFFFFF00  }
0xd4: {  	[tilespmem:s29], [sflag:$0x9] =	stream.indirect.gather [hbm4b:s1+s25], $0x80, s0, s25, $0xb8;
	[tilespmem:$0x1DA80] =	vst v63  }
0xd5: {  	_ =	swait.ge [sflag:s30], $0x3200  }
0xd6: {  	[sflag:s30] =	ssyncset.done $0x0  }
0xd7: {  	s18 =	simm.s32 $0x13900;
	[sflag:s30] =	ssyncadd.s32 $0xFFFFCE00  }
0xd8: {  	[spmem:s2] =	stream.indirect.scatter.add.f32 [tilespmem:s26], [sflag:$0xB], $0x80, s18, s25, $0xb8;
	[tilespmem:$0x1DA80] =	vst v63  }
0xd9: {  	s22 =	simm.s32 $0x13B80;
	s21 =	rddreg [dreg:$0xb]  }
0xda: {  	[tilespmem:s22], [sflag:$0x5] =	stream.strided.gather [hbm4b:s21+s19], $0x100, s20, s19, $0x38;
	[tilespmem:$0x1DA80] =	vst v63  }
0xdb: {  	_ =	swait.ge [sflag:s3], $0x3200  }
0xdc: {  	[sflag:s3] =	ssyncset.done $0x0  }
0xdd: {  	s23 =	simm.s32 $0x4;
	[sflag:s3] =	ssyncadd.s32 $0xFFFFCE00  }
0xde: {  	_ =	swait.ge [sflag:s23], $0x100  }
0xdf: {  	[sflag:s23] =	ssyncset.done $0x0  }
0xe0: {  	[sflag:s23] =	ssyncadd.s32 $0xFFFFFF00  }
0xe1: {  	[tilespmem:s9], [sflag:$0xA] =	stream.indirect.gather [hbm4b:s1+s25], $0x80, s14, s25, $0xb8;
	[tilespmem:$0x1DA80] =	vst v63  }
0xe2: {  	_ =	swait.ge [sflag:s10], $0x3200  }
0xe3: {  	[sflag:s10] =	ssyncset.done $0x0  }
0xe4: {  	s11 =	simm.s32 $0x13A00;
	[sflag:s10] =	ssyncadd.s32 $0xFFFFCE00  }
0xe5: {  	[spmem:s2] =	stream.indirect.scatter.add.f32 [tilespmem:s29], [sflag:$0xC], $0x80, s11, s25, $0xb8;
	[tilespmem:$0x1DA80] =	vst v63  }
0xe6: {  	_ =	swait.ge [sflag:s13], $0x3200  }
0xe7: {  	[sflag:s13] =	ssyncset.done $0x0  }
0xe8: {  	[sflag:s13] =	ssyncadd.s32 $0xFFFFCE00  }
0xe9: {  	_ =	swait.ge [sflag:s15], $0x100  }
0xea: {  	[sflag:s15] =	ssyncset.done $0x0  }
0xeb: {  	[sflag:s15] =	ssyncadd.s32 $0xFFFFFF00  }
0xec: {  	[tilespmem:s26], [sflag:$0x8] =	stream.indirect.gather [hbm4b:s1+s25], $0x80, s22, s25, $0xb8;
	[tilespmem:$0x1DA80] =	vst v63  }
0xed: {  	_ =	swait.ge [sflag:s17], $0x3200  }
0xee: {  	[sflag:s17] =	ssyncset.done $0x0  }
0xef: {  	s12 =	simm.s32 $0x13B00;
	[sflag:s17] =	ssyncadd.s32 $0xFFFFCE00  }
0xf0: {  	[spmem:s2] =	stream.indirect.scatter.add.f32 [tilespmem:s9], [sflag:$0xD], $0x80, s12, s25, $0xb8;
	[tilespmem:$0x1DA80] =	vst v63  }
0xf1: {  	_ =	swait.ge [sflag:s30], $0x3200  }
0xf2: {  	[sflag:s30] =	ssyncset.done $0x0  }
0xf3: {  	s14 =	simm.s32 $0x13C00;
	[sflag:s30] =	ssyncadd.s32 $0xFFFFCE00  }
0xf4: {  	[spmem:s2] =	stream.indirect.scatter.add.f32 [tilespmem:s26], [sflag:$0xB], $0x80, s14, s25, $0xb8;
	[tilespmem:$0x1DA80] =	vst v63  }
0xf5: {  	_ =	swait.ge [sflag:s13], $0x3200  }
0xf6: {  	[sflag:s13] =	ssyncset.done $0x0  }
0xf7: {  	[sflag:s13] =	ssyncadd.s32 $0xFFFFCE00  }
0xf8: {  	_ =	swait.ge [sflag:s7], $0x3200  }
0xf9: {  	[sflag:s7] =	ssyncset.done $0x0  }
0xfa: {  	[sflag:s7] =	ssyncadd.s32 $0xFFFFCE00  }
0xfb: {  	_ =	swait.ge [sflag:s3], $0x3200  }
0xfc: {  	[sflag:s3] =	ssyncset.done $0x0  }
0xfd: {  	[sflag:s3] =	ssyncadd.s32 $0xFFFFCE00  }
0xfe: {  	[bflag:$0x0] =	sbarrier.arrive $0xFFFF  }
0xff: {  	s14 =	rddreg [dreg:$0xd]  }
0x100: {  	s11 =	simm.s32 @p0 $0x1FCE;
	s21 =	rddreg [dreg:$0x10]  }
0x101: {  	[hbm:s14], [sflag:s11] =	dma.local @p0 [spmem:s21], $0x2800  }
0x102: {  	s11 =	simm.s32 @p0 $0xE  }
0x103: {  	_ =	swait.ge @p0 [sflag:s11], $0x2800  }
0x104: {  	[sflag:s11] =	ssyncset.done @p0 $0x0;
	s14 =	rddreg [dreg:$0xc]  }
0x105: {  	[sflag:s11] =	ssyncadd.s32 @p0 $0xFFFFD800;
	s11 =	rddreg [dreg:$0xe]  }
0x106: {  	s22 =	rddreg [dreg:$0x12];
	s11 =	sor.u32 @!p0 $0x1C0E, s11  }
0x107: {  	[hbm:s14], [sflag:s11] =	dma.local @!p0 [spmem:s22], $0x2700  }
0x108: {  	s11 =	simm.s32 @!p0 $0xE  }
0x109: {  	_ =	swait.ge @!p0 [sflag:s11], $0x2700  }
0x10a: {  	s18 =	rddreg [dreg:$0x6]  }
0x10b: {  	s23 =	rddreg [dreg:$0xf];
	s14 =	sadd.s32 $0x1, s18  }
0x10c: {  	p1 =	sne.s32 s14, s23  }
.Ltmp1:
0x10d: {  	_ = 	snop;
	(pc) =	sbr.rel @p1 .LBB2_1-.Ltmp1, $3  }
0x10e: {  	_ =	sdelay $0x1  }
0x10f: {  	[sflag:s11] =	ssyncset.done @!p0 $0x0  }
0x110: {  	[sflag:s11] =	ssyncadd.s32 @!p0 $0xFFFFD900;
	s18 =	simm.s32 $0x13C80;
	s23 =	simm.s32 $0x13D80  }
0x111: {  	_ =	sfence.sel $0x180000  }
0x112: {  	[bflag:$0x0] =	sbarrier.arrive $0xFFFF  }
0x113: {  	_ =	strace $0x90000047  }
0x114: {  	s0 =	stileid.u32;
	[bflag:$0x2] =	sbarrier.arrive $0xFFFF  }
0x115: {  	p0 =	sne.s32 s0, $0x0;
	s0 =	rddreg [dreg:$0x3]  }
0x116: {  	s0 =	sadd.s32 @!p0 $0x100000, s0  }
0x117: {  	[sflag:s0] =	ssyncadd.tile.s32 @!p0 $0x1;
	_ =	shalt  }
.Lfunc_end2:
_tile_overlayer_lowered:
.L_overlay_start_2:
0x118: {  	(tag) =	ssettag $0x2  }
0x119: {  	s0 =	rddreg [dreg:$0x0];
	s2 =	stileid.u32  }
0x11a: {  	s1 =	rddreg [dreg:$0x1];
	p0 =	sne.s32 s2, $0x0  }
0x11b: {  	s3 =	rddreg [dreg:$0x2];
	[bflag:$0x3] =	sbarrier.arrive $0xFFFF;
	s2 =	simm.s32 @!p0 $0x1C0E  }
0x11c: {  	[timem:s3], [sflag:s2] =	dma.local @!p0 [hbm:s0], s1  }
0x11d: {  	s0 =	simm.s32 @!p0 $0xE  }
0x11e: {  	_ =	swait.ge @!p0 [sflag:s0], s1  }
0x11f: {  	s1 =	ssub.s32 @!p0 $0x0, s1;
	[sflag:s0] =	ssyncset.done @!p0 $0x0  }
0x120: {  	[sflag:s0] =	ssyncadd.s32 @!p0 s1  }
0x121: {  	[bflag:$0x3] =	sbarrier.arrive $0xFFFF  }
0x122: {  	_ =	shalt  }

// kernel: kernel.9.cloned.1.call-start
scs
__scs_entry_jumppad:
0x0: {  	(pc) =	sbr.rel $0x88, $3  }
0x1: {  	(tag) =	ssettag $0x0;
	lr =	simm.s32 $0x1  }
0x2: {  	[smem:$0x3F95] =	sst lr;
	_ =	strace $0xD0000000  }
0x3: {  	_ = 	snop  }
0x4: {  	_ = 	snop  }
0x5: {  	_ = 	snop  }
0x6: {  	_ = 	snop  }
0x7: {  	_ = 	snop  }
__scs_overlays_trampoline_lowered:
0x8: {  	[smem:$0x3FA4] =	sst s0  }
0x9: {  	[smem:$0x3FA5] =	sst s1  }
0xa: {  	[smem:$0x3FA6] =	sst s2  }
0xb: {  	[smem:$0x3FA7] =	sst s3  }
0xc: {  	[smem:$0x3FA8] =	sst s4  }
0xd: {  	[smem:$0x3FA9] =	sst s5  }
0xe: {  	[smem:$0x3FAA] =	sst s6  }
0xf: {  	[smem:$0x3FAB] =	sst s7  }
0x10: {  	[smem:$0x3FAC] =	sst s8  }
0x11: {  	[smem:$0x3FAD] =	sst s9;
	s0 =	simm.s32 @!p0 $0x0  }
0x12: {  	s1 =	sld [smem:$0x3F93];
	s0 =	simm.s32 @p0 $0x1  }
0x13: {  	[smem:$0x3FAE] =	sst s0;
	s0 =	simm.s32 @!p1 $0x0  }
0x14: {  	s2 =	sld [smem:$0x3F92];
	s0 =	simm.s32 @p1 $0x1  }
0x15: {  	[smem:$0x3FAF] =	sst s0;
	s0 =	simm.s32 @!p2 $0x0  }
0x16: {  	s3 =	sld [smem:$0x3FDB];
	s0 =	simm.s32 @p2 $0x1  }
0x17: {  	s4 =	simm.s32 $0x1BF5;
	[smem:$0x3FB1] =	sst s0  }
0x18: {  	s0 =	sld [smem:$0x3F94];
	_ =	swait.ge [sflag:s4], $0x0  }
0x19: {  	s7 =	sld [smem:$0x3F95]  }
0x1a: {  	s8 =	sadd.s32 $0xFFFFE003, lr  }
0x1b: {  	s9 =	sadd.s32 $0xFFFFFEF7, lr;
	s5 =	simm.s32 $0xFFFFFFFF;
	p2 =	slt.u32 s8, $0xFFFFF086  }
0x1c: {  	p1 =	slt.u32 s9, $0xF7A;
	s5 =	simm.s32 @!p2 $0x0  }
0x1d: {  	s5 =	simm.s32 @p1 $0x1;
	p0 =	seq.s32 s7, s2  }
0x1e: {  	s7 =	smul.u32 @!p0 $0xF7A, s2;
	p2 =	seq.s32 @!p0 s5, $0x0  }
0x1f: {  	s9 =	smul.u32 $0xF7A, s1;
	s8 =	simm.s32 @!p0 $0x1BF5;
	p2 =	por !p2, p0  }
0x20: {  	[sflag:s8] =	ssyncset.s32 @!p0 $0xFFFFF086;
	s6 =	sadd.s32 @!p0 s3, s7;
	s7 =	simm.s32 @!p0 $0x108  }
0x21: {  	s3 =	sadd.s32 s3, s9;
	s6 =	sadd.s32 @!p0 $0x88, s6;
	s7 =	simm.s32 @p2 $0x1082  }
0x22: {  	[simem:s7], [sflag:s8] =	dma.local @!p0 [hbm:s6], $0xF7A  }
0x23: {  	s9 =	sor.u32 $0xD0000000, s2;
	s6 =	simm.s32 $0x108;
	_ =	swait.ge @!p0 [sflag:s8], $0x0  }
0x24: {  	s3 =	sadd.s32 $0x88, s3;
	s6 =	simm.s32 @!p1 $0x1082;
	[sflag:s4] =	ssyncset.s32 $0xFFFFF086  }
0x25: {  	[simem:s6], [sflag:s4] =	dma.local [hbm:s3], $0xF7A  }
0x26: {  	[smem:$0x3F95] =	sst s1;
	(tag) =	ssettag s2;
	_ =	strace s9  }
0x27: {  	s1 =	sld [smem:$0x3FA5]  }
0x28: {  	s2 =	sld [smem:$0x3FA6]  }
0x29: {  	s4 =	sld [smem:$0x3FA8]  }
0x2a: {  	p0 =	seq.s32 s5, $0x0;
	s5 =	sld [smem:$0x3FA9]  }
0x2b: {  	s6 =	sld [smem:$0x3FAA]  }
0x2c: {  	s7 =	sld [smem:$0x3FAB]  }
0x2d: {  	s3 =	simm.s32 $0x108;
	s8 =	sld [smem:$0x3FAC]  }
0x2e: {  	s3 =	simm.s32 @!p0 $0x1082;
	s9 =	sld [smem:$0x3FAD]  }
0x2f: {  	lr =	sadd.s32 s0, s3;
	s0 =	sld [smem:$0x3FA4]  }
0x30: {  	s3 =	sld [smem:$0x3FA7]  }
0x31: {  	[smem:$0x3FB0] =	sst s10  }
0x32: {  	s10 =	sld [smem:$0x3FAE];
	_ =	sdelay $0x3  }
0x33: {  	p0 =	seq.s32 s10, $0x1;
	s10 =	sld [smem:$0x3FB0];
	_ =	sdelay $0x3  }
0x34: {  	[smem:$0x3FB0] =	sst s10  }
0x35: {  	s10 =	sld [smem:$0x3FAF];
	_ =	sdelay $0x3  }
0x36: {  	p1 =	seq.s32 s10, $0x1;
	s10 =	sld [smem:$0x3FB0];
	_ =	sdelay $0x3  }
0x37: {  	[smem:$0x3FB0] =	sst s10  }
0x38: {  	s10 =	sld [smem:$0x3FB1]  }
0x39: {  	_ = 	snop;
	(pc) =	sbr.ind lr, $3  }
0x3a: {  	_ = 	snop  }
0x3b: {  	_ = 	snop  }
0x3c: {  	p2 =	seq.s32 s10, $0x1;
	s10 =	sld [smem:$0x3FB0]  }
0x3d: {  	_ =	shalt  }
0x3e: {  	_ =	shalt  }
0x3f: {  	_ =	shalt  }
0x40: {  	_ =	shalt  }
0x41: {  	_ =	shalt  }
0x42: {  	_ =	shalt  }
0x43: {  	_ =	shalt  }
0x44: {  	_ =	shalt  }
0x45: {  	_ =	shalt  }
0x46: {  	_ =	shalt  }
0x47: {  	_ =	shalt  }
0x48: {  	_ =	shalt  }
0x49: {  	_ =	shalt  }
0x4a: {  	_ =	shalt  }
0x4b: {  	_ =	shalt  }
0x4c: {  	_ =	shalt  }
0x4d: {  	_ =	shalt  }
0x4e: {  	_ =	shalt  }
0x4f: {  	_ =	shalt  }
0x50: {  	_ =	shalt  }
0x51: {  	_ =	shalt  }
0x52: {  	_ =	shalt  }
0x53: {  	_ =	shalt  }
0x54: {  	_ =	shalt  }
0x55: {  	_ =	shalt  }
0x56: {  	_ =	shalt  }
0x57: {  	_ =	shalt  }
0x58: {  	_ =	shalt  }
0x59: {  	_ =	shalt  }
0x5a: {  	_ =	shalt  }
0x5b: {  	_ =	shalt  }
0x5c: {  	_ =	shalt  }
0x5d: {  	_ =	shalt  }
0x5e: {  	_ =	shalt  }
0x5f: {  	_ =	shalt  }
0x60: {  	_ =	shalt  }
0x61: {  	_ =	shalt  }
0x62: {  	_ =	shalt  }
0x63: {  	_ =	shalt  }
0x64: {  	_ =	shalt  }
0x65: {  	_ =	shalt  }
0x66: {  	_ =	shalt  }
0x67: {  	_ =	shalt  }
0x68: {  	_ =	shalt  }
0x69: {  	_ =	shalt  }
0x6a: {  	_ =	shalt  }
0x6b: {  	_ =	shalt  }
0x6c: {  	_ =	shalt  }
0x6d: {  	_ =	shalt  }
0x6e: {  	_ =	shalt  }
0x6f: {  	_ =	shalt  }
0x70: {  	_ =	shalt  }
0x71: {  	_ =	shalt  }
0x72: {  	_ =	shalt  }
0x73: {  	_ =	shalt  }
0x74: {  	_ =	shalt  }
0x75: {  	_ =	shalt  }
0x76: {  	_ =	shalt  }
0x77: {  	_ =	shalt  }
0x78: {  	_ =	shalt  }
0x79: {  	_ =	shalt  }
0x7a: {  	_ =	shalt  }
0x7b: {  	_ =	shalt  }
0x7c: {  	_ =	shalt  }
0x7d: {  	_ =	shalt  }
0x7e: {  	_ =	shalt  }
0x7f: {  	_ =	shalt  }
0x80: {  	_ =	shalt  }
0x81: {  	_ =	shalt  }
0x82: {  	_ =	shalt  }
0x83: {  	_ =	shalt  }
0x84: {  	_ =	shalt  }
0x85: {  	_ =	shalt  }
0x86: {  	_ =	shalt  }
0x87: {  	_ =	shalt  }
.Lfunc_end0:
.L_simem_size_0:
called_computation.1_lowered:
.L_overlay_start_0:
0x88: {  	s2 =	sld [smem:$0x3FD9]  }
0x89: {  	s3 =	sld [smem:$0x3FFE];
	_ =	sdelay $0x1  }
0x8a: {  	s1 =	srdreg.scid  }
0x8b: {  	s0 =	sand.u32 $0x1, s1  }
0x8c: {  	s16 =	sshll.u32 s0, $0xA;
	s2 =	sadd.s32 s3, s2  }
0x8d: {  	s2 =	sadd.s32 s2, s16  }
0x8e: {  	[smem:$0x3FBC] =	sst s2  }
0x8f: {  	_ = 	snop  }
0x90: {  	(tm) =	ssettm $0x1  }
0x91: {  	s17 =	sld [smem:$0x3FFB];
	_ =	sdelay $0x3  }
0x92: {  	_ =	strace s17  }
0x93: {  	s2 =	sld [smem:$0x3FFC];
	_ =	sdelay $0x3  }
0x94: {  	_ =	strace s2  }
0x95: {  	s2 =	sld [smem:$0x3FFD];
	_ =	sdelay $0x3  }
0x96: {  	_ =	strace s2  }
0x97: {  	_ =	strace $0x8FFFFFFF  }
0x98: {  	s18 =	sld [smem:$0x3FDB];
	_ =	sdelay $0x1  }
0x99: {  	s19 =	simm.s32 $_scs_section_size  }
0x9a: {  	s4 =	simm.s32 $_size__tile_overlayer_lowered;
	s5 =	simm.s32 $_tile_overlayer_lowered  }
0x9b: {  	s22 =	simm.s32 $0x1BFF;
	s21 =	sshll.u32 s5, $0x1;
	s2 =	sadd.s32 s19, s18  }
0x9c: {  	s6 =	simm.s32 $0x0;
	s20 =	sshll.u32 s4, $0x1;
	s4 =	sadd.s32 s21, s2  }
0x9d: {  	[timem:s6], [sflag:s22] =	dma.local [hbm:s4], s20  }
0x9e: {  	_ =	swait.ge [sflag:s22], s20  }
0x9f: {  	s3 =	ssub.s32 $0x0, s20;
	[sflag:s22] =	ssyncset.done $0x0  }
0xa0: {  	[sflag:s22] =	ssyncadd.s32 s3;
	_ =	sdelay $0x1  }
0xa1: {  	s23 =	simm.s32 $0x1B8B  }
0xa2: {  	_ =	swait.ge [sflag:s23], $0x1  }
0xa3: {  	[sflag:s23] =	ssyncset.done $0x0  }
0xa4: {  	s25 =	simm.s32 $0x1B8E;
	s24 =	sld [smem:$0x3FFE];
	[sflag:s23] =	ssyncadd.s32 $0xFFFFFFFF  }
0xa5: {  	s26 =	simm.s32 $execute0_lowered;
	[smem:$0x3FD2] =	sst s25  }
0xa6: {  	s4 =	sshll.u32 s26, $0x1;
	_ =	strace $0x80000049;
	[dreg:$0x1] =	wrdreg $0xFFFFFFFF  }
0xa7: {  	s28 =	simm.s32 $_size_execute0_lowered;
	s2 =	sadd.s32 s2, s4;
	[dreg:$0x0] =	wrdreg $0x0  }
0xa8: {  	s4 =	sshll.u32 s28, $0x1;
	[dreg:$0x2] =	wrdreg s2  }
0xa9: {  	[dreg:$0x3] =	wrdreg s4  }
0xaa: {  	[dreg:$0x4] =	wrdreg $0xC0  }
0xab: {  	_ =	task [dreg:s6], $0x5FFFF  }
0xac: {  	[dreg:$0x1] =	wrdreg $0xFFFFFFFF  }
0xad: {  	[dreg:$0x0] =	wrdreg $0x60  }
0xae: {  	[dreg:$0x2] =	wrdreg s24  }
0xaf: {  	[dreg:$0x3] =	wrdreg $0x0  }
0xb0: {  	[dreg:$0x4] =	wrdreg $0x9  }
0xb1: {  	_ =	task.clear_ibuf [dreg:s6], $0x5FFFF;
	_ =	strace $0x90000049  }
0xb2: {  	s29 =	simm.s32 $0x9;
	_ =	strace $0x8000004B  }
0xb3: {  	_ =	swait.ge [sflag:s29], $0x1  }
0xb4: {  	[sflag:s29] =	ssyncadd.s32 $0xFFFFFFFF  }
0xb5: {  	_ =	strace $0x9000004B  }
0xb6: {  	_ =	sfence  }
0xb7: {  	s30 =	sld [smem:$0x0];
	_ =	sdelay $0x2  }
0xb8: {  	s31 =	sshll.u32 s1, $0xD;
	s1 =	sshrl.u32 s1, $0x2  }
0xb9: {  	s3 =	sand.u32 $0x4000, s31;
	s1 =	sadd.s32 s1, s30  }
0xba: {  	s0 =	sor.u32 s3, s0;
	s1 =	sshll.u32 s1, $0x11  }
0xbb: {  	s0 =	sor.u32 s1, s0  }
0xbc: {  	s0 =	sadd.s32 $0x8F2B, s0  }
0xbd: {  	[sflag:s0] =	ssyncadd.remote.s32 $0x1  }
0xbe: {  	_ =	sfence.sel $0xFFFF  }
0xbf: {  	[dreg:$0x0] =	wrdreg $0xFFFFFFFF;
	(pc) =	sbr.abs _section_cstart, $3  }
0xc0: {  	[dreg:$0x1] =	wrdreg $0xFFFFFFFF  }
0xc1: {  	_ =	task.clear_ibuf [dreg:s6], $0x2FFFF;
	_ =	strace $0x9FFFFFFF  }
0xc2: {  	(tm) =	ssettm $0x7FFFFFFF  }
0xc3: {  	_ =	shalt  }
tec
execute0_lowered:
.L_overlay_start_1:
0x0: {  	(tag) =	ssettag $0x1  }
0x1: {  	s0 =	rddreg [dreg:$0x0]  }
0x2: {  	s1 =	rddreg [dreg:$0x1];
	s14 =	simm.s32 $0x0;
	s2 =	srdreg.scid  }
0x3: {  	s10 =	stileid.u32;
	s25 =	simm.s32 $0x13D00;
	s26 =	simm.s32 $0x13E00  }
0x4: {  	s29 =	simm.s32 $0x17280;
	s30 =	simm.s32 $0x8;
	s13 =	simm.s32 $0xB  }
0x5: {  	s15 =	simm.s32 $0x5;
	s16 =	simm.s32 $0x6;
	s31 =	simm.s32 $0x7  }
0x6: {  	s28 =	simm.s32 $0x13D80;
	[smem:$0x7FF] =	sst s14;
	s2 =	sand.u32 $0x1, s2  }
0x7: {  	s4 =	sadd.s32 $0x3000, s0;
	s8 =	smul.u32 $0x4E000, s10;
	s5 =	sadd.s32 $0x1F800, s0  }
0x8: {  	s17 =	sadd.s32 $0x1D000, s0;
	s0 =	sadd.s32 $0x46A00, s0;
	s21 =	smul.u32 $0x13800, s10  }
0x9: {  	p0 =	seq.s32 s10, $0xF;
	_ =	strace $0x8000004A;
	[dreg:$0x6] =	wrdreg s17  }
0xa: {  	s3 =	sshll.u32 s2, $0x4;
	s7 =	ssub.s32 $0x2, s2;
	[dreg:$0x3] =	wrdreg s25  }
0xb: {  	s2 =	smul.u32 $0x138800, s2;
	[dreg:$0x4] =	wrdreg s26;
	s25 =	simm.s32 $0x64  }
0xc: {  	s26 =	simm.s32 $0x13E80;
	s17 =	simm.s32 $0xA;
	s3 =	sor.u32 s10, s3  }
0xd: {  	s9 =	sshrl.u32 s7, $0x1;
	s19 =	sshrl.u32 s8, $0x2;
	s6 =	smul.u32 $0x3400, s3  }
0xe: {  	s18 =	ssub.s32 s7, s9;
	s7 =	sadd.s32 s19, s1;
	s9 =	sadd.s32 $0x124800, s1  }
0xf: {  	s8 =	sadd.s32 s21, s2;
	s2 =	sshrl.u32 s2, $0x3;
	s24 =	smax.u32 s18, $0x1  }
0x10: {  	s8 =	sshrl.u32 s8, $0x3;
	s21 =	sshrl.u32 @p0 s9, $0x3;
	[dreg:$0xe] =	wrdreg s24  }
0x11: {  	s2 =	sadd.s32 s0, s2;
	s0 =	sadd.s32 s0, s8;
	[dreg:$0xf] =	wrdreg s21  }
0x12: {  	s20 =	sshrl.u32 s6, $0x3;
	s23 =	sadd.s32 $0x24900, s2;
	[dreg:$0xb] =	wrdreg s0  }
0x13: {  	s19 =	simm.s32 $0x80;
	s11 =	sadd.s32 s4, s20;
	[dreg:$0xc] =	wrdreg s23  }
0x14: {  	s9 =	simm.s32 $0x1A680;
	s0 =	sshll.u32 @!p0 s10, $0x6;
	[dreg:$0x7] =	wrdreg s11  }
0x15: {  	s18 =	simm.s32 $0x13C80;
	s12 =	sadd.s32 $0x10, s11;
	[dreg:$0xd] =	wrdreg s0  }
0x16: {  	s2 =	simm.s32 $0xD;
	s22 =	sadd.s32 $0x20, s11;
	[dreg:$0x8] =	wrdreg s12  }
0x17: {  	s24 =	simm.s32 $0x13C80;
	s11 =	sadd.s32 $0x630, s11;
	[dreg:$0x9] =	wrdreg s22  }
0x18: {  	s20 =	simm.s32 $0x68000;
	s0 =	sor.u32 @!p0 $0x1C01, s0;
	[dreg:$0xa] =	wrdreg s11  }
0x19: {  	s10 =	simm.s32 $0x9;
	[dreg:$0x10] =	wrdreg s0;
	s22 =	sshrl.u32 @!p0 s7, $0x3  }
0x1a: {  	s23 =	simm.s32 $0x13D80;
	s7 =	simm.s32 $0xC;
	[dreg:$0x11] =	wrdreg s22  }
.LBB2_1:
0x1b: {  	[dreg:$0x5] =	wrdreg s14  }
0x1c: {  	s11 =	simm.s32 @p0 $0x1FC1;
	s14 =	rddreg [dreg:$0x6]  }
0x1d: {  	[spmem:s21], [sflag:s11] =	dma.local @p0 [hbm:s14], $0x2800  }
0x1e: {  	s11 =	rddreg [dreg:$0x10]  }
0x1f: {  	[spmem:s22], [sflag:s11] =	dma.local @!p0 [hbm:s14], $0x2700  }
0x20: {  	s0 =	simm.s32 $0x13880;
	s11 =	rddreg [dreg:$0x7]  }
0x21: {  	[tilespmem:s0], [sflag:$0x2] =	stream.strided.gather [hbm4b:s11+s19], $0x100, s20, s19, $0x38;
	[tilespmem:$0x1DA80] =	vst v63  }
0x22: {  	s3 =	simm.s32 $0x13980;
	s22 =	rddreg [dreg:$0x8]  }
0x23: {  	[tilespmem:s3], [sflag:$0x3] =	stream.strided.gather [hbm4b:s22+s19], $0x100, s20, s19, $0x38;
	[tilespmem:$0x1DA80] =	vst v63  }
0x24: {  	s12 =	simm.s32 $0x13A80;
	s21 =	rddreg [dreg:$0x9];
	s11 =	simm.s32 @p0 $0x1  }
0x25: {  	[tilespmem:s12], [sflag:$0x4] =	stream.strided.gather [hbm4b:s21+s19], $0x100, s20, s19, $0x38;
	[tilespmem:$0x1DA80] =	vst v63  }
0x26: {  	_ =	swait.ge @p0 [sflag:s11], $0x2800  }
0x27: {  	[sflag:s11] =	ssyncset.done @p0 $0x0  }
0x28: {  	[sflag:s11] =	ssyncadd.s32 @p0 $0xFFFFD800;
	s11 =	simm.s32 @!p0 $0x1  }
0x29: {  	_ =	swait.ge @!p0 [sflag:s11], $0x2700  }
0x2a: {  	[sflag:s11] =	ssyncset.done @!p0 $0x0  }
0x2b: {  	s8 =	simm.s32 $0x2;
	[sflag:s11] =	ssyncadd.s32 @!p0 $0xFFFFD900  }
0x2c: {  	_ =	swait.ge [sflag:s8], $0x100  }
0x2d: {  	[sflag:s8] =	ssyncset.done $0x0  }
0x2e: {  	s22 =	simm.s32 $0x3;
	[sflag:s8] =	ssyncadd.s32 $0xFFFFFF00  }
0x2f: {  	[tilespmem:s26], [sflag:$0x8] =	stream.indirect.gather [hbm4b:s5+s25], $0x80, s0, s25, $0xb8;
	[tilespmem:$0x1DA80] =	vst v63  }
0x30: {  	_ =	swait.ge [sflag:s22], $0x100  }
0x31: {  	[sflag:s22] =	ssyncset.done $0x0  }
0x32: {  	[sflag:s22] =	ssyncadd.s32 $0xFFFFFF00  }
0x33: {  	[tilespmem:s29], [sflag:$0x9] =	stream.indirect.gather [hbm4b:s5+s25], $0x80, s3, s25, $0xb8;
	[tilespmem:$0x1DA80] =	vst v63  }
0x34: {  	s3 =	simm.s32 $0x180  }
0x35: {  	[bflag:$0x0] =	sbarrier.arrive $0xFFFF;
	s8 =	sand.u32 $0x7C00, s3  }
0x36: {  	s11 =	sand.u32 $0x380, s3;
	s14 =	sadd.s32 s6, s8;
	_ =	swait.ge [sflag:s30], $0x3200  }
0x37: {  	p1 =	por $0x1, $0x1;
	s11 =	sor.u32 s11, s14;
	[sflag:s30] =	ssyncset.done $0x0  }
0x38: {  	s14 =	simm.s32 $0x13900;
	s11 =	sshrl.u32 s11, $0x3;
	[sflag:s30] =	ssyncadd.s32 $0xFFFFCE00  }
0x39: {  	[spmem:s1] =	stream.indirect.scatter.add.f32 [tilespmem:s26], [sflag:$0xB], $0x80, s14, s25, $0xb8;
	[tilespmem:$0x1DA80] =	vst v63  }
0x3a: {  	s8 =	simm.s32 $0x13B80;
	s14 =	simm.s32 @!p1 $0xD;
	s11 =	sadd.s32 s4, s11  }
0x3b: {  	[tilespmem:s8], [sflag:$0x5] =	stream.strided.gather [hbm4b:s11+s19], $0x100, s20, s19, $0x38;
	[tilespmem:$0x1DA80] =	vst v63  }
0x3c: {  	_ =	swait.ge @!p1 [sflag:s14], $0x3200  }
0x3d: {  	[sflag:s14] =	ssyncset.done @!p1 $0x0  }
0x3e: {  	s3 =	simm.s32 $0x4;
	[sflag:s14] =	ssyncadd.s32 @!p1 $0xFFFFCE00  }
0x3f: {  	_ =	swait.ge [sflag:s3], $0x100  }
0x40: {  	s21 =	simm.s32 $0x200;
	[sflag:s3] =	ssyncset.done $0x0  }
0x41: {  	s22 =	sand.u32 $0x7C00, s21;
	[sflag:s3] =	ssyncadd.s32 $0xFFFFFF00  }
0x42: {  	[tilespmem:s9], [sflag:$0xA] =	stream.indirect.gather [hbm4b:s5+s25], $0x80, s12, s25, $0xb8;
	[tilespmem:$0x1DA80] =	vst v63  }
0x43: {  	s11 =	sand.u32 $0x300, s21;
	s14 =	sadd.s32 s6, s22;
	_ =	swait.ge [sflag:s10], $0x3200  }
0x44: {  	s11 =	sor.u32 s11, s14;
	[sflag:s10] =	ssyncset.done $0x0  }
0x45: {  	s14 =	simm.s32 $0x13A00;
	s11 =	sshrl.u32 s11, $0x3;
	[sflag:s10] =	ssyncadd.s32 $0xFFFFCE00  }
0x46: {  	[spmem:s1] =	stream.indirect.scatter.add.f32 [tilespmem:s29], [sflag:$0xC], $0x80, s14, s25, $0xb8;
	[tilespmem:$0x1DA80] =	vst v63  }
0x47: {  	s11 =	sadd.s32 s4, s11  }
0x48: {  	[tilespmem:s18], [sflag:$0x6] =	stream.strided.gather [hbm4b:s11+s19], $0x100, s20, s19, $0x38;
	[tilespmem:$0x1DA80] =	vst v63  }
0x49: {  	_ =	swait.ge [sflag:s13], $0x3200  }
0x4a: {  	[sflag:s13] =	ssyncset.done $0x0  }
0x4b: {  	[sflag:s13] =	ssyncadd.s32 $0xFFFFCE00  }
0x4c: {  	_ =	swait.ge [sflag:s15], $0x100  }
0x4d: {  	s21 =	simm.s32 $0x280;
	[sflag:s15] =	ssyncset.done $0x0  }
0x4e: {  	s22 =	sand.u32 $0x7C00, s21;
	[sflag:s15] =	ssyncadd.s32 $0xFFFFFF00  }
0x4f: {  	[tilespmem:s26], [sflag:$0x8] =	stream.indirect.gather [hbm4b:s5+s25], $0x80, s8, s25, $0xb8;
	[tilespmem:$0x1DA80] =	vst v63  }
0x50: {  	s14 =	sadd.s32 s6, s22;
	s11 =	sand.u32 $0x380, s21;
	_ =	swait.ge [sflag:s17], $0x3200  }
0x51: {  	s11 =	sor.u32 s11, s14;
	[sflag:s17] =	ssyncset.done $0x0  }
0x52: {  	s3 =	simm.s32 $0x13B00;
	s11 =	sshrl.u32 s11, $0x3;
	[sflag:s17] =	ssyncadd.s32 $0xFFFFCE00  }
0x53: {  	[spmem:s1] =	stream.indirect.scatter.add.f32 [tilespmem:s9], [sflag:$0xD], $0x80, s3, s25, $0xb8;
	[tilespmem:$0x1DA80] =	vst v63  }
0x54: {  	s11 =	sadd.s32 s4, s11  }
0x55: {  	[tilespmem:s23], [sflag:$0x7] =	stream.strided.gather [hbm4b:s11+s19], $0x100, s20, s19, $0x38;
	[tilespmem:$0x1DA80] =	vst v63  }
0x56: {  	_ =	swait.ge [sflag:s7], $0x3200  }
0x57: {  	[sflag:s7] =	ssyncset.done $0x0  }
0x58: {  	[sflag:s7] =	ssyncadd.s32 $0xFFFFCE00  }
0x59: {  	_ =	swait.ge [sflag:s16], $0x100  }
0x5a: {  	s12 =	simm.s32 $0x300;
	[sflag:s16] =	ssyncset.done $0x0  }
0x5b: {  	s21 =	sand.u32 $0x7C00, s12;
	[sflag:s16] =	ssyncadd.s32 $0xFFFFFF00  }
0x5c: {  	[tilespmem:s29], [sflag:$0x9] =	stream.indirect.gather [hbm4b:s5+s25], $0x80, s18, s25, $0xb8;
	[tilespmem:$0x1DA80] =	vst v63  }
0x5d: {  	s14 =	sadd.s32 s6, s21;
	s11 =	sand.u32 $0x300, s12;
	_ =	swait.ge [sflag:s30], $0x3200  }
0x5e: {  	s11 =	sor.u32 s11, s14;
	[sflag:s30] =	ssyncset.done $0x0  }
0x5f: {  	s22 =	simm.s32 $0x13C00;
	s11 =	sshrl.u32 s11, $0x3;
	[sflag:s30] =	ssyncadd.s32 $0xFFFFCE00  }
0x60: {  	[spmem:s1] =	stream.indirect.scatter.add.f32 [tilespmem:s26], [sflag:$0xB], $0x80, s22, s25, $0xb8;
	[tilespmem:$0x1DA80] =	vst v63  }
0x61: {  	s11 =	sadd.s32 s4, s11  }
0x62: {  	[tilespmem:s0], [sflag:$0x2] =	stream.strided.gather [hbm4b:s11+s19], $0x100, s20, s19, $0x38;
	[tilespmem:$0x1DA80] =	vst v63  }
0x63: {  	_ =	swait.ge [sflag:s2], $0x3200  }
0x64: {  	[sflag:s2] =	ssyncset.done $0x0  }
0x65: {  	s12 =	simm.s32 $0x380;
	[sflag:s2] =	ssyncadd.s32 $0xFFFFCE00  }
0x66: {  	s21 =	sand.u32 $0x7C00, s12;
	_ =	swait.ge [sflag:s31], $0x100  }
0x67: {  	s14 =	sand.u32 $0x380, s12;
	s18 =	sadd.s32 s6, s21;
	[sflag:s31] =	ssyncset.done $0x0  }
0x68: {  	s14 =	sor.u32 s14, s18;
	s22 =	simm.s32 $0x400;
	[sflag:s31] =	ssyncadd.s32 $0xFFFFFF00  }
0x69: {  	[tilespmem:s9], [sflag:$0xA] =	stream.indirect.gather [hbm4b:s5+s25], $0x80, s23, s25, $0xb8;
	[tilespmem:$0x1DA80] =	vst v63  }
0x6a: {  	s14 =	sshrl.u32 s14, $0x3;
	s11 =	sand.u32 $0x7C00, s22;
	s23 =	simm.s32 $0x0  }
0x6b: {  	s11 =	sadd.s32 s6, s11;
	_ =	swait.ge [sflag:s10], $0x3200;
	s18 =	sand.u32 $0x300, s23  }
0x6c: {  	s8 =	rddreg [dreg:$0x3];
	[sflag:s10] =	ssyncset.done $0x0;
	s21 =	sor.u32 s18, s11  }
0x6d: {  	s11 =	simm.s32 $0x700;
	s18 =	sadd.s32 s4, s14;
	[sflag:s10] =	ssyncadd.s32 $0xFFFFCE00  }
0x6e: {  	[spmem:s1] =	stream.indirect.scatter.add.f32 [tilespmem:s29], [sflag:$0xC], $0x80, s8, s25, $0xb8;
	[tilespmem:$0x1DA80] =	vst v63  }
.LBB2_2:
0x6f: {  	s12 =	simm.s32 $0x13980  }
0x70: {  	[tilespmem:s12], [sflag:$0x3] =	stream.strided.gather [hbm4b:s18+s19], $0x100, s20, s19, $0x38;
	[tilespmem:$0x1DA80] =	vst v63  }
0x71: {  	_ =	swait.ge [sflag:s13], $0x3200  }
0x72: {  	[sflag:s13] =	ssyncset.done $0x0  }
0x73: {  	s0 =	simm.s32 $0x2;
	[sflag:s13] =	ssyncadd.s32 $0xFFFFCE00  }
0x74: {  	_ =	swait.ge [sflag:s0], $0x100  }
0x75: {  	[sflag:s0] =	ssyncset.done $0x0  }
0x76: {  	[sflag:s0] =	ssyncadd.s32 $0xFFFFFF00;
	s0 =	simm.s32 $0x13880  }
0x77: {  	[tilespmem:s26], [sflag:$0x8] =	stream.indirect.gather [hbm4b:s5+s25], $0x80, s0, s25, $0xb8;
	[tilespmem:$0x1DA80] =	vst v63  }
0x78: {  	s14 =	smov.u32 s11;
	_ =	swait.ge [sflag:s17], $0x3200  }
0x79: {  	s3 =	sshrl.u32 s21, $0x3;
	s8 =	sadd.s32 $0xFFFFFD80, s14;
	[sflag:s17] =	ssyncset.done $0x0  }
0x7a: {  	s18 =	sadd.s32 s4, s3;
	s23 =	rddreg [dreg:$0x4];
	[sflag:s17] =	ssyncadd.s32 $0xFFFFCE00  }
0x7b: {  	[spmem:s1] =	stream.indirect.scatter.add.f32 [tilespmem:s9], [sflag:$0xD], $0x80, s23, s25, $0xb8;
	[tilespmem:$0x1DA80] =	vst v63  }
0x7c: {  	s22 =	sand.u32 $0x7C00, s8;
	s21 =	sand.u32 $0x380, s8;
	s8 =	simm.s32 $0x13A80  }
0x7d: {  	[tilespmem:s8], [sflag:$0x4] =	stream.strided.gather [hbm4b:s18+s19], $0x100, s20, s19, $0x38;
	[tilespmem:$0x1DA80] =	vst v63  }
0x7e: {  	_ =	swait.ge [sflag:s7], $0x3200  }
0x7f: {  	[sflag:s7] =	ssyncset.done $0x0  }
0x80: {  	s3 =	simm.s32 $0x3;
	[sflag:s7] =	ssyncadd.s32 $0xFFFFCE00  }
0x81: {  	_ =	swait.ge [sflag:s3], $0x100  }
0x82: {  	[sflag:s3] =	ssyncset.done $0x0  }
0x83: {  	[sflag:s3] =	ssyncadd.s32 $0xFFFFFF00  }
0x84: {  	[tilespmem:s29], [sflag:$0x9] =	stream.indirect.gather [hbm4b:s5+s25], $0x80, s12, s25, $0xb8;
	[tilespmem:$0x1DA80] =	vst v63  }
0x85: {  	s22 =	sadd.s32 s6, s22;
	_ =	swait.ge [sflag:s30], $0x3200  }
0x86: {  	p2 =	seq.s32 s14, $0x400;
	s21 =	sor.u32 s21, s22;
	[sflag:s30] =	ssyncset.done $0x0  }
0x87: {  	s21 =	sshrl.u32 s21, $0x3;
	s3 =	simm.s32 $0x13900;
	[sflag:s30] =	ssyncadd.s32 $0xFFFFCE00  }
0x88: {  	[spmem:s1] =	stream.indirect.scatter.add.f32 [tilespmem:s26], [sflag:$0xB], $0x80, s3, s25, $0xb8;
	[tilespmem:$0x1DA80] =	vst v63  }
0x89: {  	s22 =	simm.s32 @!p2 $0xD;
	s21 =	sadd.s32 s4, s21;
	s12 =	simm.s32 $0x13B80  }
0x8a: {  	[tilespmem:s12], [sflag:$0x5] =	stream.strided.gather [hbm4b:s21+s19], $0x100, s20, s19, $0x38;
	[tilespmem:$0x1DA80] =	vst v63  }
0x8b: {  	_ =	swait.ge @!p2 [sflag:s22], $0x3200  }
0x8c: {  	[sflag:s22] =	ssyncset.done @!p2 $0x0  }
0x8d: {  	[sflag:s22] =	ssyncadd.s32 @!p2 $0xFFFFCE00;
	s22 =	simm.s32 $0x4  }
0x8e: {  	_ =	swait.ge [sflag:s22], $0x100  }
0x8f: {  	s18 =	sadd.s32 $0xFFFFFE00, s14;
	[sflag:s22] =	ssyncset.done $0x0  }
0x90: {  	s23 =	sand.u32 $0x7C00, s18;
	[sflag:s22] =	ssyncadd.s32 $0xFFFFFF00  }
0x91: {  	[tilespmem:s9], [sflag:$0xA] =	stream.indirect.gather [hbm4b:s5+s25], $0x80, s8, s25, $0xb8;
	[tilespmem:$0x1DA80] =	vst v63  }
0x92: {  	s18 =	sand.u32 $0x300, s18;
	s23 =	sadd.s32 s6, s23;
	_ =	swait.ge [sflag:s10], $0x3200  }
0x93: {  	s18 =	sor.u32 s18, s23;
	[sflag:s10] =	ssyncset.done $0x0  }
0x94: {  	s18 =	sshrl.u32 s18, $0x3;
	s3 =	simm.s32 $0x13A00;
	[sflag:s10] =	ssyncadd.s32 $0xFFFFCE00  }
0x95: {  	[spmem:s1] =	stream.indirect.scatter.add.f32 [tilespmem:s29], [sflag:$0xC], $0x80, s3, s25, $0xb8;
	[tilespmem:$0x1DA80] =	vst v63  }
0x96: {  	s18 =	sadd.s32 s4, s18  }
0x97: {  	[tilespmem:s24], [sflag:$0x6] =	stream.strided.gather [hbm4b:s18+s19], $0x100, s20, s19, $0x38;
	[tilespmem:$0x1DA80] =	vst v63  }
0x98: {  	_ =	swait.ge [sflag:s13], $0x3200  }
0x99: {  	[sflag:s13] =	ssyncset.done $0x0  }
0x9a: {  	[sflag:s13] =	ssyncadd.s32 $0xFFFFCE00  }
0x9b: {  	_ =	swait.ge [sflag:s15], $0x100  }
0x9c: {  	s21 =	sadd.s32 $0xFFFFFE80, s14;
	[sflag:s15] =	ssyncset.done $0x0  }
0x9d: {  	s23 =	sand.u32 $0x7C00, s21;
	[sflag:s15] =	ssyncadd.s32 $0xFFFFFF00  }
0x9e: {  	[tilespmem:s26], [sflag:$0x8] =	stream.indirect.gather [hbm4b:s5+s25], $0x80, s12, s25, $0xb8;
	[tilespmem:$0x1DA80] =	vst v63  }
0x9f: {  	s21 =	sand.u32 $0x380, s21;
	s22 =	sadd.s32 s6, s23;
	_ =	swait.ge [sflag:s17], $0x3200  }
0xa0: {  	s21 =	sor.u32 s21, s22;
	[sflag:s17] =	ssyncset.done $0x0  }
0xa1: {  	s21 =	sshrl.u32 s21, $0x3;
	s3 =	simm.s32 $0x13B00;
	[sflag:s17] =	ssyncadd.s32 $0xFFFFCE00  }
0xa2: {  	[spmem:s1] =	stream.indirect.scatter.add.f32 [tilespmem:s9], [sflag:$0xD], $0x80, s3, s25, $0xb8;
	[tilespmem:$0x1DA80] =	vst v63  }
0xa3: {  	s21 =	sadd.s32 s4, s21  }
0xa4: {  	[tilespmem:s28], [sflag:$0x7] =	stream.strided.gather [hbm4b:s21+s19], $0x100, s20, s19, $0x38;
	[tilespmem:$0x1DA80] =	vst v63  }
0xa5: {  	_ =	swait.ge [sflag:s7], $0x3200  }
0xa6: {  	[sflag:s7] =	ssyncset.done $0x0  }
0xa7: {  	[sflag:s7] =	ssyncadd.s32 $0xFFFFCE00  }
0xa8: {  	_ =	swait.ge [sflag:s16], $0x100  }
0xa9: {  	s8 =	sadd.s32 $0xFFFFFF00, s14;
	[sflag:s16] =	ssyncset.done $0x0  }
0xaa: {  	s23 =	sand.u32 $0x7C00, s8;
	[sflag:s16] =	ssyncadd.s32 $0xFFFFFF00  }
0xab: {  	[tilespmem:s29], [sflag:$0x9] =	stream.indirect.gather [hbm4b:s5+s25], $0x80, s24, s25, $0xb8;
	[tilespmem:$0x1DA80] =	vst v63  }
0xac: {  	s22 =	sadd.s32 s6, s23;
	s18 =	sand.u32 $0x300, s8;
	_ =	swait.ge [sflag:s30], $0x3200  }
0xad: {  	s18 =	sor.u32 s18, s22;
	[sflag:s30] =	ssyncset.done $0x0  }
0xae: {  	s23 =	simm.s32 $0x13C00;
	s18 =	sshrl.u32 s18, $0x3;
	[sflag:s30] =	ssyncadd.s32 $0xFFFFCE00  }
0xaf: {  	[spmem:s1] =	stream.indirect.scatter.add.f32 [tilespmem:s26], [sflag:$0xB], $0x80, s23, s25, $0xb8;
	[tilespmem:$0x1DA80] =	vst v63  }
0xb0: {  	s18 =	sadd.s32 s4, s18  }
0xb1: {  	[tilespmem:s0], [sflag:$0x2] =	stream.strided.gather [hbm4b:s18+s19], $0x100, s20, s19, $0x38;
	[tilespmem:$0x1DA80] =	vst v63  }
0xb2: {  	_ =	swait.ge [sflag:s2], $0x3200  }
0xb3: {  	[sflag:s2] =	ssyncset.done $0x0  }
0xb4: {  	s11 =	sadd.s32 $0x300, s11;
	s8 =	sadd.s32 $0xFFFFFF80, s14;
	[sflag:s2] =	ssyncadd.s32 $0xFFFFCE00  }
0xb5: {  	p1 =	sne.s32 s11, $0x3400;
	s12 =	sand.u32 $0x7C00, s8;
	_ =	swait.ge [sflag:s31], $0x100  }
0xb6: {  	s22 =	sadd.s32 s6, s12;
	s12 =	sadd.s32 $0xFFFFFC00, s14;
	[sflag:s31] =	ssyncset.done $0x0  }
0xb7: {  	s14 =	sand.u32 $0x7C00, s14;
	s21 =	sand.u32 $0x380, s8;
	[sflag:s31] =	ssyncadd.s32 $0xFFFFFF00  }
0xb8: {  	[tilespmem:s9], [sflag:$0xA] =	stream.indirect.gather [hbm4b:s5+s25], $0x80, s28, s25, $0xb8;
	[tilespmem:$0x1DA80] =	vst v63  }
.Ltmp0:
0xb9: {  	s14 =	sadd.s32 s6, s14;
	s21 =	sor.u32 s21, s22;
	(pc) =	sbr.rel @p1 .LBB2_2-.Ltmp0, $4  }
0xba: {  	s22 =	sand.u32 $0x300, s12;
	s3 =	sshrl.u32 s21, $0x3;
	_ =	swait.ge [sflag:s10], $0x3200  }
0xbb: {  	s21 =	sor.u32 s22, s14;
	s23 =	simm.s32 $0x13880;
	[sflag:s10] =	ssyncset.done $0x0  }
0xbc: {  	s18 =	sadd.s32 s4, s3;
	s8 =	rddreg [dreg:$0x3];
	[sflag:s10] =	ssyncadd.s32 $0xFFFFCE00  }
0xbd: {  	[spmem:s1] =	stream.indirect.scatter.add.f32 [tilespmem:s29], [sflag:$0xC], $0x80, s8, s25, $0xb8;
	[tilespmem:$0x1DA80] =	vst v63  }
0xbe: {  	s0 =	simm.s32 $0x13980  }
0xbf: {  	[tilespmem:s0], [sflag:$0x3] =	stream.strided.gather [hbm4b:s18+s19], $0x100, s20, s19, $0x38;
	[tilespmem:$0x1DA80] =	vst v63  }
0xc0: {  	_ =	swait.ge [sflag:s13], $0x3200  }
0xc1: {  	[sflag:s13] =	ssyncset.done $0x0  }
0xc2: {  	s8 =	simm.s32 $0x2;
	[sflag:s13] =	ssyncadd.s32 $0xFFFFCE00  }
0xc3: {  	_ =	swait.ge [sflag:s8], $0x100  }
0xc4: {  	[sflag:s8] =	ssyncset.done $0x0  }
0xc5: {  	[sflag:s8] =	ssyncadd.s32 $0xFFFFFF00  }
0xc6: {  	[tilespmem:s26], [sflag:$0x8] =	stream.indirect.gather [hbm4b:s5+s25], $0x80, s23, s25, $0xb8;
	[tilespmem:$0x1DA80] =	vst v63  }
0xc7: {  	_ =	swait.ge [sflag:s17], $0x3200  }
0xc8: {  	[sflag:s17] =	ssyncset.done $0x0  }
0xc9: {  	s12 =	sshrl.u32 s21, $0x3;
	s11 =	rddreg [dreg:$0x4];
	[sflag:s17] =	ssyncadd.s32 $0xFFFFCE00  }
0xca: {  	[spmem:s1] =	stream.indirect.scatter.add.f32 [tilespmem:s9], [sflag:$0xD], $0x80, s11, s25, $0xb8;
	[tilespmem:$0x1DA80] =	vst v63  }
0xcb: {  	s14 =	simm.s32 $0x13A80;
	s11 =	sadd.s32 s4, s12  }
0xcc: {  	[tilespmem:s14], [sflag:$0x4] =	stream.strided.gather [hbm4b:s11+s19], $0x100, s20, s19, $0x38;
	[tilespmem:$0x1DA80] =	vst v63  }
0xcd: {  	_ =	swait.ge [sflag:s7], $0x3200  }
0xce: {  	[sflag:s7] =	ssyncset.done $0x0  }
0xcf: {  	s3 =	simm.s32 $0x3;
	[sflag:s7] =	ssyncadd.s32 $0xFFFFCE00  }
0xd0: {  	_ =	swait.ge [sflag:s3], $0x100  }
0xd1: {  	[sflag:s3] =	ssyncset.done $0x0  }
0xd2: {  	[sflag:s3] =	ssyncadd.s32 $0xFFFFFF00  }
0xd3: {  	[tilespmem:s29], [sflag:$0x9] =	stream.indirect.gather [hbm4b:s5+s25], $0x80, s0, s25, $0xb8;
	[tilespmem:$0x1DA80] =	vst v63  }
0xd4: {  	_ =	swait.ge [sflag:s30], $0x3200  }
0xd5: {  	[sflag:s30] =	ssyncset.done $0x0  }
0xd6: {  	s18 =	simm.s32 $0x13900;
	[sflag:s30] =	ssyncadd.s32 $0xFFFFCE00  }
0xd7: {  	[spmem:s1] =	stream.indirect.scatter.add.f32 [tilespmem:s26], [sflag:$0xB], $0x80, s18, s25, $0xb8;
	[tilespmem:$0x1DA80] =	vst v63  }
0xd8: {  	s22 =	simm.s32 $0x13B80;
	s21 =	rddreg [dreg:$0xa]  }
0xd9: {  	[tilespmem:s22], [sflag:$0x5] =	stream.strided.gather [hbm4b:s21+s19], $0x100, s20, s19, $0x38;
	[tilespmem:$0x1DA80] =	vst v63  }
0xda: {  	_ =	swait.ge [sflag:s2], $0x3200  }
0xdb: {  	[sflag:s2] =	ssyncset.done $0x0  }
0xdc: {  	s23 =	simm.s32 $0x4;
	[sflag:s2] =	ssyncadd.s32 $0xFFFFCE00  }
0xdd: {  	_ =	swait.ge [sflag:s23], $0x100  }
0xde: {  	[sflag:s23] =	ssyncset.done $0x0  }
0xdf: {  	[sflag:s23] =	ssyncadd.s32 $0xFFFFFF00  }
0xe0: {  	[tilespmem:s9], [sflag:$0xA] =	stream.indirect.gather [hbm4b:s5+s25], $0x80, s14, s25, $0xb8;
	[tilespmem:$0x1DA80] =	vst v63  }
0xe1: {  	_ =	swait.ge [sflag:s10], $0x3200  }
0xe2: {  	[sflag:s10] =	ssyncset.done $0x0  }
0xe3: {  	s11 =	simm.s32 $0x13A00;
	[sflag:s10] =	ssyncadd.s32 $0xFFFFCE00  }
0xe4: {  	[spmem:s1] =	stream.indirect.scatter.add.f32 [tilespmem:s29], [sflag:$0xC], $0x80, s11, s25, $0xb8;
	[tilespmem:$0x1DA80] =	vst v63  }
0xe5: {  	_ =	swait.ge [sflag:s13], $0x3200  }
0xe6: {  	[sflag:s13] =	ssyncset.done $0x0  }
0xe7: {  	[sflag:s13] =	ssyncadd.s32 $0xFFFFCE00  }
0xe8: {  	_ =	swait.ge [sflag:s15], $0x100  }
0xe9: {  	[sflag:s15] =	ssyncset.done $0x0  }
0xea: {  	[sflag:s15] =	ssyncadd.s32 $0xFFFFFF00  }
0xeb: {  	[tilespmem:s26], [sflag:$0x8] =	stream.indirect.gather [hbm4b:s5+s25], $0x80, s22, s25, $0xb8;
	[tilespmem:$0x1DA80] =	vst v63  }
0xec: {  	_ =	swait.ge [sflag:s17], $0x3200  }
0xed: {  	[sflag:s17] =	ssyncset.done $0x0  }
0xee: {  	s12 =	simm.s32 $0x13B00;
	[sflag:s17] =	ssyncadd.s32 $0xFFFFCE00  }
0xef: {  	[spmem:s1] =	stream.indirect.scatter.add.f32 [tilespmem:s9], [sflag:$0xD], $0x80, s12, s25, $0xb8;
	[tilespmem:$0x1DA80] =	vst v63  }
0xf0: {  	_ =	swait.ge [sflag:s30], $0x3200  }
0xf1: {  	[sflag:s30] =	ssyncset.done $0x0  }
0xf2: {  	s14 =	simm.s32 $0x13C00;
	[sflag:s30] =	ssyncadd.s32 $0xFFFFCE00  }
0xf3: {  	[spmem:s1] =	stream.indirect.scatter.add.f32 [tilespmem:s26], [sflag:$0xB], $0x80, s14, s25, $0xb8;
	[tilespmem:$0x1DA80] =	vst v63  }
0xf4: {  	_ =	swait.ge [sflag:s13], $0x3200  }
0xf5: {  	[sflag:s13] =	ssyncset.done $0x0  }
0xf6: {  	[sflag:s13] =	ssyncadd.s32 $0xFFFFCE00  }
0xf7: {  	_ =	swait.ge [sflag:s7], $0x3200  }
0xf8: {  	[sflag:s7] =	ssyncset.done $0x0  }
0xf9: {  	[sflag:s7] =	ssyncadd.s32 $0xFFFFCE00  }
0xfa: {  	_ =	swait.ge [sflag:s2], $0x3200  }
0xfb: {  	[sflag:s2] =	ssyncset.done $0x0  }
0xfc: {  	[sflag:s2] =	ssyncadd.s32 $0xFFFFCE00  }
0xfd: {  	[bflag:$0x0] =	sbarrier.arrive $0xFFFF  }
0xfe: {  	s14 =	rddreg [dreg:$0xc]  }
0xff: {  	s11 =	simm.s32 @p0 $0x1FCE;
	s21 =	rddreg [dreg:$0xf]  }
0x100: {  	[hbm:s14], [sflag:s11] =	dma.local @p0 [spmem:s21], $0x2800  }
0x101: {  	s11 =	simm.s32 @p0 $0xE  }
0x102: {  	_ =	swait.ge @p0 [sflag:s11], $0x2800  }
0x103: {  	[sflag:s11] =	ssyncset.done @p0 $0x0;
	s14 =	rddreg [dreg:$0xb]  }
0x104: {  	[sflag:s11] =	ssyncadd.s32 @p0 $0xFFFFD800;
	s11 =	rddreg [dreg:$0xd]  }
0x105: {  	s22 =	rddreg [dreg:$0x11];
	s11 =	sor.u32 @!p0 $0x1C0E, s11  }
0x106: {  	[hbm:s14], [sflag:s11] =	dma.local @!p0 [spmem:s22], $0x2700  }
0x107: {  	s11 =	simm.s32 @!p0 $0xE  }
0x108: {  	_ =	swait.ge @!p0 [sflag:s11], $0x2700  }
0x109: {  	s18 =	rddreg [dreg:$0x5]  }
0x10a: {  	s23 =	rddreg [dreg:$0xe];
	s14 =	sadd.s32 $0x1, s18  }
0x10b: {  	p1 =	sne.s32 s14, s23  }
.Ltmp1:
0x10c: {  	_ = 	snop;
	(pc) =	sbr.rel @p1 .LBB2_1-.Ltmp1, $3  }
0x10d: {  	_ =	sdelay $0x1  }
0x10e: {  	[sflag:s11] =	ssyncset.done @!p0 $0x0  }
0x10f: {  	[sflag:s11] =	ssyncadd.s32 @!p0 $0xFFFFD900;
	s18 =	simm.s32 $0x13C80;
	s23 =	simm.s32 $0x13D80  }
0x110: {  	_ =	sfence.sel $0x180000  }
0x111: {  	[bflag:$0x0] =	sbarrier.arrive $0xFFFF  }
0x112: {  	_ =	strace $0x9000004A  }
0x113: {  	s0 =	stileid.u32;
	[bflag:$0x2] =	sbarrier.arrive $0xFFFF  }
0x114: {  	p0 =	sne.s32 s0, $0x0;
	s0 =	rddreg [dreg:$0x2]  }
0x115: {  	s0 =	sadd.s32 @!p0 $0x100000, s0  }
0x116: {  	[sflag:s0] =	ssyncadd.tile.s32 @!p0 $0x1;
	_ =	shalt  }
.Lfunc_end2:
_tile_overlayer_lowered:
.L_overlay_start_2:
0x117: {  	(tag) =	ssettag $0x2  }
0x118: {  	s0 =	rddreg [dreg:$0x0];
	s2 =	stileid.u32  }
0x119: {  	s1 =	rddreg [dreg:$0x1];
	p0 =	sne.s32 s2, $0x0  }
0x11a: {  	s3 =	rddreg [dreg:$0x2];
	[bflag:$0x3] =	sbarrier.arrive $0xFFFF;
	s2 =	simm.s32 @!p0 $0x1C0E  }
0x11b: {  	[timem:s3], [sflag:s2] =	dma.local @!p0 [hbm:s0], s1  }
0x11c: {  	s0 =	simm.s32 @!p0 $0xE  }
0x11d: {  	_ =	swait.ge @!p0 [sflag:s0], s1  }
0x11e: {  	s1 =	ssub.s32 @!p0 $0x0, s1;
	[sflag:s0] =	ssyncset.done @!p0 $0x0  }
0x11f: {  	[sflag:s0] =	ssyncadd.s32 @!p0 s1  }
0x120: {  	[bflag:$0x3] =	sbarrier.arrive $0xFFFF  }
0x121: {  	_ =	shalt  }

</sc_bundles>
